<compile_context>
chip_gen: v7x
topology: tpu7x:2x2x1
jax: 0.10.2.dev20260603
libtpu: 0.0.44.dev20260713+nightly
codegen_flags: <defaults>
</compile_context>

<pallas_src>
import functools

import jax
import jax.numpy as jnp
from jax import lax
from jax.experimental import pallas as pl
from jax.experimental.pallas import tpu as pltpu
from jax.experimental.pallas import tpu_sc as plsc

NC = 2
NS = 16
NW = NC * NS
CHUNK = 128

_PREC = lax.Precision.HIGHEST
_MLP_PREC = lax.Precision.DEFAULT


def _gather_rows(h, src_p, per_w):
    e_pad = src_p.shape[0]
    n, c = h.shape
    mesh = plsc.VectorSubcoreMesh(core_axis_name="c", subcore_axis_name="s")

    @functools.partial(
        pl.kernel,
        out_type=jax.ShapeDtypeStruct((e_pad, c), jnp.float32),
        mesh=mesh,
        scratch_types=[
            pltpu.VMEM((CHUNK, c), jnp.float32),
            pltpu.VMEM((CHUNK, c), jnp.float32),
            pltpu.VMEM((CHUNK,), jnp.int32),
            pltpu.VMEM((CHUNK,), jnp.int32),
            pltpu.SemaphoreType.DMA,
            pltpu.SemaphoreType.DMA,
            pltpu.SemaphoreType.DMA,
            pltpu.SemaphoreType.DMA,
            pltpu.SemaphoreType.DMA,
        ],
    )
    def k(h_hbm, s_hbm, g_hbm, rb0, rb1, ib0, ib1, si0, si1, sg, so0, so1):
        w = lax.axis_index("s") * NC + lax.axis_index("c")
        base = w * per_w * CHUNK
        rb = (rb0, rb1)
        ib = (ib0, ib1)
        si = (si0, si1)
        so = (so0, so1)

        def idx_copy(b, kk):
            return pltpu.make_async_copy(
                s_hbm.at[pl.ds(base + kk * CHUNK, CHUNK)], ib[b], si[b])

        def out_copy(b, kk):
            return pltpu.make_async_copy(
                rb[b], g_hbm.at[pl.ds(base + kk * CHUNK, CHUNK)], so[b])

        idx_copy(0, 0).start()
        idx_copy(1, 1).start()

        @pl.loop(0, per_w, step=2)
        def _(k0):
            for b in range(2):
                kk = k0 + b
                idx_copy(b, kk).wait()

                @pl.when(kk >= 2)
                def _():
                    out_copy(b, kk).wait()

                pltpu.async_copy(h_hbm.at[ib[b]], rb[b], sg).wait()
                out_copy(b, kk).start()

                @pl.when(kk + 2 < per_w)
                def _():
                    idx_copy(b, kk + 2).start()

        out_copy(0, 0).wait()
        out_copy(1, 1).wait()

    return k(h, src_p)


def _segment_add(msg, dst_p, zeros_blk, aggr_rows, per_w):
    e_pad = dst_p.shape[0]
    c_dim = msg.shape[1]
    rpt = aggr_rows // NS
    mesh = plsc.VectorSubcoreMesh(core_axis_name="c", subcore_axis_name="s")

    @functools.partial(
        pl.kernel,
        out_type=jax.ShapeDtypeStruct((2 * aggr_rows, c_dim), jnp.float32),
        mesh=mesh,
        scratch_types=[
            pltpu.VMEM((CHUNK, c_dim), jnp.float32),
            pltpu.VMEM((CHUNK, c_dim), jnp.float32),
            pltpu.VMEM((CHUNK,), jnp.int32),
            pltpu.VMEM((CHUNK,), jnp.int32),
            pltpu.VMEM_SHARED((aggr_rows, c_dim), jnp.float32),
            pltpu.SemaphoreType.DMA,
            pltpu.SemaphoreType.DMA,
            pltpu.SemaphoreType.DMA,
            pltpu.SemaphoreType.DMA,
            pltpu.SemaphoreType.DMA,
        ],
    )
    def k(m_hbm, d_hbm, z_hbm, o_hbm, mb0, mb1, ib0, ib1, acc,
          sm0, sm1, si0, si1, sz):
        cc = lax.axis_index("c")
        ss = lax.axis_index("s")
        w = ss * NC + cc
        base = w * per_w * CHUNK
        r0 = ss * rpt
        pltpu.async_copy(z_hbm, acc.at[pl.ds(r0, rpt)], sz).wait()
        plsc.subcore_barrier()
        mb = (mb0, mb1)
        ib = (ib0, ib1)
        sm = (sm0, sm1)
        si = (si0, si1)

        def msg_copy(b, kk):
            return pltpu.make_async_copy(
                m_hbm.at[pl.ds(base + kk * CHUNK, CHUNK)], mb[b], sm[b])

        def idx_copy(b, kk):
            return pltpu.make_async_copy(
                d_hbm.at[pl.ds(base + kk * CHUNK, CHUNK)], ib[b], si[b])

        msg_copy(0, 0).start()
        idx_copy(0, 0).start()
        msg_copy(1, 1).start()
        idx_copy(1, 1).start()

        @pl.loop(0, per_w, step=2)
        def _(k0):
            for b in range(2):
                kk = k0 + b
                msg_copy(b, kk).wait()
                idx_copy(b, kk).wait()
                pltpu.sync_copy(mb[b], acc.at[ib[b]], add=True)

                @pl.when(kk + 2 < per_w)
                def _():
                    msg_copy(b, kk + 2).start()
                    idx_copy(b, kk + 2).start()

        plsc.subcore_barrier()
        pltpu.sync_copy(acc.at[pl.ds(r0, rpt)],
                        o_hbm.at[pl.ds(cc * aggr_rows + r0, rpt)])

    return k(msg, dst_p, zeros_blk)


def _edge_msg(g, ea0, ea1, wcat):
    e_pad, c = g.shape
    blk = 1024
    grid = e_pad // blk

    def body(g_ref, a0_ref, a1_ref, w_ref, o_ref):
        w = w_ref[...]
        t = (a0_ref[...] * w[0:1, :] + a1_ref[...] * w[1:2, :]) + g_ref[...]
        o_ref[...] = jnp.maximum(t + w[2:3, :], 0.0)

    return pl.pallas_call(
        body,
        grid=(grid,),
        in_specs=[
            pl.BlockSpec((blk, c), lambda i: (i, 0)),
            pl.BlockSpec((blk, 1), lambda i: (i, 0)),
            pl.BlockSpec((blk, 1), lambda i: (i, 0)),
            pl.BlockSpec((8, c), lambda i: (0, 0)),
        ],
        out_specs=pl.BlockSpec((blk, c), lambda i: (i, 0)),
        out_shape=jax.ShapeDtypeStruct((e_pad, c), jnp.float32),
    )(g, ea0, ea1, wcat)


def _bn_relu(t, gamma, beta):
    mu = jnp.mean(t, axis=0, keepdims=True)
    var = jnp.var(t, axis=0, keepdims=True)
    return jnp.maximum((t - mu) / jnp.sqrt(var + 1e-5) * gamma + beta, 0.0)


def _node_mlp(h, aggr, aggr_rows, cp):
    n, c = h.shape
    onep = (1.0 + cp["eps"]).reshape(1, 1).astype(jnp.float32)
    (w1, b1), (w2, b2), (w3, b3) = cp["mlp"]["lins"]
    (g1, be1), (g2, be2) = cp["mlp"]["norms"]

    def body(h_ref, ag_ref, onep_ref, w1_ref, b1_ref, g1_ref, be1_ref,
             w2_ref, b2_ref, g2_ref, be2_ref, w3_ref, b3_ref, o_ref):
        a = ag_ref[0:n, :] + ag_ref[aggr_rows:aggr_rows + n, :]
        u = onep_ref[...] * h_ref[...] + a
        t = jnp.dot(u, w1_ref[...], precision=_MLP_PREC,
                    preferred_element_type=jnp.float32) + b1_ref[...]
        t = _bn_relu(t, g1_ref[...], be1_ref[...])
        t = jnp.dot(t, w2_ref[...], precision=_MLP_PREC,
                    preferred_element_type=jnp.float32) + b2_ref[...]
        t = _bn_relu(t, g2_ref[...], be2_ref[...])
        t = jnp.dot(t, w3_ref[...], precision=_MLP_PREC,
                    preferred_element_type=jnp.float32) + b3_ref[...]
        o_ref[...] = jnp.maximum(t, 0.0)

    return pl.pallas_call(
        body,
        out_shape=jax.ShapeDtypeStruct((n, c), jnp.float32),
    )(h, aggr, onep,
      w1, b1.reshape(1, c), g1.reshape(1, c), be1.reshape(1, c),
      w2, b2.reshape(1, c), g2.reshape(1, c), be2.reshape(1, c),
      w3, b3.reshape(1, c))


def _readout(reps, batch2, bs, ros):
    n, c = reps[0].shape
    flat = []
    for p in ros:
        (w1, b1), (w2, b2), (w3, b3) = p["lins"]
        (g1, be1), (g2, be2) = p["norms"]
        flat += [w1, b1.reshape(1, c), g1.reshape(1, c), be1.reshape(1, c),
                 w2, b2.reshape(1, c), g2.reshape(1, c), be2.reshape(1, c),
                 w3, b3.reshape(1, c)]

    def body(*refs):
        r_refs = refs[:4]
        b_ref = refs[4]
        p_refs = refs[5:5 + 40]
        o_ref = refs[-1]
        ids = b_ref[...]
        oht = (lax.broadcasted_iota(jnp.int32, (bs, n), 0) == ids
               ).astype(jnp.float32)
        acc = None
        for l in range(4):
            pooled = jnp.dot(oht, r_refs[l][...], precision=_PREC,
                             preferred_element_type=jnp.float32)
            pw = p_refs[l * 10:(l + 1) * 10]
            t = jnp.dot(pooled, pw[0][...], precision=_MLP_PREC,
                        preferred_element_type=jnp.float32) + pw[1][...]
            t = _bn_relu(t, pw[2][...], pw[3][...])
            t = jnp.dot(t, pw[4][...], precision=_MLP_PREC,
                        preferred_element_type=jnp.float32) + pw[5][...]
            t = _bn_relu(t, pw[6][...], pw[7][...])
            t = jnp.dot(t, pw[8][...], precision=_MLP_PREC,
                        preferred_element_type=jnp.float32) + pw[9][...]
            acc = t if acc is None else acc + t
        o_ref[...] = acc

    return pl.pallas_call(
        body,
        out_shape=jax.ShapeDtypeStruct((bs, c), jnp.float32),
    )(*reps, batch2, *flat)


def kernel(x, edge_index, edge_attr, batch, batch_size, params):
    n, c = x.shape
    e = edge_index.shape[1]

    per_w = -(-e // (NW * CHUNK))
    per_w += per_w % 2
    e_pad = NW * per_w * CHUNK
    rpt = -(-(-(-n // NS)) // 8) * 8
    aggr_rows = NS * rpt

    src_p = jnp.pad(edge_index[0], (0, e_pad - e))
    dst_p = jnp.pad(edge_index[1], (0, e_pad - e), constant_values=n)
    ea0 = jnp.pad(edge_attr[:, 0:1], ((0, e_pad - e), (0, 0)))
    ea1 = jnp.pad(edge_attr[:, 1:2], ((0, e_pad - e), (0, 0)))
    zeros_blk = jnp.zeros((rpt, c), jnp.float32)
    bs = 64
    batch2 = jnp.minimum(batch, batch_size - 1).reshape(1, n)

    h = x
    reps = [x]
    for cp in params["convs"]:
        we, be = cp["edge_lin"]
        wcat = jnp.zeros((8, c), jnp.float32)
        wcat = wcat.at[0].set(we[0]).at[1].set(we[1]).at[2].set(be)
        g = _gather_rows(h, src_p, per_w)
        msg = _edge_msg(g, ea0, ea1, wcat)
        aggr = _segment_add(msg, dst_p, zeros_blk, aggr_rows, per_w)
        h = _node_mlp(h, aggr, aggr_rows, cp)
        reps.append(h)

    return _readout(reps, batch2, bs, params["readouts"])

# --- scband reference (transcript-rebuilt; emitter-appended) ---
"""Pipeline reference for scband-gin-39187281609360 (READ-ONLY COPY).

The authoritative reference and input builder live on the scoring server;
editing this copy changes nothing except your own understanding.
"""

import jax, jax.numpy as jnp
import numpy as np

N_NODES = 10000
N_EDGES = 320000
IN_C = 128
HID = 128
OUT_C = 128
EDGE_DIM = 2
N_GIN = 3
N_MLP = 2
N_RO = 2
BATCH_SIZE = 64


def _init_linear(key, fan_in, fan_out):
    k1, k2 = jax.random.split(key)
    bound = 1.0 / np.sqrt(fan_in)
    W = jax.random.uniform(k1, (fan_in, fan_out), minval=-bound, maxval=bound, dtype=jnp.float32)
    b = jax.random.uniform(k2, (fan_out,), minval=-bound, maxval=bound, dtype=jnp.float32)
    return (W, b)


def _init_mlp(key, channels):
    lins = []
    norms = []
    for i in range(len(channels) - 1):
        key, sub = jax.random.split(key)
        lins.append(_init_linear(sub, channels[i], channels[i + 1]))
        if i < len(channels) - 2:
            norms.append((jnp.ones((channels[i + 1],), jnp.float32), jnp.zeros((channels[i + 1],), jnp.float32)))
    return {"lins": lins, "norms": norms}


def setup_inputs(seed: int = 0):
    key = jax.random.key(seed)
    ks = jax.random.split(key, 8)
    x = jax.random.normal(ks[0], (N_NODES, IN_C), dtype=jnp.float32)
    edge_index = jax.random.randint(ks[1], (2, N_EDGES), 0, N_NODES, dtype=jnp.int32)
    edge_attr = jax.random.normal(ks[2], (N_EDGES, EDGE_DIM), dtype=jnp.float32)
    batch = jnp.sort(jax.random.randint(ks[3], (N_NODES,), 0, BATCH_SIZE, dtype=jnp.int32))
    convs = []
    for l in range(N_GIN):
        k = jax.random.fold_in(key, 100 + l)
        k1, k2 = jax.random.split(k)
        in_c = IN_C if l == 0 else HID
        channels = [in_c] + [HID] * N_MLP + [HID]
        convs.append({
            "eps": jnp.zeros((), jnp.float32),
            "edge_lin": _init_linear(k1, EDGE_DIM, in_c),
            "mlp": _init_mlp(k2, channels),
        })
    readouts = []
    for l in range(N_GIN + 1):
        k = jax.random.fold_in(key, 200 + l)
        channels = [(IN_C if l == 0 else HID)] + [HID] * N_RO + [OUT_C]
        readouts.append(_init_mlp(k, channels))
    params = {"convs": convs, "readouts": readouts}
    return {"x": x, "edge_index": edge_index, "edge_attr": edge_attr, "batch": batch, "batch_size": BATCH_SIZE, "params": params}


def _mlp_apply(p, h):
    # PyG MLP: Linear -> BatchNorm -> ReLU -> Dropout (dropout off in eval), plain last layer
    n = len(p["lins"])
    for i in range(n):
        W, b = p["lins"][i]
        h = h @ W + b
        if i < n - 1:
            g, be = p["norms"][i]
            mu = jnp.mean(h, axis=0)
            var = jnp.var(h, axis=0)
            h = (h - mu) / jnp.sqrt(var + 1e-5) * g + be
            h = jax.nn.relu(h)
    return h


def _gine_conv(cp, h, edge_index, edge_attr, num_nodes):
    # GINEConv: out = nn((1+eps)*x + sum_{j in N(i)} relu(x_j + lin(edge_attr)))
    src = edge_index[0]
    dst = edge_index[1]
    We, be = cp["edge_lin"]
    ee = edge_attr @ We + be
    msg = jax.nn.relu(h[src] + ee)
    aggr = jax.ops.segment_sum(msg, dst, num_segments=num_nodes)
    return _mlp_apply(cp["mlp"], (1.0 + cp["eps"]) * h + aggr)


def reference(x, edge_index, edge_attr, batch, batch_size, params):
    num_nodes = x.shape[0]
    segment_ids = jnp.minimum(batch, batch_size - 1)
    reps = [x]
    h = x
    for cp in params["convs"]:
        h = jax.nn.relu(_gine_conv(cp, h, edge_index, edge_attr, num_nodes))
        reps.append(h)
    sum_pool = None
    for i in range(len(reps)):
        pooled = jax.ops.segment_sum(reps[i], segment_ids, num_segments=BATCH_SIZE)
        z = _mlp_apply(params["readouts"][i], pooled)
        sum_pool = z if sum_pool is None else sum_pool + z
    return sum_pool

if __name__ == "__main__":
    import jax
    _d = setup_inputs()
    print(jax.jit(kernel)(*tuple(_d.values())))

</pallas_src>

<mosaic_0001>
#map = affine_map<(d0, d1) -> (0, 0)>
#map1 = affine_map<(d0, d1) -> (0)>
module attributes {stable_mosaic.version = 14 : i64} {
  func.func @k(%arg0: i32, %arg1: i32, %arg2: memref<10000x128xf32, #tpu.memory_space<hbm>>, %arg3: memref<327680xi32, #tpu.memory_space<hbm>>, %arg4: memref<327680x128xf32, #tpu.memory_space<hbm>>, %arg5: memref<128x128xf32, #tpu.memory_space<vmem>>, %arg6: memref<128x128xf32, #tpu.memory_space<vmem>>, %arg7: memref<128xi32, #tpu.memory_space<vmem>>, %arg8: memref<128xi32, #tpu.memory_space<vmem>>, %arg9: memref<!tpu.dma_semaphore, #tpu.memory_space<semaphore_mem>>, %arg10: memref<!tpu.dma_semaphore, #tpu.memory_space<semaphore_mem>>, %arg11: memref<!tpu.dma_semaphore, #tpu.memory_space<semaphore_mem>>, %arg12: memref<!tpu.dma_semaphore, #tpu.memory_space<semaphore_mem>>, %arg13: memref<!tpu.dma_semaphore, #tpu.memory_space<semaphore_mem>>) attributes {dimension_semantics = [#tpu.dimension_semantics<core_parallel>, #tpu.dimension_semantics<subcore_parallel>], iteration_bounds = array<i64: 2, 16>, scalar_prefetch = 0 : i64, scratch_operands = 9 : i64, tpu.core_type = #tpu.core_type<sc_vector_subcore>, window_params = [{transform_indices = #map}, {transform_indices = #map1}, {transform_indices = #map}]} {
    %mul3A = arith.constant 2 : i32
    %mul3A_0 = arith.muli %arg1, %mul3A : i32
    %add3A = arith.addi %mul3A_0, %arg0 : i32
    %mul3A_1 = arith.constant 80 : i32
    %mul3A_2 = arith.muli %add3A, %mul3A_1 : i32
    %mul3A_3 = arith.constant 128 : i32
    %mul3A_4 = arith.muli %mul3A_2, %mul3A_3 : i32
    %add3A_5 = arith.constant 0 : i32
    %add3A_6 = arith.addi %mul3A_4, %add3A_5 : i32
    %dma_start3A = tpu.memref_slice %arg3[%add3A_6] : memref<327680xi32, #tpu.memory_space<hbm>> -> memref<128xi32, #tpu.memory_space<hbm>>
    %dma_start3A_7 = tpu.memref_slice %arg3[%add3A_6] : memref<327680xi32, #tpu.memory_space<hbm>> -> memref<128xi32, #tpu.memory_space<hbm>>
    tpu.enqueue_dma source(%dma_start3A_7 : memref<128xi32, #tpu.memory_space<hbm>>) target(%arg7 : memref<128xi32, #tpu.memory_space<vmem>>) target_semaphore(%arg9 : memref<!tpu.dma_semaphore, #tpu.memory_space<semaphore_mem>>)
    %add3A_8 = arith.constant 128 : i32
    %add3A_9 = arith.addi %mul3A_4, %add3A_8 : i32
    %dma_start3A_10 = tpu.memref_slice %arg3[%add3A_9] : memref<327680xi32, #tpu.memory_space<hbm>> -> memref<128xi32, #tpu.memory_space<hbm>>
    %dma_start3A_11 = tpu.memref_slice %arg3[%add3A_9] : memref<327680xi32, #tpu.memory_space<hbm>> -> memref<128xi32, #tpu.memory_space<hbm>>
    tpu.enqueue_dma source(%dma_start3A_11 : memref<128xi32, #tpu.memory_space<hbm>>) target(%arg8 : memref<128xi32, #tpu.memory_space<vmem>>) target_semaphore(%arg10 : memref<!tpu.dma_semaphore, #tpu.memory_space<semaphore_mem>>)
    %scan3A = arith.constant 0 : i32
    %scan3A_12 = arith.constant 40 : i32
    %scan3A_13 = arith.addi %scan3A, %scan3A_12 : i32
    %scan3A_14 = arith.constant 1 : i32
    scf.for %scan3A_27 = %scan3A to %scan3A_13 step %scan3A_14  : i32 {
      %mul3A_28 = arith.constant 2 : i32
      %mul3A_29 = arith.muli %scan3A_27, %mul3A_28 : i32
      %add3A_30 = arith.constant 0 : i32
      %add3A_31 = arith.addi %add3A_30, %mul3A_29 : i32
      %add3A_32 = arith.constant 0 : i32
      %add3A_33 = arith.addi %add3A_31, %add3A_32 : i32
      %mul3A_34 = arith.constant 128 : i32
      %mul3A_35 = arith.muli %add3A_33, %mul3A_34 : i32
      %add3A_36 = arith.addi %mul3A_4, %mul3A_35 : i32
      %dma_wait3A_37 = tpu.memref_slice %arg3[%add3A_36] : memref<327680xi32, #tpu.memory_space<hbm>> -> memref<128xi32, #tpu.memory_space<hbm>>
      %dma_wait3A_38 = tpu.memref_slice %arg3[%add3A_36] : memref<327680xi32, #tpu.memory_space<hbm>> -> memref<128xi32, #tpu.memory_space<hbm>>
      tpu.wait_dma2 semaphore(%arg9 : memref<!tpu.dma_semaphore, #tpu.memory_space<semaphore_mem>>) src(%dma_wait3A_38 : memref<128xi32, #tpu.memory_space<hbm>>) dst(%arg7 : memref<128xi32, #tpu.memory_space<vmem>>)
      %ge3A = arith.constant 2 : i32
      %ge3A_39 = arith.cmpi sge, %add3A_33, %ge3A : i32
      %convert_element_type3A = arith.extui %ge3A_39 : i1 to i32
      %cond3A = arith.constant 0 : i32
      %cond3A_40 = arith.cmpi ne, %convert_element_type3A, %cond3A : i32
      scf.if %cond3A_40 {
        %mul3A_92 = arith.constant 128 : i32
        %mul3A_93 = arith.muli %add3A_33, %mul3A_92 : i32
        %add3A_94 = arith.addi %mul3A_4, %mul3A_93 : i32
        %dma_wait3A_95 = arith.constant 0 : i32
        %dma_wait3A_96 = tpu.memref_slice %arg4[%add3A_94, %dma_wait3A_95] : memref<327680x128xf32, #tpu.memory_space<hbm>> -> memref<128x128xf32, #tpu.memory_space<hbm>>
        %dma_wait3A_97 = arith.constant 0 : i32
        %dma_wait3A_98 = tpu.memref_slice %arg4[%add3A_94, %dma_wait3A_97] : memref<327680x128xf32, #tpu.memory_space<hbm>> -> memref<128x128xf32, #tpu.memory_space<hbm>>
        tpu.wait_dma2 semaphore(%arg12 : memref<!tpu.dma_semaphore, #tpu.memory_space<semaphore_mem>>) src(%arg5 : memref<128x128xf32, #tpu.memory_space<vmem>>) dst(%dma_wait3A_98 : memref<128x128xf32, #tpu.memory_space<hbm>>)
      } else {
      }
      %dma_start3A_41 = arith.constant 0 : i32
      %dma_start3A_42 = arith.constant 0 : i32
      %dma_start3A_43 = tpu.memref_slice %arg2[%dma_start3A_41, %dma_start3A_42] : memref<10000x128xf32, #tpu.memory_space<hbm>> -> memref<10000x128xf32, #tpu.memory_space<hbm>>
      tpu.enqueue_indirect_dma source(%dma_start3A_43 : memref<10000x128xf32, #tpu.memory_space<hbm>>) target(%arg5 : memref<128x128xf32, #tpu.memory_space<vmem>>) offsets(%arg7 : memref<128xi32, #tpu.memory_space<vmem>>) semaphore(%arg11 : memref<!tpu.dma_semaphore, #tpu.memory_space<semaphore_mem>>)
      %dma_wait3A_44 = arith.constant 0 : i32
      %dma_wait3A_45 = arith.constant 0 : i32
      %dma_wait3A_46 = tpu.memref_slice %arg2[%dma_wait3A_44, %dma_wait3A_45] : memref<10000x128xf32, #tpu.memory_space<hbm>> -> memref<10000x128xf32, #tpu.memory_space<hbm>>
      tpu.wait_indirect_dma semaphore(%arg11 : memref<!tpu.dma_semaphore, #tpu.memory_space<semaphore_mem>>) src(%dma_wait3A_46 : memref<10000x128xf32, #tpu.memory_space<hbm>>) dst(%arg5 : memref<128x128xf32, #tpu.memory_space<vmem>>)
      %mul3A_47 = arith.constant 128 : i32
      %mul3A_48 = arith.muli %add3A_33, %mul3A_47 : i32
      %add3A_49 = arith.addi %mul3A_4, %mul3A_48 : i32
      %dma_start3A_50 = arith.constant 0 : i32
      %dma_start3A_51 = tpu.memref_slice %arg4[%add3A_49, %dma_start3A_50] : memref<327680x128xf32, #tpu.memory_space<hbm>> -> memref<128x128xf32, #tpu.memory_space<hbm>>
      %dma_start3A_52 = arith.constant 0 : i32
      %dma_start3A_53 = tpu.memref_slice %arg4[%add3A_49, %dma_start3A_52] : memref<327680x128xf32, #tpu.memory_space<hbm>> -> memref<128x128xf32, #tpu.memory_space<hbm>>
      tpu.enqueue_dma source(%arg5 : memref<128x128xf32, #tpu.memory_space<vmem>>) target(%dma_start3A_53 : memref<128x128xf32, #tpu.memory_space<hbm>>) target_semaphore(%arg12 : memref<!tpu.dma_semaphore, #tpu.memory_space<semaphore_mem>>)
      %add3A_54 = arith.constant 2 : i32
      %add3A_55 = arith.addi %add3A_33, %add3A_54 : i32
      %lt3A = arith.constant 80 : i32
      %lt3A_56 = arith.cmpi slt, %add3A_55, %lt3A : i32
      %convert_element_type3A_57 = arith.extui %lt3A_56 : i1 to i32
      %cond3A_58 = arith.constant 0 : i32
      %cond3A_59 = arith.cmpi ne, %convert_element_type3A_57, %cond3A_58 : i32
      scf.if %cond3A_59 {
        %add3A_92 = arith.constant 2 : i32
        %add3A_93 = arith.addi %add3A_33, %add3A_92 : i32
        %mul3A_94 = arith.constant 128 : i32
        %mul3A_95 = arith.muli %add3A_93, %mul3A_94 : i32
        %add3A_96 = arith.addi %mul3A_4, %mul3A_95 : i32
        %dma_start3A_97 = tpu.memref_slice %arg3[%add3A_96] : memref<327680xi32, #tpu.memory_space<hbm>> -> memref<128xi32, #tpu.memory_space<hbm>>
        %dma_start3A_98 = tpu.memref_slice %arg3[%add3A_96] : memref<327680xi32, #tpu.memory_space<hbm>> -> memref<128xi32, #tpu.memory_space<hbm>>
        tpu.enqueue_dma source(%dma_start3A_98 : memref<128xi32, #tpu.memory_space<hbm>>) target(%arg7 : memref<128xi32, #tpu.memory_space<vmem>>) target_semaphore(%arg9 : memref<!tpu.dma_semaphore, #tpu.memory_space<semaphore_mem>>)
      } else {
      }
      %add3A_60 = arith.constant 1 : i32
      %add3A_61 = arith.addi %add3A_31, %add3A_60 : i32
      %mul3A_62 = arith.constant 128 : i32
      %mul3A_63 = arith.muli %add3A_61, %mul3A_62 : i32
      %add3A_64 = arith.addi %mul3A_4, %mul3A_63 : i32
      %dma_wait3A_65 = tpu.memref_slice %arg3[%add3A_64] : memref<327680xi32, #tpu.memory_space<hbm>> -> memref<128xi32, #tpu.memory_space<hbm>>
      %dma_wait3A_66 = tpu.memref_slice %arg3[%add3A_64] : memref<327680xi32, #tpu.memory_space<hbm>> -> memref<128xi32, #tpu.memory_space<hbm>>
      tpu.wait_dma2 semaphore(%arg10 : memref<!tpu.dma_semaphore, #tpu.memory_space<semaphore_mem>>) src(%dma_wait3A_66 : memref<128xi32, #tpu.memory_space<hbm>>) dst(%arg8 : memref<128xi32, #tpu.memory_space<vmem>>)
      %ge3A_67 = arith.constant 2 : i32
      %ge3A_68 = arith.cmpi sge, %add3A_61, %ge3A_67 : i32
      %convert_element_type3A_69 = arith.extui %ge3A_68 : i1 to i32
      %cond3A_70 = arith.constant 0 : i32
      %cond3A_71 = arith.cmpi ne, %convert_element_type3A_69, %cond3A_70 : i32
      scf.if %cond3A_71 {
        %mul3A_92 = arith.constant 128 : i32
        %mul3A_93 = arith.muli %add3A_61, %mul3A_92 : i32
        %add3A_94 = arith.addi %mul3A_4, %mul3A_93 : i32
        %dma_wait3A_95 = arith.constant 0 : i32
        %dma_wait3A_96 = tpu.memref_slice %arg4[%add3A_94, %dma_wait3A_95] : memref<327680x128xf32, #tpu.memory_space<hbm>> -> memref<128x128xf32, #tpu.memory_space<hbm>>
        %dma_wait3A_97 = arith.constant 0 : i32
        %dma_wait3A_98 = tpu.memref_slice %arg4[%add3A_94, %dma_wait3A_97] : memref<327680x128xf32, #tpu.memory_space<hbm>> -> memref<128x128xf32, #tpu.memory_space<hbm>>
        tpu.wait_dma2 semaphore(%arg13 : memref<!tpu.dma_semaphore, #tpu.memory_space<semaphore_mem>>) src(%arg6 : memref<128x128xf32, #tpu.memory_space<vmem>>) dst(%dma_wait3A_98 : memref<128x128xf32, #tpu.memory_space<hbm>>)
      } else {
      }
      %dma_start3A_72 = arith.constant 0 : i32
      %dma_start3A_73 = arith.constant 0 : i32
      %dma_start3A_74 = tpu.memref_slice %arg2[%dma_start3A_72, %dma_start3A_73] : memref<10000x128xf32, #tpu.memory_space<hbm>> -> memref<10000x128xf32, #tpu.memory_space<hbm>>
      tpu.enqueue_indirect_dma source(%dma_start3A_74 : memref<10000x128xf32, #tpu.memory_space<hbm>>) target(%arg6 : memref<128x128xf32, #tpu.memory_space<vmem>>) offsets(%arg8 : memref<128xi32, #tpu.memory_space<vmem>>) semaphore(%arg11 : memref<!tpu.dma_semaphore, #tpu.memory_space<semaphore_mem>>)
      %dma_wait3A_75 = arith.constant 0 : i32
      %dma_wait3A_76 = arith.constant 0 : i32
      %dma_wait3A_77 = tpu.memref_slice %arg2[%dma_wait3A_75, %dma_wait3A_76] : memref<10000x128xf32, #tpu.memory_space<hbm>> -> memref<10000x128xf32, #tpu.memory_space<hbm>>
      tpu.wait_indirect_dma semaphore(%arg11 : memref<!tpu.dma_semaphore, #tpu.memory_space<semaphore_mem>>) src(%dma_wait3A_77 : memref<10000x128xf32, #tpu.memory_space<hbm>>) dst(%arg6 : memref<128x128xf32, #tpu.memory_space<vmem>>)
      %mul3A_78 = arith.constant 128 : i32
      %mul3A_79 = arith.muli %add3A_61, %mul3A_78 : i32
      %add3A_80 = arith.addi %mul3A_4, %mul3A_79 : i32
      %dma_start3A_81 = arith.constant 0 : i32
      %dma_start3A_82 = tpu.memref_slice %arg4[%add3A_80, %dma_start3A_81] : memref<327680x128xf32, #tpu.memory_space<hbm>> -> memref<128x128xf32, #tpu.memory_space<hbm>>
      %dma_start3A_83 = arith.constant 0 : i32
      %dma_start3A_84 = tpu.memref_slice %arg4[%add3A_80, %dma_start3A_83] : memref<327680x128xf32, #tpu.memory_space<hbm>> -> memref<128x128xf32, #tpu.memory_space<hbm>>
      tpu.enqueue_dma source(%arg6 : memref<128x128xf32, #tpu.memory_space<vmem>>) target(%dma_start3A_84 : memref<128x128xf32, #tpu.memory_space<hbm>>) target_semaphore(%arg13 : memref<!tpu.dma_semaphore, #tpu.memory_space<semaphore_mem>>)
      %add3A_85 = arith.constant 2 : i32
      %add3A_86 = arith.addi %add3A_61, %add3A_85 : i32
      %lt3A_87 = arith.constant 80 : i32
      %lt3A_88 = arith.cmpi slt, %add3A_86, %lt3A_87 : i32
      %convert_element_type3A_89 = arith.extui %lt3A_88 : i1 to i32
      %cond3A_90 = arith.constant 0 : i32
      %cond3A_91 = arith.cmpi ne, %convert_element_type3A_89, %cond3A_90 : i32
      scf.if %cond3A_91 {
        %add3A_92 = arith.constant 2 : i32
        %add3A_93 = arith.addi %add3A_61, %add3A_92 : i32
        %mul3A_94 = arith.constant 128 : i32
        %mul3A_95 = arith.muli %add3A_93, %mul3A_94 : i32
        %add3A_96 = arith.addi %mul3A_4, %mul3A_95 : i32
        %dma_start3A_97 = tpu.memref_slice %arg3[%add3A_96] : memref<327680xi32, #tpu.memory_space<hbm>> -> memref<128xi32, #tpu.memory_space<hbm>>
        %dma_start3A_98 = tpu.memref_slice %arg3[%add3A_96] : memref<327680xi32, #tpu.memory_space<hbm>> -> memref<128xi32, #tpu.memory_space<hbm>>
        tpu.enqueue_dma source(%dma_start3A_98 : memref<128xi32, #tpu.memory_space<hbm>>) target(%arg8 : memref<128xi32, #tpu.memory_space<vmem>>) target_semaphore(%arg10 : memref<!tpu.dma_semaphore, #tpu.memory_space<semaphore_mem>>)
      } else {
      }
    }
    %scan3A_15 = arith.constant 40 : i32
    %add3A_16 = arith.constant 0 : i32
    %add3A_17 = arith.addi %mul3A_4, %add3A_16 : i32
    %dma_wait3A = arith.constant 0 : i32
    %dma_wait3A_18 = tpu.memref_slice %arg4[%add3A_17, %dma_wait3A] : memref<327680x128xf32, #tpu.memory_space<hbm>> -> memref<128x128xf32, #tpu.memory_space<hbm>>
    %dma_wait3A_19 = arith.constant 0 : i32
    %dma_wait3A_20 = tpu.memref_slice %arg4[%add3A_17, %dma_wait3A_19] : memref<327680x128xf32, #tpu.memory_space<hbm>> -> memref<128x128xf32, #tpu.memory_space<hbm>>
    tpu.wait_dma2 semaphore(%arg12 : memref<!tpu.dma_semaphore, #tpu.memory_space<semaphore_mem>>) src(%arg5 : memref<128x128xf32, #tpu.memory_space<vmem>>) dst(%dma_wait3A_20 : memref<128x128xf32, #tpu.memory_space<hbm>>)
    %add3A_21 = arith.constant 128 : i32
    %add3A_22 = arith.addi %mul3A_4, %add3A_21 : i32
    %dma_wait3A_23 = arith.constant 0 : i32
    %dma_wait3A_24 = tpu.memref_slice %arg4[%add3A_22, %dma_wait3A_23] : memref<327680x128xf32, #tpu.memory_space<hbm>> -> memref<128x128xf32, #tpu.memory_space<hbm>>
    %dma_wait3A_25 = arith.constant 0 : i32
    %dma_wait3A_26 = tpu.memref_slice %arg4[%add3A_22, %dma_wait3A_25] : memref<327680x128xf32, #tpu.memory_space<hbm>> -> memref<128x128xf32, #tpu.memory_space<hbm>>
    tpu.wait_dma2 semaphore(%arg13 : memref<!tpu.dma_semaphore, #tpu.memory_space<semaphore_mem>>) src(%arg6 : memref<128x128xf32, #tpu.memory_space<vmem>>) dst(%dma_wait3A_26 : memref<128x128xf32, #tpu.memory_space<hbm>>)
    return
  }
}

#map = affine_map<(d0, d1) -> (0, 0)>
#map1 = affine_map<(d0, d1) -> (0)>
module attributes {stable_mosaic.version = 14 : i64} {
  func.func @k(%arg0: i32, %arg1: i32, %arg2: memref<327680x128xf32, #tpu.memory_space<hbm>>, %arg3: memref<327680xi32, #tpu.memory_space<hbm>>, %arg4: memref<632x128xf32, #tpu.memory_space<hbm>>, %arg5: memref<20224x128xf32, #tpu.memory_space<hbm>>, %arg6: memref<128x128xf32, #tpu.memory_space<vmem>>, %arg7: memref<128x128xf32, #tpu.memory_space<vmem>>, %arg8: memref<128xi32, #tpu.memory_space<vmem>>, %arg9: memref<128xi32, #tpu.memory_space<vmem>>, %arg10: memref<10112x128xf32, #tpu.memory_space<vmem_shared>>, %arg11: memref<!tpu.dma_semaphore, #tpu.memory_space<semaphore_mem>>, %arg12: memref<!tpu.dma_semaphore, #tpu.memory_space<semaphore_mem>>, %arg13: memref<!tpu.dma_semaphore, #tpu.memory_space<semaphore_mem>>, %arg14: memref<!tpu.dma_semaphore, #tpu.memory_space<semaphore_mem>>, %arg15: memref<!tpu.dma_semaphore, #tpu.memory_space<semaphore_mem>>) attributes {dimension_semantics = [#tpu.dimension_semantics<core_parallel>, #tpu.dimension_semantics<subcore_parallel>], iteration_bounds = array<i64: 2, 16>, scalar_prefetch = 0 : i64, scratch_operands = 10 : i64, tpu.core_type = #tpu.core_type<sc_vector_subcore>, window_params = [{transform_indices = #map}, {transform_indices = #map1}, {transform_indices = #map}, {transform_indices = #map}]} {
    %mul3A = arith.constant 2 : i32
    %mul3A_0 = arith.muli %arg1, %mul3A : i32
    %add3A = arith.addi %mul3A_0, %arg0 : i32
    %mul3A_1 = arith.constant 80 : i32
    %mul3A_2 = arith.muli %add3A, %mul3A_1 : i32
    %mul3A_3 = arith.constant 128 : i32
    %mul3A_4 = arith.muli %mul3A_2, %mul3A_3 : i32
    %mul3A_5 = arith.constant 632 : i32
    %mul3A_6 = arith.muli %arg1, %mul3A_5 : i32
    %dma_start3A = arith.constant 0 : i32
    %dma_start3A_7 = tpu.memref_slice %arg10[%mul3A_6, %dma_start3A] : memref<10112x128xf32, #tpu.memory_space<vmem_shared>> -> memref<632x128xf32, #tpu.memory_space<vmem_shared>>
    tpu.enqueue_dma source(%arg4 : memref<632x128xf32, #tpu.memory_space<hbm>>) target(%dma_start3A_7 : memref<632x128xf32, #tpu.memory_space<vmem_shared>>) target_semaphore(%arg15 : memref<!tpu.dma_semaphore, #tpu.memory_space<semaphore_mem>>)
    %dma_wait3A = arith.constant 0 : i32
    %dma_wait3A_8 = tpu.memref_slice %arg10[%mul3A_6, %dma_wait3A] : memref<10112x128xf32, #tpu.memory_space<vmem_shared>> -> memref<632x128xf32, #tpu.memory_space<vmem_shared>>
    tpu.wait_dma2 semaphore(%arg15 : memref<!tpu.dma_semaphore, #tpu.memory_space<semaphore_mem>>) src(%arg4 : memref<632x128xf32, #tpu.memory_space<hbm>>) dst(%dma_wait3A_8 : memref<632x128xf32, #tpu.memory_space<vmem_shared>>)
    %barrier3A = arith.constant 0 : index
    tpu.barrier barrier_id(%barrier3A)
    %add3A_9 = arith.constant 0 : i32
    %add3A_10 = arith.addi %mul3A_4, %add3A_9 : i32
    %dma_start3A_11 = arith.constant 0 : i32
    %dma_start3A_12 = tpu.memref_slice %arg2[%add3A_10, %dma_start3A_11] : memref<327680x128xf32, #tpu.memory_space<hbm>> -> memref<128x128xf32, #tpu.memory_space<hbm>>
    %dma_start3A_13 = arith.constant 0 : i32
    %dma_start3A_14 = tpu.memref_slice %arg2[%add3A_10, %dma_start3A_13] : memref<327680x128xf32, #tpu.memory_space<hbm>> -> memref<128x128xf32, #tpu.memory_space<hbm>>
    tpu.enqueue_dma source(%dma_start3A_14 : memref<128x128xf32, #tpu.memory_space<hbm>>) target(%arg6 : memref<128x128xf32, #tpu.memory_space<vmem>>) target_semaphore(%arg11 : memref<!tpu.dma_semaphore, #tpu.memory_space<semaphore_mem>>)
    %add3A_15 = arith.constant 0 : i32
    %add3A_16 = arith.addi %mul3A_4, %add3A_15 : i32
    %dma_start3A_17 = tpu.memref_slice %arg3[%add3A_16] : memref<327680xi32, #tpu.memory_space<hbm>> -> memref<128xi32, #tpu.memory_space<hbm>>
    %dma_start3A_18 = tpu.memref_slice %arg3[%add3A_16] : memref<327680xi32, #tpu.memory_space<hbm>> -> memref<128xi32, #tpu.memory_space<hbm>>
    tpu.enqueue_dma source(%dma_start3A_18 : memref<128xi32, #tpu.memory_space<hbm>>) target(%arg8 : memref<128xi32, #tpu.memory_space<vmem>>) target_semaphore(%arg13 : memref<!tpu.dma_semaphore, #tpu.memory_space<semaphore_mem>>)
    %add3A_19 = arith.constant 128 : i32
    %add3A_20 = arith.addi %mul3A_4, %add3A_19 : i32
    %dma_start3A_21 = arith.constant 0 : i32
    %dma_start3A_22 = tpu.memref_slice %arg2[%add3A_20, %dma_start3A_21] : memref<327680x128xf32, #tpu.memory_space<hbm>> -> memref<128x128xf32, #tpu.memory_space<hbm>>
    %dma_start3A_23 = arith.constant 0 : i32
    %dma_start3A_24 = tpu.memref_slice %arg2[%add3A_20, %dma_start3A_23] : memref<327680x128xf32, #tpu.memory_space<hbm>> -> memref<128x128xf32, #tpu.memory_space<hbm>>
    tpu.enqueue_dma source(%dma_start3A_24 : memref<128x128xf32, #tpu.memory_space<hbm>>) target(%arg7 : memref<128x128xf32, #tpu.memory_space<vmem>>) target_semaphore(%arg12 : memref<!tpu.dma_semaphore, #tpu.memory_space<semaphore_mem>>)
    %add3A_25 = arith.constant 128 : i32
    %add3A_26 = arith.addi %mul3A_4, %add3A_25 : i32
    %dma_start3A_27 = tpu.memref_slice %arg3[%add3A_26] : memref<327680xi32, #tpu.memory_space<hbm>> -> memref<128xi32, #tpu.memory_space<hbm>>
    %dma_start3A_28 = tpu.memref_slice %arg3[%add3A_26] : memref<327680xi32, #tpu.memory_space<hbm>> -> memref<128xi32, #tpu.memory_space<hbm>>
    tpu.enqueue_dma source(%dma_start3A_28 : memref<128xi32, #tpu.memory_space<hbm>>) target(%arg9 : memref<128xi32, #tpu.memory_space<vmem>>) target_semaphore(%arg14 : memref<!tpu.dma_semaphore, #tpu.memory_space<semaphore_mem>>)
    %scan3A = arith.constant 0 : i32
    %scan3A_29 = arith.constant 40 : i32
    %scan3A_30 = arith.addi %scan3A, %scan3A_29 : i32
    %scan3A_31 = arith.constant 1 : i32
    scf.for %scan3A_37 = %scan3A to %scan3A_30 step %scan3A_31  : i32 {
      %mul3A_38 = arith.constant 2 : i32
      %mul3A_39 = arith.muli %scan3A_37, %mul3A_38 : i32
      %add3A_40 = arith.constant 0 : i32
      %add3A_41 = arith.addi %add3A_40, %mul3A_39 : i32
      %add3A_42 = arith.constant 0 : i32
      %add3A_43 = arith.addi %add3A_41, %add3A_42 : i32
      %mul3A_44 = arith.constant 128 : i32
      %mul3A_45 = arith.muli %add3A_43, %mul3A_44 : i32
      %add3A_46 = arith.addi %mul3A_4, %mul3A_45 : i32
      %dma_wait3A_47 = arith.constant 0 : i32
      %dma_wait3A_48 = tpu.memref_slice %arg2[%add3A_46, %dma_wait3A_47] : memref<327680x128xf32, #tpu.memory_space<hbm>> -> memref<128x128xf32, #tpu.memory_space<hbm>>
      %dma_wait3A_49 = arith.constant 0 : i32
      %dma_wait3A_50 = tpu.memref_slice %arg2[%add3A_46, %dma_wait3A_49] : memref<327680x128xf32, #tpu.memory_space<hbm>> -> memref<128x128xf32, #tpu.memory_space<hbm>>
      tpu.wait_dma2 semaphore(%arg11 : memref<!tpu.dma_semaphore, #tpu.memory_space<semaphore_mem>>) src(%dma_wait3A_50 : memref<128x128xf32, #tpu.memory_space<hbm>>) dst(%arg6 : memref<128x128xf32, #tpu.memory_space<vmem>>)
      %mul3A_51 = arith.constant 128 : i32
      %mul3A_52 = arith.muli %add3A_43, %mul3A_51 : i32
      %add3A_53 = arith.addi %mul3A_4, %mul3A_52 : i32
      %dma_wait3A_54 = tpu.memref_slice %arg3[%add3A_53] : memref<327680xi32, #tpu.memory_space<hbm>> -> memref<128xi32, #tpu.memory_space<hbm>>
      %dma_wait3A_55 = tpu.memref_slice %arg3[%add3A_53] : memref<327680xi32, #tpu.memory_space<hbm>> -> memref<128xi32, #tpu.memory_space<hbm>>
      tpu.wait_dma2 semaphore(%arg13 : memref<!tpu.dma_semaphore, #tpu.memory_space<semaphore_mem>>) src(%dma_wait3A_55 : memref<128xi32, #tpu.memory_space<hbm>>) dst(%arg8 : memref<128xi32, #tpu.memory_space<vmem>>)
      "tpu.region"() ({
        %run_scoped3A = tpu.sem_alloc : memref<!tpu.dma_semaphore, #tpu.memory_space<semaphore_mem>>
        %dma_start3A_81 = arith.constant 0 : i32
        %dma_start3A_82 = arith.constant 0 : i32
        %dma_start3A_83 = tpu.memref_slice %arg10[%dma_start3A_81, %dma_start3A_82] : memref<10112x128xf32, #tpu.memory_space<vmem_shared>> -> memref<10112x128xf32, #tpu.memory_space<vmem_shared>>
        tpu.enqueue_indirect_dma source(%arg6 : memref<128x128xf32, #tpu.memory_space<vmem>>) target(%dma_start3A_83 : memref<10112x128xf32, #tpu.memory_space<vmem_shared>>) offsets(%arg8 : memref<128xi32, #tpu.memory_space<vmem>>) semaphore(%run_scoped3A : memref<!tpu.dma_semaphore, #tpu.memory_space<semaphore_mem>>) {add = true}
        %dma_wait3A_84 = arith.constant 0 : i32
        %dma_wait3A_85 = arith.constant 0 : i32
        %dma_wait3A_86 = tpu.memref_slice %arg10[%dma_wait3A_84, %dma_wait3A_85] : memref<10112x128xf32, #tpu.memory_space<vmem_shared>> -> memref<10112x128xf32, #tpu.memory_space<vmem_shared>>
        tpu.wait_indirect_dma semaphore(%run_scoped3A : memref<!tpu.dma_semaphore, #tpu.memory_space<semaphore_mem>>) src(%arg6 : memref<128x128xf32, #tpu.memory_space<vmem>>) dst(%dma_wait3A_86 : memref<10112x128xf32, #tpu.memory_space<vmem_shared>>)
        tpu.yield
      }) : () -> ()
      %add3A_56 = arith.constant 2 : i32
      %add3A_57 = arith.addi %add3A_43, %add3A_56 : i32
      %lt3A = arith.constant 80 : i32
      %lt3A_58 = arith.cmpi slt, %add3A_57, %lt3A : i32
      %convert_element_type3A = arith.extui %lt3A_58 : i1 to i32
      %cond3A = arith.constant 0 : i32
      %cond3A_59 = arith.cmpi ne, %convert_element_type3A, %cond3A : i32
      scf.if %cond3A_59 {
        %add3A_81 = arith.constant 2 : i32
        %add3A_82 = arith.addi %add3A_43, %add3A_81 : i32
        %mul3A_83 = arith.constant 128 : i32
        %mul3A_84 = arith.muli %add3A_82, %mul3A_83 : i32
        %add3A_85 = arith.addi %mul3A_4, %mul3A_84 : i32
        %dma_start3A_86 = arith.constant 0 : i32
        %dma_start3A_87 = tpu.memref_slice %arg2[%add3A_85, %dma_start3A_86] : memref<327680x128xf32, #tpu.memory_space<hbm>> -> memref<128x128xf32, #tpu.memory_space<hbm>>
        %dma_start3A_88 = arith.constant 0 : i32
        %dma_start3A_89 = tpu.memref_slice %arg2[%add3A_85, %dma_start3A_88] : memref<327680x128xf32, #tpu.memory_space<hbm>> -> memref<128x128xf32, #tpu.memory_space<hbm>>
        tpu.enqueue_dma source(%dma_start3A_89 : memref<128x128xf32, #tpu.memory_space<hbm>>) target(%arg6 : memref<128x128xf32, #tpu.memory_space<vmem>>) target_semaphore(%arg11 : memref<!tpu.dma_semaphore, #tpu.memory_space<semaphore_mem>>)
        %add3A_90 = arith.constant 2 : i32
        %add3A_91 = arith.addi %add3A_43, %add3A_90 : i32
        %mul3A_92 = arith.constant 128 : i32
        %mul3A_93 = arith.muli %add3A_91, %mul3A_92 : i32
        %add3A_94 = arith.addi %mul3A_4, %mul3A_93 : i32
        %dma_start3A_95 = tpu.memref_slice %arg3[%add3A_94] : memref<327680xi32, #tpu.memory_space<hbm>> -> memref<128xi32, #tpu.memory_space<hbm>>
        %dma_start3A_96 = tpu.memref_slice %arg3[%add3A_94] : memref<327680xi32, #tpu.memory_space<hbm>> -> memref<128xi32, #tpu.memory_space<hbm>>
        tpu.enqueue_dma source(%dma_start3A_96 : memref<128xi32, #tpu.memory_space<hbm>>) target(%arg8 : memref<128xi32, #tpu.memory_space<vmem>>) target_semaphore(%arg13 : memref<!tpu.dma_semaphore, #tpu.memory_space<semaphore_mem>>)
      } else {
      }
      %add3A_60 = arith.constant 1 : i32
      %add3A_61 = arith.addi %add3A_41, %add3A_60 : i32
      %mul3A_62 = arith.constant 128 : i32
      %mul3A_63 = arith.muli %add3A_61, %mul3A_62 : i32
      %add3A_64 = arith.addi %mul3A_4, %mul3A_63 : i32
      %dma_wait3A_65 = arith.constant 0 : i32
      %dma_wait3A_66 = tpu.memref_slice %arg2[%add3A_64, %dma_wait3A_65] : memref<327680x128xf32, #tpu.memory_space<hbm>> -> memref<128x128xf32, #tpu.memory_space<hbm>>
      %dma_wait3A_67 = arith.constant 0 : i32
      %dma_wait3A_68 = tpu.memref_slice %arg2[%add3A_64, %dma_wait3A_67] : memref<327680x128xf32, #tpu.memory_space<hbm>> -> memref<128x128xf32, #tpu.memory_space<hbm>>
      tpu.wait_dma2 semaphore(%arg12 : memref<!tpu.dma_semaphore, #tpu.memory_space<semaphore_mem>>) src(%dma_wait3A_68 : memref<128x128xf32, #tpu.memory_space<hbm>>) dst(%arg7 : memref<128x128xf32, #tpu.memory_space<vmem>>)
      %mul3A_69 = arith.constant 128 : i32
      %mul3A_70 = arith.muli %add3A_61, %mul3A_69 : i32
      %add3A_71 = arith.addi %mul3A_4, %mul3A_70 : i32
      %dma_wait3A_72 = tpu.memref_slice %arg3[%add3A_71] : memref<327680xi32, #tpu.memory_space<hbm>> -> memref<128xi32, #tpu.memory_space<hbm>>
      %dma_wait3A_73 = tpu.memref_slice %arg3[%add3A_71] : memref<327680xi32, #tpu.memory_space<hbm>> -> memref<128xi32, #tpu.memory_space<hbm>>
      tpu.wait_dma2 semaphore(%arg14 : memref<!tpu.dma_semaphore, #tpu.memory_space<semaphore_mem>>) src(%dma_wait3A_73 : memref<128xi32, #tpu.memory_space<hbm>>) dst(%arg9 : memref<128xi32, #tpu.memory_space<vmem>>)
      "tpu.region"() ({
        %run_scoped3A = tpu.sem_alloc : memref<!tpu.dma_semaphore, #tpu.memory_space<semaphore_mem>>
        %dma_start3A_81 = arith.constant 0 : i32
        %dma_start3A_82 = arith.constant 0 : i32
        %dma_start3A_83 = tpu.memref_slice %arg10[%dma_start3A_81, %dma_start3A_82] : memref<10112x128xf32, #tpu.memory_space<vmem_shared>> -> memref<10112x128xf32, #tpu.memory_space<vmem_shared>>
        tpu.enqueue_indirect_dma source(%arg7 : memref<128x128xf32, #tpu.memory_space<vmem>>) target(%dma_start3A_83 : memref<10112x128xf32, #tpu.memory_space<vmem_shared>>) offsets(%arg9 : memref<128xi32, #tpu.memory_space<vmem>>) semaphore(%run_scoped3A : memref<!tpu.dma_semaphore, #tpu.memory_space<semaphore_mem>>) {add = true}
        %dma_wait3A_84 = arith.constant 0 : i32
        %dma_wait3A_85 = arith.constant 0 : i32
        %dma_wait3A_86 = tpu.memref_slice %arg10[%dma_wait3A_84, %dma_wait3A_85] : memref<10112x128xf32, #tpu.memory_space<vmem_shared>> -> memref<10112x128xf32, #tpu.memory_space<vmem_shared>>
        tpu.wait_indirect_dma semaphore(%run_scoped3A : memref<!tpu.dma_semaphore, #tpu.memory_space<semaphore_mem>>) src(%arg7 : memref<128x128xf32, #tpu.memory_space<vmem>>) dst(%dma_wait3A_86 : memref<10112x128xf32, #tpu.memory_space<vmem_shared>>)
        tpu.yield
      }) : () -> ()
      %add3A_74 = arith.constant 2 : i32
      %add3A_75 = arith.addi %add3A_61, %add3A_74 : i32
      %lt3A_76 = arith.constant 80 : i32
      %lt3A_77 = arith.cmpi slt, %add3A_75, %lt3A_76 : i32
      %convert_element_type3A_78 = arith.extui %lt3A_77 : i1 to i32
      %cond3A_79 = arith.constant 0 : i32
      %cond3A_80 = arith.cmpi ne, %convert_element_type3A_78, %cond3A_79 : i32
      scf.if %cond3A_80 {
        %add3A_81 = arith.constant 2 : i32
        %add3A_82 = arith.addi %add3A_61, %add3A_81 : i32
        %mul3A_83 = arith.constant 128 : i32
        %mul3A_84 = arith.muli %add3A_82, %mul3A_83 : i32
        %add3A_85 = arith.addi %mul3A_4, %mul3A_84 : i32
        %dma_start3A_86 = arith.constant 0 : i32
        %dma_start3A_87 = tpu.memref_slice %arg2[%add3A_85, %dma_start3A_86] : memref<327680x128xf32, #tpu.memory_space<hbm>> -> memref<128x128xf32, #tpu.memory_space<hbm>>
        %dma_start3A_88 = arith.constant 0 : i32
        %dma_start3A_89 = tpu.memref_slice %arg2[%add3A_85, %dma_start3A_88] : memref<327680x128xf32, #tpu.memory_space<hbm>> -> memref<128x128xf32, #tpu.memory_space<hbm>>
        tpu.enqueue_dma source(%dma_start3A_89 : memref<128x128xf32, #tpu.memory_space<hbm>>) target(%arg7 : memref<128x128xf32, #tpu.memory_space<vmem>>) target_semaphore(%arg12 : memref<!tpu.dma_semaphore, #tpu.memory_space<semaphore_mem>>)
        %add3A_90 = arith.constant 2 : i32
        %add3A_91 = arith.addi %add3A_61, %add3A_90 : i32
        %mul3A_92 = arith.constant 128 : i32
        %mul3A_93 = arith.muli %add3A_91, %mul3A_92 : i32
        %add3A_94 = arith.addi %mul3A_4, %mul3A_93 : i32
        %dma_start3A_95 = tpu.memref_slice %arg3[%add3A_94] : memref<327680xi32, #tpu.memory_space<hbm>> -> memref<128xi32, #tpu.memory_space<hbm>>
        %dma_start3A_96 = tpu.memref_slice %arg3[%add3A_94] : memref<327680xi32, #tpu.memory_space<hbm>> -> memref<128xi32, #tpu.memory_space<hbm>>
        tpu.enqueue_dma source(%dma_start3A_96 : memref<128xi32, #tpu.memory_space<hbm>>) target(%arg9 : memref<128xi32, #tpu.memory_space<vmem>>) target_semaphore(%arg14 : memref<!tpu.dma_semaphore, #tpu.memory_space<semaphore_mem>>)
      } else {
      }
    }
    %scan3A_32 = arith.constant 40 : i32
    %barrier3A_33 = arith.constant 0 : index
    tpu.barrier barrier_id(%barrier3A_33)
    %mul3A_34 = arith.constant 10112 : i32
    %mul3A_35 = arith.muli %arg0, %mul3A_34 : i32
    %add3A_36 = arith.addi %mul3A_35, %mul3A_6 : i32
    "tpu.region"() ({
      %run_scoped3A = tpu.sem_alloc : memref<!tpu.dma_semaphore, #tpu.memory_space<semaphore_mem>>
      %dma_start3A_37 = arith.constant 0 : i32
      %dma_start3A_38 = tpu.memref_slice %arg5[%add3A_36, %dma_start3A_37] : memref<20224x128xf32, #tpu.memory_space<hbm>> -> memref<632x128xf32, #tpu.memory_space<hbm>>
      %dma_start3A_39 = arith.constant 0 : i32
      %dma_start3A_40 = tpu.memref_slice %arg10[%mul3A_6, %dma_start3A_39] : memref<10112x128xf32, #tpu.memory_space<vmem_shared>> -> memref<632x128xf32, #tpu.memory_space<vmem_shared>>
      tpu.enqueue_dma source(%dma_start3A_40 : memref<632x128xf32, #tpu.memory_space<vmem_shared>>) target(%dma_start3A_38 : memref<632x128xf32, #tpu.memory_space<hbm>>) target_semaphore(%run_scoped3A : memref<!tpu.dma_semaphore, #tpu.memory_space<semaphore_mem>>)
      %dma_wait3A_41 = arith.constant 0 : i32
      %dma_wait3A_42 = tpu.memref_slice %arg5[%add3A_36, %dma_wait3A_41] : memref<20224x128xf32, #tpu.memory_space<hbm>> -> memref<632x128xf32, #tpu.memory_space<hbm>>
      %dma_wait3A_43 = arith.constant 0 : i32
      %dma_wait3A_44 = tpu.memref_slice %arg10[%mul3A_6, %dma_wait3A_43] : memref<10112x128xf32, #tpu.memory_space<vmem_shared>> -> memref<632x128xf32, #tpu.memory_space<vmem_shared>>
      tpu.wait_dma2 semaphore(%run_scoped3A : memref<!tpu.dma_semaphore, #tpu.memory_space<semaphore_mem>>) src(%dma_wait3A_44 : memref<632x128xf32, #tpu.memory_space<vmem_shared>>) dst(%dma_wait3A_42 : memref<632x128xf32, #tpu.memory_space<hbm>>)
      tpu.yield
    }) : () -> ()
    return
  }
}

#map = affine_map<(d0, d1) -> (0, 0)>
#map1 = affine_map<(d0, d1) -> (0)>
module attributes {stable_mosaic.version = 14 : i64} {
  func.func @k(%arg0: i32, %arg1: i32, %arg2: memref<10000x128xf32, #tpu.memory_space<hbm>>, %arg3: memref<327680xi32, #tpu.memory_space<hbm>>, %arg4: memref<327680x128xf32, #tpu.memory_space<hbm>>, %arg5: memref<128x128xf32, #tpu.memory_space<vmem>>, %arg6: memref<128x128xf32, #tpu.memory_space<vmem>>, %arg7: memref<128xi32, #tpu.memory_space<vmem>>, %arg8: memref<128xi32, #tpu.memory_space<vmem>>, %arg9: memref<!tpu.dma_semaphore, #tpu.memory_space<semaphore_mem>>, %arg10: memref<!tpu.dma_semaphore, #tpu.memory_space<semaphore_mem>>, %arg11: memref<!tpu.dma_semaphore, #tpu.memory_space<semaphore_mem>>, %arg12: memref<!tpu.dma_semaphore, #tpu.memory_space<semaphore_mem>>, %arg13: memref<!tpu.dma_semaphore, #tpu.memory_space<semaphore_mem>>) attributes {dimension_semantics = [#tpu.dimension_semantics<core_parallel>, #tpu.dimension_semantics<subcore_parallel>], iteration_bounds = array<i64: 2, 16>, scalar_prefetch = 0 : i64, scratch_operands = 9 : i64, tpu.core_type = #tpu.core_type<sc_vector_subcore>, window_params = [{transform_indices = #map}, {transform_indices = #map1}, {transform_indices = #map}]} {
    %mul3A = arith.constant 2 : i32
    %mul3A_0 = arith.muli %arg1, %mul3A : i32
    %add3A = arith.addi %mul3A_0, %arg0 : i32
    %mul3A_1 = arith.constant 80 : i32
    %mul3A_2 = arith.muli %add3A, %mul3A_1 : i32
    %mul3A_3 = arith.constant 128 : i32
    %mul3A_4 = arith.muli %mul3A_2, %mul3A_3 : i32
    %add3A_5 = arith.constant 0 : i32
    %add3A_6 = arith.addi %mul3A_4, %add3A_5 : i32
    %dma_start3A = tpu.memref_slice %arg3[%add3A_6] : memref<327680xi32, #tpu.memory_space<hbm>> -> memref<128xi32, #tpu.memory_space<hbm>>
    %dma_start3A_7 = tpu.memref_slice %arg3[%add3A_6] : memref<327680xi32, #tpu.memory_space<hbm>> -> memref<128xi32, #tpu.memory_space<hbm>>
    tpu.enqueue_dma source(%dma_start3A_7 : memref<128xi32, #tpu.memory_space<hbm>>) target(%arg7 : memref<128xi32, #tpu.memory_space<vmem>>) target_semaphore(%arg9 : memref<!tpu.dma_semaphore, #tpu.memory_space<semaphore_mem>>)
    %add3A_8 = arith.constant 128 : i32
    %add3A_9 = arith.addi %mul3A_4, %add3A_8 : i32
    %dma_start3A_10 = tpu.memref_slice %arg3[%add3A_9] : memref<327680xi32, #tpu.memory_space<hbm>> -> memref<128xi32, #tpu.memory_space<hbm>>
    %dma_start3A_11 = tpu.memref_slice %arg3[%add3A_9] : memref<327680xi32, #tpu.memory_space<hbm>> -> memref<128xi32, #tpu.memory_space<hbm>>
    tpu.enqueue_dma source(%dma_start3A_11 : memref<128xi32, #tpu.memory_space<hbm>>) target(%arg8 : memref<128xi32, #tpu.memory_space<vmem>>) target_semaphore(%arg10 : memref<!tpu.dma_semaphore, #tpu.memory_space<semaphore_mem>>)
    %scan3A = arith.constant 0 : i32
    %scan3A_12 = arith.constant 40 : i32
    %scan3A_13 = arith.addi %scan3A, %scan3A_12 : i32
    %scan3A_14 = arith.constant 1 : i32
    scf.for %scan3A_27 = %scan3A to %scan3A_13 step %scan3A_14  : i32 {
      %mul3A_28 = arith.constant 2 : i32
      %mul3A_29 = arith.muli %scan3A_27, %mul3A_28 : i32
      %add3A_30 = arith.constant 0 : i32
      %add3A_31 = arith.addi %add3A_30, %mul3A_29 : i32
      %add3A_32 = arith.constant 0 : i32
      %add3A_33 = arith.addi %add3A_31, %add3A_32 : i32
      %mul3A_34 = arith.constant 128 : i32
      %mul3A_35 = arith.muli %add3A_33, %mul3A_34 : i32
      %add3A_36 = arith.addi %mul3A_4, %mul3A_35 : i32
      %dma_wait3A_37 = tpu.memref_slice %arg3[%add3A_36] : memref<327680xi32, #tpu.memory_space<hbm>> -> memref<128xi32, #tpu.memory_space<hbm>>
      %dma_wait3A_38 = tpu.memref_slice %arg3[%add3A_36] : memref<327680xi32, #tpu.memory_space<hbm>> -> memref<128xi32, #tpu.memory_space<hbm>>
      tpu.wait_dma2 semaphore(%arg9 : memref<!tpu.dma_semaphore, #tpu.memory_space<semaphore_mem>>) src(%dma_wait3A_38 : memref<128xi32, #tpu.memory_space<hbm>>) dst(%arg7 : memref<128xi32, #tpu.memory_space<vmem>>)
      %ge3A = arith.constant 2 : i32
      %ge3A_39 = arith.cmpi sge, %add3A_33, %ge3A : i32
      %convert_element_type3A = arith.extui %ge3A_39 : i1 to i32
      %cond3A = arith.constant 0 : i32
      %cond3A_40 = arith.cmpi ne, %convert_element_type3A, %cond3A : i32
      scf.if %cond3A_40 {
        %mul3A_92 = arith.constant 128 : i32
        %mul3A_93 = arith.muli %add3A_33, %mul3A_92 : i32
        %add3A_94 = arith.addi %mul3A_4, %mul3A_93 : i32
        %dma_wait3A_95 = arith.constant 0 : i32
        %dma_wait3A_96 = tpu.memref_slice %arg4[%add3A_94, %dma_wait3A_95] : memref<327680x128xf32, #tpu.memory_space<hbm>> -> memref<128x128xf32, #tpu.memory_space<hbm>>
        %dma_wait3A_97 = arith.constant 0 : i32
        %dma_wait3A_98 = tpu.memref_slice %arg4[%add3A_94, %dma_wait3A_97] : memref<327680x128xf32, #tpu.memory_space<hbm>> -> memref<128x128xf32, #tpu.memory_space<hbm>>
        tpu.wait_dma2 semaphore(%arg12 : memref<!tpu.dma_semaphore, #tpu.memory_space<semaphore_mem>>) src(%arg5 : memref<128x128xf32, #tpu.memory_space<vmem>>) dst(%dma_wait3A_98 : memref<128x128xf32, #tpu.memory_space<hbm>>)
      } else {
      }
      %dma_start3A_41 = arith.constant 0 : i32
      %dma_start3A_42 = arith.constant 0 : i32
      %dma_start3A_43 = tpu.memref_slice %arg2[%dma_start3A_41, %dma_start3A_42] : memref<10000x128xf32, #tpu.memory_space<hbm>> -> memref<10000x128xf32, #tpu.memory_space<hbm>>
      tpu.enqueue_indirect_dma source(%dma_start3A_43 : memref<10000x128xf32, #tpu.memory_space<hbm>>) target(%arg5 : memref<128x128xf32, #tpu.memory_space<vmem>>) offsets(%arg7 : memref<128xi32, #tpu.memory_space<vmem>>) semaphore(%arg11 : memref<!tpu.dma_semaphore, #tpu.memory_space<semaphore_mem>>)
      %dma_wait3A_44 = arith.constant 0 : i32
      %dma_wait3A_45 = arith.constant 0 : i32
      %dma_wait3A_46 = tpu.memref_slice %arg2[%dma_wait3A_44, %dma_wait3A_45] : memref<10000x128xf32, #tpu.memory_space<hbm>> -> memref<10000x128xf32, #tpu.memory_space<hbm>>
      tpu.wait_indirect_dma semaphore(%arg11 : memref<!tpu.dma_semaphore, #tpu.memory_space<semaphore_mem>>) src(%dma_wait3A_46 : memref<10000x128xf32, #tpu.memory_space<hbm>>) dst(%arg5 : memref<128x128xf32, #tpu.memory_space<vmem>>)
      %mul3A_47 = arith.constant 128 : i32
      %mul3A_48 = arith.muli %add3A_33, %mul3A_47 : i32
      %add3A_49 = arith.addi %mul3A_4, %mul3A_48 : i32
      %dma_start3A_50 = arith.constant 0 : i32
      %dma_start3A_51 = tpu.memref_slice %arg4[%add3A_49, %dma_start3A_50] : memref<327680x128xf32, #tpu.memory_space<hbm>> -> memref<128x128xf32, #tpu.memory_space<hbm>>
      %dma_start3A_52 = arith.constant 0 : i32
      %dma_start3A_53 = tpu.memref_slice %arg4[%add3A_49, %dma_start3A_52] : memref<327680x128xf32, #tpu.memory_space<hbm>> -> memref<128x128xf32, #tpu.memory_space<hbm>>
      tpu.enqueue_dma source(%arg5 : memref<128x128xf32, #tpu.memory_space<vmem>>) target(%dma_start3A_53 : memref<128x128xf32, #tpu.memory_space<hbm>>) target_semaphore(%arg12 : memref<!tpu.dma_semaphore, #tpu.memory_space<semaphore_mem>>)
      %add3A_54 = arith.constant 2 : i32
      %add3A_55 = arith.addi %add3A_33, %add3A_54 : i32
      %lt3A = arith.constant 80 : i32
      %lt3A_56 = arith.cmpi slt, %add3A_55, %lt3A : i32
      %convert_element_type3A_57 = arith.extui %lt3A_56 : i1 to i32
      %cond3A_58 = arith.constant 0 : i32
      %cond3A_59 = arith.cmpi ne, %convert_element_type3A_57, %cond3A_58 : i32
      scf.if %cond3A_59 {
        %add3A_92 = arith.constant 2 : i32
        %add3A_93 = arith.addi %add3A_33, %add3A_92 : i32
        %mul3A_94 = arith.constant 128 : i32
        %mul3A_95 = arith.muli %add3A_93, %mul3A_94 : i32
        %add3A_96 = arith.addi %mul3A_4, %mul3A_95 : i32
        %dma_start3A_97 = tpu.memref_slice %arg3[%add3A_96] : memref<327680xi32, #tpu.memory_space<hbm>> -> memref<128xi32, #tpu.memory_space<hbm>>
        %dma_start3A_98 = tpu.memref_slice %arg3[%add3A_96] : memref<327680xi32, #tpu.memory_space<hbm>> -> memref<128xi32, #tpu.memory_space<hbm>>
        tpu.enqueue_dma source(%dma_start3A_98 : memref<128xi32, #tpu.memory_space<hbm>>) target(%arg7 : memref<128xi32, #tpu.memory_space<vmem>>) target_semaphore(%arg9 : memref<!tpu.dma_semaphore, #tpu.memory_space<semaphore_mem>>)
      } else {
      }
      %add3A_60 = arith.constant 1 : i32
      %add3A_61 = arith.addi %add3A_31, %add3A_60 : i32
      %mul3A_62 = arith.constant 128 : i32
      %mul3A_63 = arith.muli %add3A_61, %mul3A_62 : i32
      %add3A_64 = arith.addi %mul3A_4, %mul3A_63 : i32
      %dma_wait3A_65 = tpu.memref_slice %arg3[%add3A_64] : memref<327680xi32, #tpu.memory_space<hbm>> -> memref<128xi32, #tpu.memory_space<hbm>>
      %dma_wait3A_66 = tpu.memref_slice %arg3[%add3A_64] : memref<327680xi32, #tpu.memory_space<hbm>> -> memref<128xi32, #tpu.memory_space<hbm>>
      tpu.wait_dma2 semaphore(%arg10 : memref<!tpu.dma_semaphore, #tpu.memory_space<semaphore_mem>>) src(%dma_wait3A_66 : memref<128xi32, #tpu.memory_space<hbm>>) dst(%arg8 : memref<128xi32, #tpu.memory_space<vmem>>)
      %ge3A_67 = arith.constant 2 : i32
      %ge3A_68 = arith.cmpi sge, %add3A_61, %ge3A_67 : i32
      %convert_element_type3A_69 = arith.extui %ge3A_68 : i1 to i32
      %cond3A_70 = arith.constant 0 : i32
      %cond3A_71 = arith.cmpi ne, %convert_element_type3A_69, %cond3A_70 : i32
      scf.if %cond3A_71 {
        %mul3A_92 = arith.constant 128 : i32
        %mul3A_93 = arith.muli %add3A_61, %mul3A_92 : i32
        %add3A_94 = arith.addi %mul3A_4, %mul3A_93 : i32
        %dma_wait3A_95 = arith.constant 0 : i32
        %dma_wait3A_96 = tpu.memref_slice %arg4[%add3A_94, %dma_wait3A_95] : memref<327680x128xf32, #tpu.memory_space<hbm>> -> memref<128x128xf32, #tpu.memory_space<hbm>>
        %dma_wait3A_97 = arith.constant 0 : i32
        %dma_wait3A_98 = tpu.memref_slice %arg4[%add3A_94, %dma_wait3A_97] : memref<327680x128xf32, #tpu.memory_space<hbm>> -> memref<128x128xf32, #tpu.memory_space<hbm>>
        tpu.wait_dma2 semaphore(%arg13 : memref<!tpu.dma_semaphore, #tpu.memory_space<semaphore_mem>>) src(%arg6 : memref<128x128xf32, #tpu.memory_space<vmem>>) dst(%dma_wait3A_98 : memref<128x128xf32, #tpu.memory_space<hbm>>)
      } else {
      }
      %dma_start3A_72 = arith.constant 0 : i32
      %dma_start3A_73 = arith.constant 0 : i32
      %dma_start3A_74 = tpu.memref_slice %arg2[%dma_start3A_72, %dma_start3A_73] : memref<10000x128xf32, #tpu.memory_space<hbm>> -> memref<10000x128xf32, #tpu.memory_space<hbm>>
      tpu.enqueue_indirect_dma source(%dma_start3A_74 : memref<10000x128xf32, #tpu.memory_space<hbm>>) target(%arg6 : memref<128x128xf32, #tpu.memory_space<vmem>>) offsets(%arg8 : memref<128xi32, #tpu.memory_space<vmem>>) semaphore(%arg11 : memref<!tpu.dma_semaphore, #tpu.memory_space<semaphore_mem>>)
      %dma_wait3A_75 = arith.constant 0 : i32
      %dma_wait3A_76 = arith.constant 0 : i32
      %dma_wait3A_77 = tpu.memref_slice %arg2[%dma_wait3A_75, %dma_wait3A_76] : memref<10000x128xf32, #tpu.memory_space<hbm>> -> memref<10000x128xf32, #tpu.memory_space<hbm>>
      tpu.wait_indirect_dma semaphore(%arg11 : memref<!tpu.dma_semaphore, #tpu.memory_space<semaphore_mem>>) src(%dma_wait3A_77 : memref<10000x128xf32, #tpu.memory_space<hbm>>) dst(%arg6 : memref<128x128xf32, #tpu.memory_space<vmem>>)
      %mul3A_78 = arith.constant 128 : i32
      %mul3A_79 = arith.muli %add3A_61, %mul3A_78 : i32
      %add3A_80 = arith.addi %mul3A_4, %mul3A_79 : i32
      %dma_start3A_81 = arith.constant 0 : i32
      %dma_start3A_82 = tpu.memref_slice %arg4[%add3A_80, %dma_start3A_81] : memref<327680x128xf32, #tpu.memory_space<hbm>> -> memref<128x128xf32, #tpu.memory_space<hbm>>
      %dma_start3A_83 = arith.constant 0 : i32
      %dma_start3A_84 = tpu.memref_slice %arg4[%add3A_80, %dma_start3A_83] : memref<327680x128xf32, #tpu.memory_space<hbm>> -> memref<128x128xf32, #tpu.memory_space<hbm>>
      tpu.enqueue_dma source(%arg6 : memref<128x128xf32, #tpu.memory_space<vmem>>) target(%dma_start3A_84 : memref<128x128xf32, #tpu.memory_space<hbm>>) target_semaphore(%arg13 : memref<!tpu.dma_semaphore, #tpu.memory_space<semaphore_mem>>)
      %add3A_85 = arith.constant 2 : i32
      %add3A_86 = arith.addi %add3A_61, %add3A_85 : i32
      %lt3A_87 = arith.constant 80 : i32
      %lt3A_88 = arith.cmpi slt, %add3A_86, %lt3A_87 : i32
      %convert_element_type3A_89 = arith.extui %lt3A_88 : i1 to i32
      %cond3A_90 = arith.constant 0 : i32
      %cond3A_91 = arith.cmpi ne, %convert_element_type3A_89, %cond3A_90 : i32
      scf.if %cond3A_91 {
        %add3A_92 = arith.constant 2 : i32
        %add3A_93 = arith.addi %add3A_61, %add3A_92 : i32
        %mul3A_94 = arith.constant 128 : i32
        %mul3A_95 = arith.muli %add3A_93, %mul3A_94 : i32
        %add3A_96 = arith.addi %mul3A_4, %mul3A_95 : i32
        %dma_start3A_97 = tpu.memref_slice %arg3[%add3A_96] : memref<327680xi32, #tpu.memory_space<hbm>> -> memref<128xi32, #tpu.memory_space<hbm>>
        %dma_start3A_98 = tpu.memref_slice %arg3[%add3A_96] : memref<327680xi32, #tpu.memory_space<hbm>> -> memref<128xi32, #tpu.memory_space<hbm>>
        tpu.enqueue_dma source(%dma_start3A_98 : memref<128xi32, #tpu.memory_space<hbm>>) target(%arg8 : memref<128xi32, #tpu.memory_space<vmem>>) target_semaphore(%arg10 : memref<!tpu.dma_semaphore, #tpu.memory_space<semaphore_mem>>)
      } else {
      }
    }
    %scan3A_15 = arith.constant 40 : i32
    %add3A_16 = arith.constant 0 : i32
    %add3A_17 = arith.addi %mul3A_4, %add3A_16 : i32
    %dma_wait3A = arith.constant 0 : i32
    %dma_wait3A_18 = tpu.memref_slice %arg4[%add3A_17, %dma_wait3A] : memref<327680x128xf32, #tpu.memory_space<hbm>> -> memref<128x128xf32, #tpu.memory_space<hbm>>
    %dma_wait3A_19 = arith.constant 0 : i32
    %dma_wait3A_20 = tpu.memref_slice %arg4[%add3A_17, %dma_wait3A_19] : memref<327680x128xf32, #tpu.memory_space<hbm>> -> memref<128x128xf32, #tpu.memory_space<hbm>>
    tpu.wait_dma2 semaphore(%arg12 : memref<!tpu.dma_semaphore, #tpu.memory_space<semaphore_mem>>) src(%arg5 : memref<128x128xf32, #tpu.memory_space<vmem>>) dst(%dma_wait3A_20 : memref<128x128xf32, #tpu.memory_space<hbm>>)
    %add3A_21 = arith.constant 128 : i32
    %add3A_22 = arith.addi %mul3A_4, %add3A_21 : i32
    %dma_wait3A_23 = arith.constant 0 : i32
    %dma_wait3A_24 = tpu.memref_slice %arg4[%add3A_22, %dma_wait3A_23] : memref<327680x128xf32, #tpu.memory_space<hbm>> -> memref<128x128xf32, #tpu.memory_space<hbm>>
    %dma_wait3A_25 = arith.constant 0 : i32
    %dma_wait3A_26 = tpu.memref_slice %arg4[%add3A_22, %dma_wait3A_25] : memref<327680x128xf32, #tpu.memory_space<hbm>> -> memref<128x128xf32, #tpu.memory_space<hbm>>
    tpu.wait_dma2 semaphore(%arg13 : memref<!tpu.dma_semaphore, #tpu.memory_space<semaphore_mem>>) src(%arg6 : memref<128x128xf32, #tpu.memory_space<vmem>>) dst(%dma_wait3A_26 : memref<128x128xf32, #tpu.memory_space<hbm>>)
    return
  }
}

#map = affine_map<(d0, d1) -> (0, 0)>
#map1 = affine_map<(d0, d1) -> (0)>
module attributes {stable_mosaic.version = 14 : i64} {
  func.func @k(%arg0: i32, %arg1: i32, %arg2: memref<327680x128xf32, #tpu.memory_space<hbm>>, %arg3: memref<327680xi32, #tpu.memory_space<hbm>>, %arg4: memref<632x128xf32, #tpu.memory_space<hbm>>, %arg5: memref<20224x128xf32, #tpu.memory_space<hbm>>, %arg6: memref<128x128xf32, #tpu.memory_space<vmem>>, %arg7: memref<128x128xf32, #tpu.memory_space<vmem>>, %arg8: memref<128xi32, #tpu.memory_space<vmem>>, %arg9: memref<128xi32, #tpu.memory_space<vmem>>, %arg10: memref<10112x128xf32, #tpu.memory_space<vmem_shared>>, %arg11: memref<!tpu.dma_semaphore, #tpu.memory_space<semaphore_mem>>, %arg12: memref<!tpu.dma_semaphore, #tpu.memory_space<semaphore_mem>>, %arg13: memref<!tpu.dma_semaphore, #tpu.memory_space<semaphore_mem>>, %arg14: memref<!tpu.dma_semaphore, #tpu.memory_space<semaphore_mem>>, %arg15: memref<!tpu.dma_semaphore, #tpu.memory_space<semaphore_mem>>) attributes {dimension_semantics = [#tpu.dimension_semantics<core_parallel>, #tpu.dimension_semantics<subcore_parallel>], iteration_bounds = array<i64: 2, 16>, scalar_prefetch = 0 : i64, scratch_operands = 10 : i64, tpu.core_type = #tpu.core_type<sc_vector_subcore>, window_params = [{transform_indices = #map}, {transform_indices = #map1}, {transform_indices = #map}, {transform_indices = #map}]} {
    %mul3A = arith.constant 2 : i32
    %mul3A_0 = arith.muli %arg1, %mul3A : i32
    %add3A = arith.addi %mul3A_0, %arg0 : i32
    %mul3A_1 = arith.constant 80 : i32
    %mul3A_2 = arith.muli %add3A, %mul3A_1 : i32
    %mul3A_3 = arith.constant 128 : i32
    %mul3A_4 = arith.muli %mul3A_2, %mul3A_3 : i32
    %mul3A_5 = arith.constant 632 : i32
    %mul3A_6 = arith.muli %arg1, %mul3A_5 : i32
    %dma_start3A = arith.constant 0 : i32
    %dma_start3A_7 = tpu.memref_slice %arg10[%mul3A_6, %dma_start3A] : memref<10112x128xf32, #tpu.memory_space<vmem_shared>> -> memref<632x128xf32, #tpu.memory_space<vmem_shared>>
    tpu.enqueue_dma source(%arg4 : memref<632x128xf32, #tpu.memory_space<hbm>>) target(%dma_start3A_7 : memref<632x128xf32, #tpu.memory_space<vmem_shared>>) target_semaphore(%arg15 : memref<!tpu.dma_semaphore, #tpu.memory_space<semaphore_mem>>)
    %dma_wait3A = arith.constant 0 : i32
    %dma_wait3A_8 = tpu.memref_slice %arg10[%mul3A_6, %dma_wait3A] : memref<10112x128xf32, #tpu.memory_space<vmem_shared>> -> memref<632x128xf32, #tpu.memory_space<vmem_shared>>
    tpu.wait_dma2 semaphore(%arg15 : memref<!tpu.dma_semaphore, #tpu.memory_space<semaphore_mem>>) src(%arg4 : memref<632x128xf32, #tpu.memory_space<hbm>>) dst(%dma_wait3A_8 : memref<632x128xf32, #tpu.memory_space<vmem_shared>>)
    %barrier3A = arith.constant 0 : index
    tpu.barrier barrier_id(%barrier3A)
    %add3A_9 = arith.constant 0 : i32
    %add3A_10 = arith.addi %mul3A_4, %add3A_9 : i32
    %dma_start3A_11 = arith.constant 0 : i32
    %dma_start3A_12 = tpu.memref_slice %arg2[%add3A_10, %dma_start3A_11] : memref<327680x128xf32, #tpu.memory_space<hbm>> -> memref<128x128xf32, #tpu.memory_space<hbm>>
    %dma_start3A_13 = arith.constant 0 : i32
    %dma_start3A_14 = tpu.memref_slice %arg2[%add3A_10, %dma_start3A_13] : memref<327680x128xf32, #tpu.memory_space<hbm>> -> memref<128x128xf32, #tpu.memory_space<hbm>>
    tpu.enqueue_dma source(%dma_start3A_14 : memref<128x128xf32, #tpu.memory_space<hbm>>) target(%arg6 : memref<128x128xf32, #tpu.memory_space<vmem>>) target_semaphore(%arg11 : memref<!tpu.dma_semaphore, #tpu.memory_space<semaphore_mem>>)
    %add3A_15 = arith.constant 0 : i32
    %add3A_16 = arith.addi %mul3A_4, %add3A_15 : i32
    %dma_start3A_17 = tpu.memref_slice %arg3[%add3A_16] : memref<327680xi32, #tpu.memory_space<hbm>> -> memref<128xi32, #tpu.memory_space<hbm>>
    %dma_start3A_18 = tpu.memref_slice %arg3[%add3A_16] : memref<327680xi32, #tpu.memory_space<hbm>> -> memref<128xi32, #tpu.memory_space<hbm>>
    tpu.enqueue_dma source(%dma_start3A_18 : memref<128xi32, #tpu.memory_space<hbm>>) target(%arg8 : memref<128xi32, #tpu.memory_space<vmem>>) target_semaphore(%arg13 : memref<!tpu.dma_semaphore, #tpu.memory_space<semaphore_mem>>)
    %add3A_19 = arith.constant 128 : i32
    %add3A_20 = arith.addi %mul3A_4, %add3A_19 : i32
    %dma_start3A_21 = arith.constant 0 : i32
    %dma_start3A_22 = tpu.memref_slice %arg2[%add3A_20, %dma_start3A_21] : memref<327680x128xf32, #tpu.memory_space<hbm>> -> memref<128x128xf32, #tpu.memory_space<hbm>>
    %dma_start3A_23 = arith.constant 0 : i32
    %dma_start3A_24 = tpu.memref_slice %arg2[%add3A_20, %dma_start3A_23] : memref<327680x128xf32, #tpu.memory_space<hbm>> -> memref<128x128xf32, #tpu.memory_space<hbm>>
    tpu.enqueue_dma source(%dma_start3A_24 : memref<128x128xf32, #tpu.memory_space<hbm>>) target(%arg7 : memref<128x128xf32, #tpu.memory_space<vmem>>) target_semaphore(%arg12 : memref<!tpu.dma_semaphore, #tpu.memory_space<semaphore_mem>>)
    %add3A_25 = arith.constant 128 : i32
    %add3A_26 = arith.addi %mul3A_4, %add3A_25 : i32
    %dma_start3A_27 = tpu.memref_slice %arg3[%add3A_26] : memref<327680xi32, #tpu.memory_space<hbm>> -> memref<128xi32, #tpu.memory_space<hbm>>
    %dma_start3A_28 = tpu.memref_slice %arg3[%add3A_26] : memref<327680xi32, #tpu.memory_space<hbm>> -> memref<128xi32, #tpu.memory_space<hbm>>
    tpu.enqueue_dma source(%dma_start3A_28 : memref<128xi32, #tpu.memory_space<hbm>>) target(%arg9 : memref<128xi32, #tpu.memory_space<vmem>>) target_semaphore(%arg14 : memref<!tpu.dma_semaphore, #tpu.memory_space<semaphore_mem>>)
    %scan3A = arith.constant 0 : i32
    %scan3A_29 = arith.constant 40 : i32
    %scan3A_30 = arith.addi %scan3A, %scan3A_29 : i32
    %scan3A_31 = arith.constant 1 : i32
    scf.for %scan3A_37 = %scan3A to %scan3A_30 step %scan3A_31  : i32 {
      %mul3A_38 = arith.constant 2 : i32
      %mul3A_39 = arith.muli %scan3A_37, %mul3A_38 : i32
      %add3A_40 = arith.constant 0 : i32
      %add3A_41 = arith.addi %add3A_40, %mul3A_39 : i32
      %add3A_42 = arith.constant 0 : i32
      %add3A_43 = arith.addi %add3A_41, %add3A_42 : i32
      %mul3A_44 = arith.constant 128 : i32
      %mul3A_45 = arith.muli %add3A_43, %mul3A_44 : i32
      %add3A_46 = arith.addi %mul3A_4, %mul3A_45 : i32
      %dma_wait3A_47 = arith.constant 0 : i32
      %dma_wait3A_48 = tpu.memref_slice %arg2[%add3A_46, %dma_wait3A_47] : memref<327680x128xf32, #tpu.memory_space<hbm>> -> memref<128x128xf32, #tpu.memory_space<hbm>>
      %dma_wait3A_49 = arith.constant 0 : i32
      %dma_wait3A_50 = tpu.memref_slice %arg2[%add3A_46, %dma_wait3A_49] : memref<327680x128xf32, #tpu.memory_space<hbm>> -> memref<128x128xf32, #tpu.memory_space<hbm>>
      tpu.wait_dma2 semaphore(%arg11 : memref<!tpu.dma_semaphore, #tpu.memory_space<semaphore_mem>>) src(%dma_wait3A_50 : memref<128x128xf32, #tpu.memory_space<hbm>>) dst(%arg6 : memref<128x128xf32, #tpu.memory_space<vmem>>)
      %mul3A_51 = arith.constant 128 : i32
      %mul3A_52 = arith.muli %add3A_43, %mul3A_51 : i32
      %add3A_53 = arith.addi %mul3A_4, %mul3A_52 : i32
      %dma_wait3A_54 = tpu.memref_slice %arg3[%add3A_53] : memref<327680xi32, #tpu.memory_space<hbm>> -> memref<128xi32, #tpu.memory_space<hbm>>
      %dma_wait3A_55 = tpu.memref_slice %arg3[%add3A_53] : memref<327680xi32, #tpu.memory_space<hbm>> -> memref<128xi32, #tpu.memory_space<hbm>>
      tpu.wait_dma2 semaphore(%arg13 : memref<!tpu.dma_semaphore, #tpu.memory_space<semaphore_mem>>) src(%dma_wait3A_55 : memref<128xi32, #tpu.memory_space<hbm>>) dst(%arg8 : memref<128xi32, #tpu.memory_space<vmem>>)
      "tpu.region"() ({
        %run_scoped3A = tpu.sem_alloc : memref<!tpu.dma_semaphore, #tpu.memory_space<semaphore_mem>>
        %dma_start3A_81 = arith.constant 0 : i32
        %dma_start3A_82 = arith.constant 0 : i32
        %dma_start3A_83 = tpu.memref_slice %arg10[%dma_start3A_81, %dma_start3A_82] : memref<10112x128xf32, #tpu.memory_space<vmem_shared>> -> memref<10112x128xf32, #tpu.memory_space<vmem_shared>>
        tpu.enqueue_indirect_dma source(%arg6 : memref<128x128xf32, #tpu.memory_space<vmem>>) target(%dma_start3A_83 : memref<10112x128xf32, #tpu.memory_space<vmem_shared>>) offsets(%arg8 : memref<128xi32, #tpu.memory_space<vmem>>) semaphore(%run_scoped3A : memref<!tpu.dma_semaphore, #tpu.memory_space<semaphore_mem>>) {add = true}
        %dma_wait3A_84 = arith.constant 0 : i32
        %dma_wait3A_85 = arith.constant 0 : i32
        %dma_wait3A_86 = tpu.memref_slice %arg10[%dma_wait3A_84, %dma_wait3A_85] : memref<10112x128xf32, #tpu.memory_space<vmem_shared>> -> memref<10112x128xf32, #tpu.memory_space<vmem_shared>>
        tpu.wait_indirect_dma semaphore(%run_scoped3A : memref<!tpu.dma_semaphore, #tpu.memory_space<semaphore_mem>>) src(%arg6 : memref<128x128xf32, #tpu.memory_space<vmem>>) dst(%dma_wait3A_86 : memref<10112x128xf32, #tpu.memory_space<vmem_shared>>)
        tpu.yield
      }) : () -> ()
      %add3A_56 = arith.constant 2 : i32
      %add3A_57 = arith.addi %add3A_43, %add3A_56 : i32
      %lt3A = arith.constant 80 : i32
      %lt3A_58 = arith.cmpi slt, %add3A_57, %lt3A : i32
      %convert_element_type3A = arith.extui %lt3A_58 : i1 to i32
      %cond3A = arith.constant 0 : i32
      %cond3A_59 = arith.cmpi ne, %convert_element_type3A, %cond3A : i32
      scf.if %cond3A_59 {
        %add3A_81 = arith.constant 2 : i32
        %add3A_82 = arith.addi %add3A_43, %add3A_81 : i32
        %mul3A_83 = arith.constant 128 : i32
        %mul3A_84 = arith.muli %add3A_82, %mul3A_83 : i32
        %add3A_85 = arith.addi %mul3A_4, %mul3A_84 : i32
        %dma_start3A_86 = arith.constant 0 : i32
        %dma_start3A_87 = tpu.memref_slice %arg2[%add3A_85, %dma_start3A_86] : memref<327680x128xf32, #tpu.memory_space<hbm>> -> memref<128x128xf32, #tpu.memory_space<hbm>>
        %dma_start3A_88 = arith.constant 0 : i32
        %dma_start3A_89 = tpu.memref_slice %arg2[%add3A_85, %dma_start3A_88] : memref<327680x128xf32, #tpu.memory_space<hbm>> -> memref<128x128xf32, #tpu.memory_space<hbm>>
        tpu.enqueue_dma source(%dma_start3A_89 : memref<128x128xf32, #tpu.memory_space<hbm>>) target(%arg6 : memref<128x128xf32, #tpu.memory_space<vmem>>) target_semaphore(%arg11 : memref<!tpu.dma_semaphore, #tpu.memory_space<semaphore_mem>>)
        %add3A_90 = arith.constant 2 : i32
        %add3A_91 = arith.addi %add3A_43, %add3A_90 : i32
        %mul3A_92 = arith.constant 128 : i32
        %mul3A_93 = arith.muli %add3A_91, %mul3A_92 : i32
        %add3A_94 = arith.addi %mul3A_4, %mul3A_93 : i32
        %dma_start3A_95 = tpu.memref_slice %arg3[%add3A_94] : memref<327680xi32, #tpu.memory_space<hbm>> -> memref<128xi32, #tpu.memory_space<hbm>>
        %dma_start3A_96 = tpu.memref_slice %arg3[%add3A_94] : memref<327680xi32, #tpu.memory_space<hbm>> -> memref<128xi32, #tpu.memory_space<hbm>>
        tpu.enqueue_dma source(%dma_start3A_96 : memref<128xi32, #tpu.memory_space<hbm>>) target(%arg8 : memref<128xi32, #tpu.memory_space<vmem>>) target_semaphore(%arg13 : memref<!tpu.dma_semaphore, #tpu.memory_space<semaphore_mem>>)
      } else {
      }
      %add3A_60 = arith.constant 1 : i32
      %add3A_61 = arith.addi %add3A_41, %add3A_60 : i32
      %mul3A_62 = arith.constant 128 : i32
      %mul3A_63 = arith.muli %add3A_61, %mul3A_62 : i32
      %add3A_64 = arith.addi %mul3A_4, %mul3A_63 : i32
      %dma_wait3A_65 = arith.constant 0 : i32
      %dma_wait3A_66 = tpu.memref_slice %arg2[%add3A_64, %dma_wait3A_65] : memref<327680x128xf32, #tpu.memory_space<hbm>> -> memref<128x128xf32, #tpu.memory_space<hbm>>
      %dma_wait3A_67 = arith.constant 0 : i32
      %dma_wait3A_68 = tpu.memref_slice %arg2[%add3A_64, %dma_wait3A_67] : memref<327680x128xf32, #tpu.memory_space<hbm>> -> memref<128x128xf32, #tpu.memory_space<hbm>>
      tpu.wait_dma2 semaphore(%arg12 : memref<!tpu.dma_semaphore, #tpu.memory_space<semaphore_mem>>) src(%dma_wait3A_68 : memref<128x128xf32, #tpu.memory_space<hbm>>) dst(%arg7 : memref<128x128xf32, #tpu.memory_space<vmem>>)
      %mul3A_69 = arith.constant 128 : i32
      %mul3A_70 = arith.muli %add3A_61, %mul3A_69 : i32
      %add3A_71 = arith.addi %mul3A_4, %mul3A_70 : i32
      %dma_wait3A_72 = tpu.memref_slice %arg3[%add3A_71] : memref<327680xi32, #tpu.memory_space<hbm>> -> memref<128xi32, #tpu.memory_space<hbm>>
      %dma_wait3A_73 = tpu.memref_slice %arg3[%add3A_71] : memref<327680xi32, #tpu.memory_space<hbm>> -> memref<128xi32, #tpu.memory_space<hbm>>
      tpu.wait_dma2 semaphore(%arg14 : memref<!tpu.dma_semaphore, #tpu.memory_space<semaphore_mem>>) src(%dma_wait3A_73 : memref<128xi32, #tpu.memory_space<hbm>>) dst(%arg9 : memref<128xi32, #tpu.memory_space<vmem>>)
      "tpu.region"() ({
        %run_scoped3A = tpu.sem_alloc : memref<!tpu.dma_semaphore, #tpu.memory_space<semaphore_mem>>
        %dma_start3A_81 = arith.constant 0 : i32
        %dma_start3A_82 = arith.constant 0 : i32
        %dma_start3A_83 = tpu.memref_slice %arg10[%dma_start3A_81, %dma_start3A_82] : memref<10112x128xf32, #tpu.memory_space<vmem_shared>> -> memref<10112x128xf32, #tpu.memory_space<vmem_shared>>
        tpu.enqueue_indirect_dma source(%arg7 : memref<128x128xf32, #tpu.memory_space<vmem>>) target(%dma_start3A_83 : memref<10112x128xf32, #tpu.memory_space<vmem_shared>>) offsets(%arg9 : memref<128xi32, #tpu.memory_space<vmem>>) semaphore(%run_scoped3A : memref<!tpu.dma_semaphore, #tpu.memory_space<semaphore_mem>>) {add = true}
        %dma_wait3A_84 = arith.constant 0 : i32
        %dma_wait3A_85 = arith.constant 0 : i32
        %dma_wait3A_86 = tpu.memref_slice %arg10[%dma_wait3A_84, %dma_wait3A_85] : memref<10112x128xf32, #tpu.memory_space<vmem_shared>> -> memref<10112x128xf32, #tpu.memory_space<vmem_shared>>
        tpu.wait_indirect_dma semaphore(%run_scoped3A : memref<!tpu.dma_semaphore, #tpu.memory_space<semaphore_mem>>) src(%arg7 : memref<128x128xf32, #tpu.memory_space<vmem>>) dst(%dma_wait3A_86 : memref<10112x128xf32, #tpu.memory_space<vmem_shared>>)
        tpu.yield
      }) : () -> ()
      %add3A_74 = arith.constant 2 : i32
      %add3A_75 = arith.addi %add3A_61, %add3A_74 : i32
      %lt3A_76 = arith.constant 80 : i32
      %lt3A_77 = arith.cmpi slt, %add3A_75, %lt3A_76 : i32
      %convert_element_type3A_78 = arith.extui %lt3A_77 : i1 to i32
      %cond3A_79 = arith.constant 0 : i32
      %cond3A_80 = arith.cmpi ne, %convert_element_type3A_78, %cond3A_79 : i32
      scf.if %cond3A_80 {
        %add3A_81 = arith.constant 2 : i32
        %add3A_82 = arith.addi %add3A_61, %add3A_81 : i32
        %mul3A_83 = arith.constant 128 : i32
        %mul3A_84 = arith.muli %add3A_82, %mul3A_83 : i32
        %add3A_85 = arith.addi %mul3A_4, %mul3A_84 : i32
        %dma_start3A_86 = arith.constant 0 : i32
        %dma_start3A_87 = tpu.memref_slice %arg2[%add3A_85, %dma_start3A_86] : memref<327680x128xf32, #tpu.memory_space<hbm>> -> memref<128x128xf32, #tpu.memory_space<hbm>>
        %dma_start3A_88 = arith.constant 0 : i32
        %dma_start3A_89 = tpu.memref_slice %arg2[%add3A_85, %dma_start3A_88] : memref<327680x128xf32, #tpu.memory_space<hbm>> -> memref<128x128xf32, #tpu.memory_space<hbm>>
        tpu.enqueue_dma source(%dma_start3A_89 : memref<128x128xf32, #tpu.memory_space<hbm>>) target(%arg7 : memref<128x128xf32, #tpu.memory_space<vmem>>) target_semaphore(%arg12 : memref<!tpu.dma_semaphore, #tpu.memory_space<semaphore_mem>>)
        %add3A_90 = arith.constant 2 : i32
        %add3A_91 = arith.addi %add3A_61, %add3A_90 : i32
        %mul3A_92 = arith.constant 128 : i32
        %mul3A_93 = arith.muli %add3A_91, %mul3A_92 : i32
        %add3A_94 = arith.addi %mul3A_4, %mul3A_93 : i32
        %dma_start3A_95 = tpu.memref_slice %arg3[%add3A_94] : memref<327680xi32, #tpu.memory_space<hbm>> -> memref<128xi32, #tpu.memory_space<hbm>>
        %dma_start3A_96 = tpu.memref_slice %arg3[%add3A_94] : memref<327680xi32, #tpu.memory_space<hbm>> -> memref<128xi32, #tpu.memory_space<hbm>>
        tpu.enqueue_dma source(%dma_start3A_96 : memref<128xi32, #tpu.memory_space<hbm>>) target(%arg9 : memref<128xi32, #tpu.memory_space<vmem>>) target_semaphore(%arg14 : memref<!tpu.dma_semaphore, #tpu.memory_space<semaphore_mem>>)
      } else {
      }
    }
    %scan3A_32 = arith.constant 40 : i32
    %barrier3A_33 = arith.constant 0 : index
    tpu.barrier barrier_id(%barrier3A_33)
    %mul3A_34 = arith.constant 10112 : i32
    %mul3A_35 = arith.muli %arg0, %mul3A_34 : i32
    %add3A_36 = arith.addi %mul3A_35, %mul3A_6 : i32
    "tpu.region"() ({
      %run_scoped3A = tpu.sem_alloc : memref<!tpu.dma_semaphore, #tpu.memory_space<semaphore_mem>>
      %dma_start3A_37 = arith.constant 0 : i32
      %dma_start3A_38 = tpu.memref_slice %arg5[%add3A_36, %dma_start3A_37] : memref<20224x128xf32, #tpu.memory_space<hbm>> -> memref<632x128xf32, #tpu.memory_space<hbm>>
      %dma_start3A_39 = arith.constant 0 : i32
      %dma_start3A_40 = tpu.memref_slice %arg10[%mul3A_6, %dma_start3A_39] : memref<10112x128xf32, #tpu.memory_space<vmem_shared>> -> memref<632x128xf32, #tpu.memory_space<vmem_shared>>
      tpu.enqueue_dma source(%dma_start3A_40 : memref<632x128xf32, #tpu.memory_space<vmem_shared>>) target(%dma_start3A_38 : memref<632x128xf32, #tpu.memory_space<hbm>>) target_semaphore(%run_scoped3A : memref<!tpu.dma_semaphore, #tpu.memory_space<semaphore_mem>>)
      %dma_wait3A_41 = arith.constant 0 : i32
      %dma_wait3A_42 = tpu.memref_slice %arg5[%add3A_36, %dma_wait3A_41] : memref<20224x128xf32, #tpu.memory_space<hbm>> -> memref<632x128xf32, #tpu.memory_space<hbm>>
      %dma_wait3A_43 = arith.constant 0 : i32
      %dma_wait3A_44 = tpu.memref_slice %arg10[%mul3A_6, %dma_wait3A_43] : memref<10112x128xf32, #tpu.memory_space<vmem_shared>> -> memref<632x128xf32, #tpu.memory_space<vmem_shared>>
      tpu.wait_dma2 semaphore(%run_scoped3A : memref<!tpu.dma_semaphore, #tpu.memory_space<semaphore_mem>>) src(%dma_wait3A_44 : memref<632x128xf32, #tpu.memory_space<vmem_shared>>) dst(%dma_wait3A_42 : memref<632x128xf32, #tpu.memory_space<hbm>>)
      tpu.yield
    }) : () -> ()
    return
  }
}

#map = affine_map<(d0, d1) -> (0, 0)>
#map1 = affine_map<(d0, d1) -> (0)>
module attributes {stable_mosaic.version = 14 : i64} {
  func.func @k(%arg0: i32, %arg1: i32, %arg2: memref<10000x128xf32, #tpu.memory_space<hbm>>, %arg3: memref<327680xi32, #tpu.memory_space<hbm>>, %arg4: memref<327680x128xf32, #tpu.memory_space<hbm>>, %arg5: memref<128x128xf32, #tpu.memory_space<vmem>>, %arg6: memref<128x128xf32, #tpu.memory_space<vmem>>, %arg7: memref<128xi32, #tpu.memory_space<vmem>>, %arg8: memref<128xi32, #tpu.memory_space<vmem>>, %arg9: memref<!tpu.dma_semaphore, #tpu.memory_space<semaphore_mem>>, %arg10: memref<!tpu.dma_semaphore, #tpu.memory_space<semaphore_mem>>, %arg11: memref<!tpu.dma_semaphore, #tpu.memory_space<semaphore_mem>>, %arg12: memref<!tpu.dma_semaphore, #tpu.memory_space<semaphore_mem>>, %arg13: memref<!tpu.dma_semaphore, #tpu.memory_space<semaphore_mem>>) attributes {dimension_semantics = [#tpu.dimension_semantics<core_parallel>, #tpu.dimension_semantics<subcore_parallel>], iteration_bounds = array<i64: 2, 16>, scalar_prefetch = 0 : i64, scratch_operands = 9 : i64, tpu.core_type = #tpu.core_type<sc_vector_subcore>, window_params = [{transform_indices = #map}, {transform_indices = #map1}, {transform_indices = #map}]} {
    %mul3A = arith.constant 2 : i32
    %mul3A_0 = arith.muli %arg1, %mul3A : i32
    %add3A = arith.addi %mul3A_0, %arg0 : i32
    %mul3A_1 = arith.constant 80 : i32
    %mul3A_2 = arith.muli %add3A, %mul3A_1 : i32
    %mul3A_3 = arith.constant 128 : i32
    %mul3A_4 = arith.muli %mul3A_2, %mul3A_3 : i32
    %add3A_5 = arith.constant 0 : i32
    %add3A_6 = arith.addi %mul3A_4, %add3A_5 : i32
    %dma_start3A = tpu.memref_slice %arg3[%add3A_6] : memref<327680xi32, #tpu.memory_space<hbm>> -> memref<128xi32, #tpu.memory_space<hbm>>
    %dma_start3A_7 = tpu.memref_slice %arg3[%add3A_6] : memref<327680xi32, #tpu.memory_space<hbm>> -> memref<128xi32, #tpu.memory_space<hbm>>
    tpu.enqueue_dma source(%dma_start3A_7 : memref<128xi32, #tpu.memory_space<hbm>>) target(%arg7 : memref<128xi32, #tpu.memory_space<vmem>>) target_semaphore(%arg9 : memref<!tpu.dma_semaphore, #tpu.memory_space<semaphore_mem>>)
    %add3A_8 = arith.constant 128 : i32
    %add3A_9 = arith.addi %mul3A_4, %add3A_8 : i32
    %dma_start3A_10 = tpu.memref_slice %arg3[%add3A_9] : memref<327680xi32, #tpu.memory_space<hbm>> -> memref<128xi32, #tpu.memory_space<hbm>>
    %dma_start3A_11 = tpu.memref_slice %arg3[%add3A_9] : memref<327680xi32, #tpu.memory_space<hbm>> -> memref<128xi32, #tpu.memory_space<hbm>>
    tpu.enqueue_dma source(%dma_start3A_11 : memref<128xi32, #tpu.memory_space<hbm>>) target(%arg8 : memref<128xi32, #tpu.memory_space<vmem>>) target_semaphore(%arg10 : memref<!tpu.dma_semaphore, #tpu.memory_space<semaphore_mem>>)
    %scan3A = arith.constant 0 : i32
    %scan3A_12 = arith.constant 40 : i32
    %scan3A_13 = arith.addi %scan3A, %scan3A_12 : i32
    %scan3A_14 = arith.constant 1 : i32
    scf.for %scan3A_27 = %scan3A to %scan3A_13 step %scan3A_14  : i32 {
      %mul3A_28 = arith.constant 2 : i32
      %mul3A_29 = arith.muli %scan3A_27, %mul3A_28 : i32
      %add3A_30 = arith.constant 0 : i32
      %add3A_31 = arith.addi %add3A_30, %mul3A_29 : i32
      %add3A_32 = arith.constant 0 : i32
      %add3A_33 = arith.addi %add3A_31, %add3A_32 : i32
      %mul3A_34 = arith.constant 128 : i32
      %mul3A_35 = arith.muli %add3A_33, %mul3A_34 : i32
      %add3A_36 = arith.addi %mul3A_4, %mul3A_35 : i32
      %dma_wait3A_37 = tpu.memref_slice %arg3[%add3A_36] : memref<327680xi32, #tpu.memory_space<hbm>> -> memref<128xi32, #tpu.memory_space<hbm>>
      %dma_wait3A_38 = tpu.memref_slice %arg3[%add3A_36] : memref<327680xi32, #tpu.memory_space<hbm>> -> memref<128xi32, #tpu.memory_space<hbm>>
      tpu.wait_dma2 semaphore(%arg9 : memref<!tpu.dma_semaphore, #tpu.memory_space<semaphore_mem>>) src(%dma_wait3A_38 : memref<128xi32, #tpu.memory_space<hbm>>) dst(%arg7 : memref<128xi32, #tpu.memory_space<vmem>>)
      %ge3A = arith.constant 2 : i32
      %ge3A_39 = arith.cmpi sge, %add3A_33, %ge3A : i32
      %convert_element_type3A = arith.extui %ge3A_39 : i1 to i32
      %cond3A = arith.constant 0 : i32
      %cond3A_40 = arith.cmpi ne, %convert_element_type3A, %cond3A : i32
      scf.if %cond3A_40 {
        %mul3A_92 = arith.constant 128 : i32
        %mul3A_93 = arith.muli %add3A_33, %mul3A_92 : i32
        %add3A_94 = arith.addi %mul3A_4, %mul3A_93 : i32
        %dma_wait3A_95 = arith.constant 0 : i32
        %dma_wait3A_96 = tpu.memref_slice %arg4[%add3A_94, %dma_wait3A_95] : memref<327680x128xf32, #tpu.memory_space<hbm>> -> memref<128x128xf32, #tpu.memory_space<hbm>>
        %dma_wait3A_97 = arith.constant 0 : i32
        %dma_wait3A_98 = tpu.memref_slice %arg4[%add3A_94, %dma_wait3A_97] : memref<327680x128xf32, #tpu.memory_space<hbm>> -> memref<128x128xf32, #tpu.memory_space<hbm>>
        tpu.wait_dma2 semaphore(%arg12 : memref<!tpu.dma_semaphore, #tpu.memory_space<semaphore_mem>>) src(%arg5 : memref<128x128xf32, #tpu.memory_space<vmem>>) dst(%dma_wait3A_98 : memref<128x128xf32, #tpu.memory_space<hbm>>)
      } else {
      }
      %dma_start3A_41 = arith.constant 0 : i32
      %dma_start3A_42 = arith.constant 0 : i32
      %dma_start3A_43 = tpu.memref_slice %arg2[%dma_start3A_41, %dma_start3A_42] : memref<10000x128xf32, #tpu.memory_space<hbm>> -> memref<10000x128xf32, #tpu.memory_space<hbm>>
      tpu.enqueue_indirect_dma source(%dma_start3A_43 : memref<10000x128xf32, #tpu.memory_space<hbm>>) target(%arg5 : memref<128x128xf32, #tpu.memory_space<vmem>>) offsets(%arg7 : memref<128xi32, #tpu.memory_space<vmem>>) semaphore(%arg11 : memref<!tpu.dma_semaphore, #tpu.memory_space<semaphore_mem>>)
      %dma_wait3A_44 = arith.constant 0 : i32
      %dma_wait3A_45 = arith.constant 0 : i32
      %dma_wait3A_46 = tpu.memref_slice %arg2[%dma_wait3A_44, %dma_wait3A_45] : memref<10000x128xf32, #tpu.memory_space<hbm>> -> memref<10000x128xf32, #tpu.memory_space<hbm>>
      tpu.wait_indirect_dma semaphore(%arg11 : memref<!tpu.dma_semaphore, #tpu.memory_space<semaphore_mem>>) src(%dma_wait3A_46 : memref<10000x128xf32, #tpu.memory_space<hbm>>) dst(%arg5 : memref<128x128xf32, #tpu.memory_space<vmem>>)
      %mul3A_47 = arith.constant 128 : i32
      %mul3A_48 = arith.muli %add3A_33, %mul3A_47 : i32
      %add3A_49 = arith.addi %mul3A_4, %mul3A_48 : i32
      %dma_start3A_50 = arith.constant 0 : i32
      %dma_start3A_51 = tpu.memref_slice %arg4[%add3A_49, %dma_start3A_50] : memref<327680x128xf32, #tpu.memory_space<hbm>> -> memref<128x128xf32, #tpu.memory_space<hbm>>
      %dma_start3A_52 = arith.constant 0 : i32
      %dma_start3A_53 = tpu.memref_slice %arg4[%add3A_49, %dma_start3A_52] : memref<327680x128xf32, #tpu.memory_space<hbm>> -> memref<128x128xf32, #tpu.memory_space<hbm>>
      tpu.enqueue_dma source(%arg5 : memref<128x128xf32, #tpu.memory_space<vmem>>) target(%dma_start3A_53 : memref<128x128xf32, #tpu.memory_space<hbm>>) target_semaphore(%arg12 : memref<!tpu.dma_semaphore, #tpu.memory_space<semaphore_mem>>)
      %add3A_54 = arith.constant 2 : i32
      %add3A_55 = arith.addi %add3A_33, %add3A_54 : i32
      %lt3A = arith.constant 80 : i32
      %lt3A_56 = arith.cmpi slt, %add3A_55, %lt3A : i32
      %convert_element_type3A_57 = arith.extui %lt3A_56 : i1 to i32
      %cond3A_58 = arith.constant 0 : i32
      %cond3A_59 = arith.cmpi ne, %convert_element_type3A_57, %cond3A_58 : i32
      scf.if %cond3A_59 {
        %add3A_92 = arith.constant 2 : i32
        %add3A_93 = arith.addi %add3A_33, %add3A_92 : i32
        %mul3A_94 = arith.constant 128 : i32
        %mul3A_95 = arith.muli %add3A_93, %mul3A_94 : i32
        %add3A_96 = arith.addi %mul3A_4, %mul3A_95 : i32
        %dma_start3A_97 = tpu.memref_slice %arg3[%add3A_96] : memref<327680xi32, #tpu.memory_space<hbm>> -> memref<128xi32, #tpu.memory_space<hbm>>
        %dma_start3A_98 = tpu.memref_slice %arg3[%add3A_96] : memref<327680xi32, #tpu.memory_space<hbm>> -> memref<128xi32, #tpu.memory_space<hbm>>
        tpu.enqueue_dma source(%dma_start3A_98 : memref<128xi32, #tpu.memory_space<hbm>>) target(%arg7 : memref<128xi32, #tpu.memory_space<vmem>>) target_semaphore(%arg9 : memref<!tpu.dma_semaphore, #tpu.memory_space<semaphore_mem>>)
      } else {
      }
      %add3A_60 = arith.constant 1 : i32
      %add3A_61 = arith.addi %add3A_31, %add3A_60 : i32
      %mul3A_62 = arith.constant 128 : i32
      %mul3A_63 = arith.muli %add3A_61, %mul3A_62 : i32
      %add3A_64 = arith.addi %mul3A_4, %mul3A_63 : i32
      %dma_wait3A_65 = tpu.memref_slice %arg3[%add3A_64] : memref<327680xi32, #tpu.memory_space<hbm>> -> memref<128xi32, #tpu.memory_space<hbm>>
      %dma_wait3A_66 = tpu.memref_slice %arg3[%add3A_64] : memref<327680xi32, #tpu.memory_space<hbm>> -> memref<128xi32, #tpu.memory_space<hbm>>
      tpu.wait_dma2 semaphore(%arg10 : memref<!tpu.dma_semaphore, #tpu.memory_space<semaphore_mem>>) src(%dma_wait3A_66 : memref<128xi32, #tpu.memory_space<hbm>>) dst(%arg8 : memref<128xi32, #tpu.memory_space<vmem>>)
      %ge3A_67 = arith.constant 2 : i32
      %ge3A_68 = arith.cmpi sge, %add3A_61, %ge3A_67 : i32
      %convert_element_type3A_69 = arith.extui %ge3A_68 : i1 to i32
      %cond3A_70 = arith.constant 0 : i32
      %cond3A_71 = arith.cmpi ne, %convert_element_type3A_69, %cond3A_70 : i32
      scf.if %cond3A_71 {
        %mul3A_92 = arith.constant 128 : i32
        %mul3A_93 = arith.muli %add3A_61, %mul3A_92 : i32
        %add3A_94 = arith.addi %mul3A_4, %mul3A_93 : i32
        %dma_wait3A_95 = arith.constant 0 : i32
        %dma_wait3A_96 = tpu.memref_slice %arg4[%add3A_94, %dma_wait3A_95] : memref<327680x128xf32, #tpu.memory_space<hbm>> -> memref<128x128xf32, #tpu.memory_space<hbm>>
        %dma_wait3A_97 = arith.constant 0 : i32
        %dma_wait3A_98 = tpu.memref_slice %arg4[%add3A_94, %dma_wait3A_97] : memref<327680x128xf32, #tpu.memory_space<hbm>> -> memref<128x128xf32, #tpu.memory_space<hbm>>
        tpu.wait_dma2 semaphore(%arg13 : memref<!tpu.dma_semaphore, #tpu.memory_space<semaphore_mem>>) src(%arg6 : memref<128x128xf32, #tpu.memory_space<vmem>>) dst(%dma_wait3A_98 : memref<128x128xf32, #tpu.memory_space<hbm>>)
      } else {
      }
      %dma_start3A_72 = arith.constant 0 : i32
      %dma_start3A_73 = arith.constant 0 : i32
      %dma_start3A_74 = tpu.memref_slice %arg2[%dma_start3A_72, %dma_start3A_73] : memref<10000x128xf32, #tpu.memory_space<hbm>> -> memref<10000x128xf32, #tpu.memory_space<hbm>>
      tpu.enqueue_indirect_dma source(%dma_start3A_74 : memref<10000x128xf32, #tpu.memory_space<hbm>>) target(%arg6 : memref<128x128xf32, #tpu.memory_space<vmem>>) offsets(%arg8 : memref<128xi32, #tpu.memory_space<vmem>>) semaphore(%arg11 : memref<!tpu.dma_semaphore, #tpu.memory_space<semaphore_mem>>)
      %dma_wait3A_75 = arith.constant 0 : i32
      %dma_wait3A_76 = arith.constant 0 : i32
      %dma_wait3A_77 = tpu.memref_slice %arg2[%dma_wait3A_75, %dma_wait3A_76] : memref<10000x128xf32, #tpu.memory_space<hbm>> -> memref<10000x128xf32, #tpu.memory_space<hbm>>
      tpu.wait_indirect_dma semaphore(%arg11 : memref<!tpu.dma_semaphore, #tpu.memory_space<semaphore_mem>>) src(%dma_wait3A_77 : memref<10000x128xf32, #tpu.memory_space<hbm>>) dst(%arg6 : memref<128x128xf32, #tpu.memory_space<vmem>>)
      %mul3A_78 = arith.constant 128 : i32
      %mul3A_79 = arith.muli %add3A_61, %mul3A_78 : i32
      %add3A_80 = arith.addi %mul3A_4, %mul3A_79 : i32
      %dma_start3A_81 = arith.constant 0 : i32
      %dma_start3A_82 = tpu.memref_slice %arg4[%add3A_80, %dma_start3A_81] : memref<327680x128xf32, #tpu.memory_space<hbm>> -> memref<128x128xf32, #tpu.memory_space<hbm>>
      %dma_start3A_83 = arith.constant 0 : i32
      %dma_start3A_84 = tpu.memref_slice %arg4[%add3A_80, %dma_start3A_83] : memref<327680x128xf32, #tpu.memory_space<hbm>> -> memref<128x128xf32, #tpu.memory_space<hbm>>
      tpu.enqueue_dma source(%arg6 : memref<128x128xf32, #tpu.memory_space<vmem>>) target(%dma_start3A_84 : memref<128x128xf32, #tpu.memory_space<hbm>>) target_semaphore(%arg13 : memref<!tpu.dma_semaphore, #tpu.memory_space<semaphore_mem>>)
      %add3A_85 = arith.constant 2 : i32
      %add3A_86 = arith.addi %add3A_61, %add3A_85 : i32
      %lt3A_87 = arith.constant 80 : i32
      %lt3A_88 = arith.cmpi slt, %add3A_86, %lt3A_87 : i32
      %convert_element_type3A_89 = arith.extui %lt3A_88 : i1 to i32
      %cond3A_90 = arith.constant 0 : i32
      %cond3A_91 = arith.cmpi ne, %convert_element_type3A_89, %cond3A_90 : i32
      scf.if %cond3A_91 {
        %add3A_92 = arith.constant 2 : i32
        %add3A_93 = arith.addi %add3A_61, %add3A_92 : i32
        %mul3A_94 = arith.constant 128 : i32
        %mul3A_95 = arith.muli %add3A_93, %mul3A_94 : i32
        %add3A_96 = arith.addi %mul3A_4, %mul3A_95 : i32
        %dma_start3A_97 = tpu.memref_slice %arg3[%add3A_96] : memref<327680xi32, #tpu.memory_space<hbm>> -> memref<128xi32, #tpu.memory_space<hbm>>
        %dma_start3A_98 = tpu.memref_slice %arg3[%add3A_96] : memref<327680xi32, #tpu.memory_space<hbm>> -> memref<128xi32, #tpu.memory_space<hbm>>
        tpu.enqueue_dma source(%dma_start3A_98 : memref<128xi32, #tpu.memory_space<hbm>>) target(%arg8 : memref<128xi32, #tpu.memory_space<vmem>>) target_semaphore(%arg10 : memref<!tpu.dma_semaphore, #tpu.memory_space<semaphore_mem>>)
      } else {
      }
    }
    %scan3A_15 = arith.constant 40 : i32
    %add3A_16 = arith.constant 0 : i32
    %add3A_17 = arith.addi %mul3A_4, %add3A_16 : i32
    %dma_wait3A = arith.constant 0 : i32
    %dma_wait3A_18 = tpu.memref_slice %arg4[%add3A_17, %dma_wait3A] : memref<327680x128xf32, #tpu.memory_space<hbm>> -> memref<128x128xf32, #tpu.memory_space<hbm>>
    %dma_wait3A_19 = arith.constant 0 : i32
    %dma_wait3A_20 = tpu.memref_slice %arg4[%add3A_17, %dma_wait3A_19] : memref<327680x128xf32, #tpu.memory_space<hbm>> -> memref<128x128xf32, #tpu.memory_space<hbm>>
    tpu.wait_dma2 semaphore(%arg12 : memref<!tpu.dma_semaphore, #tpu.memory_space<semaphore_mem>>) src(%arg5 : memref<128x128xf32, #tpu.memory_space<vmem>>) dst(%dma_wait3A_20 : memref<128x128xf32, #tpu.memory_space<hbm>>)
    %add3A_21 = arith.constant 128 : i32
    %add3A_22 = arith.addi %mul3A_4, %add3A_21 : i32
    %dma_wait3A_23 = arith.constant 0 : i32
    %dma_wait3A_24 = tpu.memref_slice %arg4[%add3A_22, %dma_wait3A_23] : memref<327680x128xf32, #tpu.memory_space<hbm>> -> memref<128x128xf32, #tpu.memory_space<hbm>>
    %dma_wait3A_25 = arith.constant 0 : i32
    %dma_wait3A_26 = tpu.memref_slice %arg4[%add3A_22, %dma_wait3A_25] : memref<327680x128xf32, #tpu.memory_space<hbm>> -> memref<128x128xf32, #tpu.memory_space<hbm>>
    tpu.wait_dma2 semaphore(%arg13 : memref<!tpu.dma_semaphore, #tpu.memory_space<semaphore_mem>>) src(%arg6 : memref<128x128xf32, #tpu.memory_space<vmem>>) dst(%dma_wait3A_26 : memref<128x128xf32, #tpu.memory_space<hbm>>)
    return
  }
}

#map = affine_map<(d0, d1) -> (0, 0)>
#map1 = affine_map<(d0, d1) -> (0)>
module attributes {stable_mosaic.version = 14 : i64} {
  func.func @k(%arg0: i32, %arg1: i32, %arg2: memref<327680x128xf32, #tpu.memory_space<hbm>>, %arg3: memref<327680xi32, #tpu.memory_space<hbm>>, %arg4: memref<632x128xf32, #tpu.memory_space<hbm>>, %arg5: memref<20224x128xf32, #tpu.memory_space<hbm>>, %arg6: memref<128x128xf32, #tpu.memory_space<vmem>>, %arg7: memref<128x128xf32, #tpu.memory_space<vmem>>, %arg8: memref<128xi32, #tpu.memory_space<vmem>>, %arg9: memref<128xi32, #tpu.memory_space<vmem>>, %arg10: memref<10112x128xf32, #tpu.memory_space<vmem_shared>>, %arg11: memref<!tpu.dma_semaphore, #tpu.memory_space<semaphore_mem>>, %arg12: memref<!tpu.dma_semaphore, #tpu.memory_space<semaphore_mem>>, %arg13: memref<!tpu.dma_semaphore, #tpu.memory_space<semaphore_mem>>, %arg14: memref<!tpu.dma_semaphore, #tpu.memory_space<semaphore_mem>>, %arg15: memref<!tpu.dma_semaphore, #tpu.memory_space<semaphore_mem>>) attributes {dimension_semantics = [#tpu.dimension_semantics<core_parallel>, #tpu.dimension_semantics<subcore_parallel>], iteration_bounds = array<i64: 2, 16>, scalar_prefetch = 0 : i64, scratch_operands = 10 : i64, tpu.core_type = #tpu.core_type<sc_vector_subcore>, window_params = [{transform_indices = #map}, {transform_indices = #map1}, {transform_indices = #map}, {transform_indices = #map}]} {
    %mul3A = arith.constant 2 : i32
    %mul3A_0 = arith.muli %arg1, %mul3A : i32
    %add3A = arith.addi %mul3A_0, %arg0 : i32
    %mul3A_1 = arith.constant 80 : i32
    %mul3A_2 = arith.muli %add3A, %mul3A_1 : i32
    %mul3A_3 = arith.constant 128 : i32
    %mul3A_4 = arith.muli %mul3A_2, %mul3A_3 : i32
    %mul3A_5 = arith.constant 632 : i32
    %mul3A_6 = arith.muli %arg1, %mul3A_5 : i32
    %dma_start3A = arith.constant 0 : i32
    %dma_start3A_7 = tpu.memref_slice %arg10[%mul3A_6, %dma_start3A] : memref<10112x128xf32, #tpu.memory_space<vmem_shared>> -> memref<632x128xf32, #tpu.memory_space<vmem_shared>>
    tpu.enqueue_dma source(%arg4 : memref<632x128xf32, #tpu.memory_space<hbm>>) target(%dma_start3A_7 : memref<632x128xf32, #tpu.memory_space<vmem_shared>>) target_semaphore(%arg15 : memref<!tpu.dma_semaphore, #tpu.memory_space<semaphore_mem>>)
    %dma_wait3A = arith.constant 0 : i32
    %dma_wait3A_8 = tpu.memref_slice %arg10[%mul3A_6, %dma_wait3A] : memref<10112x128xf32, #tpu.memory_space<vmem_shared>> -> memref<632x128xf32, #tpu.memory_space<vmem_shared>>
    tpu.wait_dma2 semaphore(%arg15 : memref<!tpu.dma_semaphore, #tpu.memory_space<semaphore_mem>>) src(%arg4 : memref<632x128xf32, #tpu.memory_space<hbm>>) dst(%dma_wait3A_8 : memref<632x128xf32, #tpu.memory_space<vmem_shared>>)
    %barrier3A = arith.constant 0 : index
    tpu.barrier barrier_id(%barrier3A)
    %add3A_9 = arith.constant 0 : i32
    %add3A_10 = arith.addi %mul3A_4, %add3A_9 : i32
    %dma_start3A_11 = arith.constant 0 : i32
    %dma_start3A_12 = tpu.memref_slice %arg2[%add3A_10, %dma_start3A_11] : memref<327680x128xf32, #tpu.memory_space<hbm>> -> memref<128x128xf32, #tpu.memory_space<hbm>>
    %dma_start3A_13 = arith.constant 0 : i32
    %dma_start3A_14 = tpu.memref_slice %arg2[%add3A_10, %dma_start3A_13] : memref<327680x128xf32, #tpu.memory_space<hbm>> -> memref<128x128xf32, #tpu.memory_space<hbm>>
    tpu.enqueue_dma source(%dma_start3A_14 : memref<128x128xf32, #tpu.memory_space<hbm>>) target(%arg6 : memref<128x128xf32, #tpu.memory_space<vmem>>) target_semaphore(%arg11 : memref<!tpu.dma_semaphore, #tpu.memory_space<semaphore_mem>>)
    %add3A_15 = arith.constant 0 : i32
    %add3A_16 = arith.addi %mul3A_4, %add3A_15 : i32
    %dma_start3A_17 = tpu.memref_slice %arg3[%add3A_16] : memref<327680xi32, #tpu.memory_space<hbm>> -> memref<128xi32, #tpu.memory_space<hbm>>
    %dma_start3A_18 = tpu.memref_slice %arg3[%add3A_16] : memref<327680xi32, #tpu.memory_space<hbm>> -> memref<128xi32, #tpu.memory_space<hbm>>
    tpu.enqueue_dma source(%dma_start3A_18 : memref<128xi32, #tpu.memory_space<hbm>>) target(%arg8 : memref<128xi32, #tpu.memory_space<vmem>>) target_semaphore(%arg13 : memref<!tpu.dma_semaphore, #tpu.memory_space<semaphore_mem>>)
    %add3A_19 = arith.constant 128 : i32
    %add3A_20 = arith.addi %mul3A_4, %add3A_19 : i32
    %dma_start3A_21 = arith.constant 0 : i32
    %dma_start3A_22 = tpu.memref_slice %arg2[%add3A_20, %dma_start3A_21] : memref<327680x128xf32, #tpu.memory_space<hbm>> -> memref<128x128xf32, #tpu.memory_space<hbm>>
    %dma_start3A_23 = arith.constant 0 : i32
    %dma_start3A_24 = tpu.memref_slice %arg2[%add3A_20, %dma_start3A_23] : memref<327680x128xf32, #tpu.memory_space<hbm>> -> memref<128x128xf32, #tpu.memory_space<hbm>>
    tpu.enqueue_dma source(%dma_start3A_24 : memref<128x128xf32, #tpu.memory_space<hbm>>) target(%arg7 : memref<128x128xf32, #tpu.memory_space<vmem>>) target_semaphore(%arg12 : memref<!tpu.dma_semaphore, #tpu.memory_space<semaphore_mem>>)
    %add3A_25 = arith.constant 128 : i32
    %add3A_26 = arith.addi %mul3A_4, %add3A_25 : i32
    %dma_start3A_27 = tpu.memref_slice %arg3[%add3A_26] : memref<327680xi32, #tpu.memory_space<hbm>> -> memref<128xi32, #tpu.memory_space<hbm>>
    %dma_start3A_28 = tpu.memref_slice %arg3[%add3A_26] : memref<327680xi32, #tpu.memory_space<hbm>> -> memref<128xi32, #tpu.memory_space<hbm>>
    tpu.enqueue_dma source(%dma_start3A_28 : memref<128xi32, #tpu.memory_space<hbm>>) target(%arg9 : memref<128xi32, #tpu.memory_space<vmem>>) target_semaphore(%arg14 : memref<!tpu.dma_semaphore, #tpu.memory_space<semaphore_mem>>)
    %scan3A = arith.constant 0 : i32
    %scan3A_29 = arith.constant 40 : i32
    %scan3A_30 = arith.addi %scan3A, %scan3A_29 : i32
    %scan3A_31 = arith.constant 1 : i32
    scf.for %scan3A_37 = %scan3A to %scan3A_30 step %scan3A_31  : i32 {
      %mul3A_38 = arith.constant 2 : i32
      %mul3A_39 = arith.muli %scan3A_37, %mul3A_38 : i32
      %add3A_40 = arith.constant 0 : i32
      %add3A_41 = arith.addi %add3A_40, %mul3A_39 : i32
      %add3A_42 = arith.constant 0 : i32
      %add3A_43 = arith.addi %add3A_41, %add3A_42 : i32
      %mul3A_44 = arith.constant 128 : i32
      %mul3A_45 = arith.muli %add3A_43, %mul3A_44 : i32
      %add3A_46 = arith.addi %mul3A_4, %mul3A_45 : i32
      %dma_wait3A_47 = arith.constant 0 : i32
      %dma_wait3A_48 = tpu.memref_slice %arg2[%add3A_46, %dma_wait3A_47] : memref<327680x128xf32, #tpu.memory_space<hbm>> -> memref<128x128xf32, #tpu.memory_space<hbm>>
      %dma_wait3A_49 = arith.constant 0 : i32
      %dma_wait3A_50 = tpu.memref_slice %arg2[%add3A_46, %dma_wait3A_49] : memref<327680x128xf32, #tpu.memory_space<hbm>> -> memref<128x128xf32, #tpu.memory_space<hbm>>
      tpu.wait_dma2 semaphore(%arg11 : memref<!tpu.dma_semaphore, #tpu.memory_space<semaphore_mem>>) src(%dma_wait3A_50 : memref<128x128xf32, #tpu.memory_space<hbm>>) dst(%arg6 : memref<128x128xf32, #tpu.memory_space<vmem>>)
      %mul3A_51 = arith.constant 128 : i32
      %mul3A_52 = arith.muli %add3A_43, %mul3A_51 : i32
      %add3A_53 = arith.addi %mul3A_4, %mul3A_52 : i32
      %dma_wait3A_54 = tpu.memref_slice %arg3[%add3A_53] : memref<327680xi32, #tpu.memory_space<hbm>> -> memref<128xi32, #tpu.memory_space<hbm>>
      %dma_wait3A_55 = tpu.memref_slice %arg3[%add3A_53] : memref<327680xi32, #tpu.memory_space<hbm>> -> memref<128xi32, #tpu.memory_space<hbm>>
      tpu.wait_dma2 semaphore(%arg13 : memref<!tpu.dma_semaphore, #tpu.memory_space<semaphore_mem>>) src(%dma_wait3A_55 : memref<128xi32, #tpu.memory_space<hbm>>) dst(%arg8 : memref<128xi32, #tpu.memory_space<vmem>>)
      "tpu.region"() ({
        %run_scoped3A = tpu.sem_alloc : memref<!tpu.dma_semaphore, #tpu.memory_space<semaphore_mem>>
        %dma_start3A_81 = arith.constant 0 : i32
        %dma_start3A_82 = arith.constant 0 : i32
        %dma_start3A_83 = tpu.memref_slice %arg10[%dma_start3A_81, %dma_start3A_82] : memref<10112x128xf32, #tpu.memory_space<vmem_shared>> -> memref<10112x128xf32, #tpu.memory_space<vmem_shared>>
        tpu.enqueue_indirect_dma source(%arg6 : memref<128x128xf32, #tpu.memory_space<vmem>>) target(%dma_start3A_83 : memref<10112x128xf32, #tpu.memory_space<vmem_shared>>) offsets(%arg8 : memref<128xi32, #tpu.memory_space<vmem>>) semaphore(%run_scoped3A : memref<!tpu.dma_semaphore, #tpu.memory_space<semaphore_mem>>) {add = true}
        %dma_wait3A_84 = arith.constant 0 : i32
        %dma_wait3A_85 = arith.constant 0 : i32
        %dma_wait3A_86 = tpu.memref_slice %arg10[%dma_wait3A_84, %dma_wait3A_85] : memref<10112x128xf32, #tpu.memory_space<vmem_shared>> -> memref<10112x128xf32, #tpu.memory_space<vmem_shared>>
        tpu.wait_indirect_dma semaphore(%run_scoped3A : memref<!tpu.dma_semaphore, #tpu.memory_space<semaphore_mem>>) src(%arg6 : memref<128x128xf32, #tpu.memory_space<vmem>>) dst(%dma_wait3A_86 : memref<10112x128xf32, #tpu.memory_space<vmem_shared>>)
        tpu.yield
      }) : () -> ()
      %add3A_56 = arith.constant 2 : i32
      %add3A_57 = arith.addi %add3A_43, %add3A_56 : i32
      %lt3A = arith.constant 80 : i32
      %lt3A_58 = arith.cmpi slt, %add3A_57, %lt3A : i32
      %convert_element_type3A = arith.extui %lt3A_58 : i1 to i32
      %cond3A = arith.constant 0 : i32
      %cond3A_59 = arith.cmpi ne, %convert_element_type3A, %cond3A : i32
      scf.if %cond3A_59 {
        %add3A_81 = arith.constant 2 : i32
        %add3A_82 = arith.addi %add3A_43, %add3A_81 : i32
        %mul3A_83 = arith.constant 128 : i32
        %mul3A_84 = arith.muli %add3A_82, %mul3A_83 : i32
        %add3A_85 = arith.addi %mul3A_4, %mul3A_84 : i32
        %dma_start3A_86 = arith.constant 0 : i32
        %dma_start3A_87 = tpu.memref_slice %arg2[%add3A_85, %dma_start3A_86] : memref<327680x128xf32, #tpu.memory_space<hbm>> -> memref<128x128xf32, #tpu.memory_space<hbm>>
        %dma_start3A_88 = arith.constant 0 : i32
        %dma_start3A_89 = tpu.memref_slice %arg2[%add3A_85, %dma_start3A_88] : memref<327680x128xf32, #tpu.memory_space<hbm>> -> memref<128x128xf32, #tpu.memory_space<hbm>>
        tpu.enqueue_dma source(%dma_start3A_89 : memref<128x128xf32, #tpu.memory_space<hbm>>) target(%arg6 : memref<128x128xf32, #tpu.memory_space<vmem>>) target_semaphore(%arg11 : memref<!tpu.dma_semaphore, #tpu.memory_space<semaphore_mem>>)
        %add3A_90 = arith.constant 2 : i32
        %add3A_91 = arith.addi %add3A_43, %add3A_90 : i32
        %mul3A_92 = arith.constant 128 : i32
        %mul3A_93 = arith.muli %add3A_91, %mul3A_92 : i32
        %add3A_94 = arith.addi %mul3A_4, %mul3A_93 : i32
        %dma_start3A_95 = tpu.memref_slice %arg3[%add3A_94] : memref<327680xi32, #tpu.memory_space<hbm>> -> memref<128xi32, #tpu.memory_space<hbm>>
        %dma_start3A_96 = tpu.memref_slice %arg3[%add3A_94] : memref<327680xi32, #tpu.memory_space<hbm>> -> memref<128xi32, #tpu.memory_space<hbm>>
        tpu.enqueue_dma source(%dma_start3A_96 : memref<128xi32, #tpu.memory_space<hbm>>) target(%arg8 : memref<128xi32, #tpu.memory_space<vmem>>) target_semaphore(%arg13 : memref<!tpu.dma_semaphore, #tpu.memory_space<semaphore_mem>>)
      } else {
      }
      %add3A_60 = arith.constant 1 : i32
      %add3A_61 = arith.addi %add3A_41, %add3A_60 : i32
      %mul3A_62 = arith.constant 128 : i32
      %mul3A_63 = arith.muli %add3A_61, %mul3A_62 : i32
      %add3A_64 = arith.addi %mul3A_4, %mul3A_63 : i32
      %dma_wait3A_65 = arith.constant 0 : i32
      %dma_wait3A_66 = tpu.memref_slice %arg2[%add3A_64, %dma_wait3A_65] : memref<327680x128xf32, #tpu.memory_space<hbm>> -> memref<128x128xf32, #tpu.memory_space<hbm>>
      %dma_wait3A_67 = arith.constant 0 : i32
      %dma_wait3A_68 = tpu.memref_slice %arg2[%add3A_64, %dma_wait3A_67] : memref<327680x128xf32, #tpu.memory_space<hbm>> -> memref<128x128xf32, #tpu.memory_space<hbm>>
      tpu.wait_dma2 semaphore(%arg12 : memref<!tpu.dma_semaphore, #tpu.memory_space<semaphore_mem>>) src(%dma_wait3A_68 : memref<128x128xf32, #tpu.memory_space<hbm>>) dst(%arg7 : memref<128x128xf32, #tpu.memory_space<vmem>>)
      %mul3A_69 = arith.constant 128 : i32
      %mul3A_70 = arith.muli %add3A_61, %mul3A_69 : i32
      %add3A_71 = arith.addi %mul3A_4, %mul3A_70 : i32
      %dma_wait3A_72 = tpu.memref_slice %arg3[%add3A_71] : memref<327680xi32, #tpu.memory_space<hbm>> -> memref<128xi32, #tpu.memory_space<hbm>>
      %dma_wait3A_73 = tpu.memref_slice %arg3[%add3A_71] : memref<327680xi32, #tpu.memory_space<hbm>> -> memref<128xi32, #tpu.memory_space<hbm>>
      tpu.wait_dma2 semaphore(%arg14 : memref<!tpu.dma_semaphore, #tpu.memory_space<semaphore_mem>>) src(%dma_wait3A_73 : memref<128xi32, #tpu.memory_space<hbm>>) dst(%arg9 : memref<128xi32, #tpu.memory_space<vmem>>)
      "tpu.region"() ({
        %run_scoped3A = tpu.sem_alloc : memref<!tpu.dma_semaphore, #tpu.memory_space<semaphore_mem>>
        %dma_start3A_81 = arith.constant 0 : i32
        %dma_start3A_82 = arith.constant 0 : i32
        %dma_start3A_83 = tpu.memref_slice %arg10[%dma_start3A_81, %dma_start3A_82] : memref<10112x128xf32, #tpu.memory_space<vmem_shared>> -> memref<10112x128xf32, #tpu.memory_space<vmem_shared>>
        tpu.enqueue_indirect_dma source(%arg7 : memref<128x128xf32, #tpu.memory_space<vmem>>) target(%dma_start3A_83 : memref<10112x128xf32, #tpu.memory_space<vmem_shared>>) offsets(%arg9 : memref<128xi32, #tpu.memory_space<vmem>>) semaphore(%run_scoped3A : memref<!tpu.dma_semaphore, #tpu.memory_space<semaphore_mem>>) {add = true}
        %dma_wait3A_84 = arith.constant 0 : i32
        %dma_wait3A_85 = arith.constant 0 : i32
        %dma_wait3A_86 = tpu.memref_slice %arg10[%dma_wait3A_84, %dma_wait3A_85] : memref<10112x128xf32, #tpu.memory_space<vmem_shared>> -> memref<10112x128xf32, #tpu.memory_space<vmem_shared>>
        tpu.wait_indirect_dma semaphore(%run_scoped3A : memref<!tpu.dma_semaphore, #tpu.memory_space<semaphore_mem>>) src(%arg7 : memref<128x128xf32, #tpu.memory_space<vmem>>) dst(%dma_wait3A_86 : memref<10112x128xf32, #tpu.memory_space<vmem_shared>>)
        tpu.yield
      }) : () -> ()
      %add3A_74 = arith.constant 2 : i32
      %add3A_75 = arith.addi %add3A_61, %add3A_74 : i32
      %lt3A_76 = arith.constant 80 : i32
      %lt3A_77 = arith.cmpi slt, %add3A_75, %lt3A_76 : i32
      %convert_element_type3A_78 = arith.extui %lt3A_77 : i1 to i32
      %cond3A_79 = arith.constant 0 : i32
      %cond3A_80 = arith.cmpi ne, %convert_element_type3A_78, %cond3A_79 : i32
      scf.if %cond3A_80 {
        %add3A_81 = arith.constant 2 : i32
        %add3A_82 = arith.addi %add3A_61, %add3A_81 : i32
        %mul3A_83 = arith.constant 128 : i32
        %mul3A_84 = arith.muli %add3A_82, %mul3A_83 : i32
        %add3A_85 = arith.addi %mul3A_4, %mul3A_84 : i32
        %dma_start3A_86 = arith.constant 0 : i32
        %dma_start3A_87 = tpu.memref_slice %arg2[%add3A_85, %dma_start3A_86] : memref<327680x128xf32, #tpu.memory_space<hbm>> -> memref<128x128xf32, #tpu.memory_space<hbm>>
        %dma_start3A_88 = arith.constant 0 : i32
        %dma_start3A_89 = tpu.memref_slice %arg2[%add3A_85, %dma_start3A_88] : memref<327680x128xf32, #tpu.memory_space<hbm>> -> memref<128x128xf32, #tpu.memory_space<hbm>>
        tpu.enqueue_dma source(%dma_start3A_89 : memref<128x128xf32, #tpu.memory_space<hbm>>) target(%arg7 : memref<128x128xf32, #tpu.memory_space<vmem>>) target_semaphore(%arg12 : memref<!tpu.dma_semaphore, #tpu.memory_space<semaphore_mem>>)
        %add3A_90 = arith.constant 2 : i32
        %add3A_91 = arith.addi %add3A_61, %add3A_90 : i32
        %mul3A_92 = arith.constant 128 : i32
        %mul3A_93 = arith.muli %add3A_91, %mul3A_92 : i32
        %add3A_94 = arith.addi %mul3A_4, %mul3A_93 : i32
        %dma_start3A_95 = tpu.memref_slice %arg3[%add3A_94] : memref<327680xi32, #tpu.memory_space<hbm>> -> memref<128xi32, #tpu.memory_space<hbm>>
        %dma_start3A_96 = tpu.memref_slice %arg3[%add3A_94] : memref<327680xi32, #tpu.memory_space<hbm>> -> memref<128xi32, #tpu.memory_space<hbm>>
        tpu.enqueue_dma source(%dma_start3A_96 : memref<128xi32, #tpu.memory_space<hbm>>) target(%arg9 : memref<128xi32, #tpu.memory_space<vmem>>) target_semaphore(%arg14 : memref<!tpu.dma_semaphore, #tpu.memory_space<semaphore_mem>>)
      } else {
      }
    }
    %scan3A_32 = arith.constant 40 : i32
    %barrier3A_33 = arith.constant 0 : index
    tpu.barrier barrier_id(%barrier3A_33)
    %mul3A_34 = arith.constant 10112 : i32
    %mul3A_35 = arith.muli %arg0, %mul3A_34 : i32
    %add3A_36 = arith.addi %mul3A_35, %mul3A_6 : i32
    "tpu.region"() ({
      %run_scoped3A = tpu.sem_alloc : memref<!tpu.dma_semaphore, #tpu.memory_space<semaphore_mem>>
      %dma_start3A_37 = arith.constant 0 : i32
      %dma_start3A_38 = tpu.memref_slice %arg5[%add3A_36, %dma_start3A_37] : memref<20224x128xf32, #tpu.memory_space<hbm>> -> memref<632x128xf32, #tpu.memory_space<hbm>>
      %dma_start3A_39 = arith.constant 0 : i32
      %dma_start3A_40 = tpu.memref_slice %arg10[%mul3A_6, %dma_start3A_39] : memref<10112x128xf32, #tpu.memory_space<vmem_shared>> -> memref<632x128xf32, #tpu.memory_space<vmem_shared>>
      tpu.enqueue_dma source(%dma_start3A_40 : memref<632x128xf32, #tpu.memory_space<vmem_shared>>) target(%dma_start3A_38 : memref<632x128xf32, #tpu.memory_space<hbm>>) target_semaphore(%run_scoped3A : memref<!tpu.dma_semaphore, #tpu.memory_space<semaphore_mem>>)
      %dma_wait3A_41 = arith.constant 0 : i32
      %dma_wait3A_42 = tpu.memref_slice %arg5[%add3A_36, %dma_wait3A_41] : memref<20224x128xf32, #tpu.memory_space<hbm>> -> memref<632x128xf32, #tpu.memory_space<hbm>>
      %dma_wait3A_43 = arith.constant 0 : i32
      %dma_wait3A_44 = tpu.memref_slice %arg10[%mul3A_6, %dma_wait3A_43] : memref<10112x128xf32, #tpu.memory_space<vmem_shared>> -> memref<632x128xf32, #tpu.memory_space<vmem_shared>>
      tpu.wait_dma2 semaphore(%run_scoped3A : memref<!tpu.dma_semaphore, #tpu.memory_space<semaphore_mem>>) src(%dma_wait3A_44 : memref<632x128xf32, #tpu.memory_space<vmem_shared>>) dst(%dma_wait3A_42 : memref<632x128xf32, #tpu.memory_space<hbm>>)
      tpu.yield
    }) : () -> ()
    return
  }
}

module attributes {stable_mosaic.version = 14 : i64} {
  func.func @body(%arg0: i32, %arg1: memref<1024x128xf32, #tpu.memory_space<vmem>>, %arg2: memref<1024x1xf32, #tpu.memory_space<vmem>>, %arg3: memref<1024x1xf32, #tpu.memory_space<vmem>>, %arg4: memref<8x128xf32, #tpu.memory_space<vmem>>, %arg5: memref<1024x128xf32, #tpu.memory_space<vmem>>) attributes {dimension_semantics = [#tpu.dimension_semantics<arbitrary>], iteration_bounds = array<i64: 320>, scalar_prefetch = 0 : i64, scratch_operands = 0 : i64, tpu.core_type = #tpu.core_type<tc>, window_params = [{transform_indices = @transform_0, window_bounds = array<i64: 1024, 128>}, {transform_indices = @transform_1, window_bounds = array<i64: 1024, 1>}, {transform_indices = @transform_2, window_bounds = array<i64: 1024, 1>}, {pipeline_mode = #tpu.pipeline_mode<synchronous>, transform_indices = @transform_3, window_bounds = array<i64: 8, 128>}, {transform_indices = @transform_4, window_bounds = array<i64: 1024, 128>}]} {
    %get3A = arith.constant 0 : index
    %get3A_0 = arith.constant 0 : index
    %get3A_1 = vector.load %arg4[%get3A, %get3A_0] : memref<8x128xf32, #tpu.memory_space<vmem>>, vector<8x128xf32>
    %get3A_2 = arith.constant 0 : index
    %get3A_3 = arith.constant 0 : index
    %get3A_4 = vector.load %arg2[%get3A_2, %get3A_3] : memref<1024x1xf32, #tpu.memory_space<vmem>>, vector<1024x1xf32>
    %slice3A = vector.extract_strided_slice %get3A_1 {offsets = [0, 0], sizes = [1, 128], strides = [1, 1]} : vector<8x128xf32> to vector<1x128xf32>
    %mul3A = vector.broadcast %get3A_4 : vector<1024x1xf32> to vector<1024x128xf32>
    %mul3A_5 = vector.broadcast %slice3A : vector<1x128xf32> to vector<1024x128xf32>
    %mul3A_6 = arith.mulf %mul3A, %mul3A_5 : vector<1024x128xf32>
    %get3A_7 = arith.constant 0 : index
    %get3A_8 = arith.constant 0 : index
    %get3A_9 = vector.load %arg3[%get3A_7, %get3A_8] : memref<1024x1xf32, #tpu.memory_space<vmem>>, vector<1024x1xf32>
    %slice3A_10 = vector.extract_strided_slice %get3A_1 {offsets = [1, 0], sizes = [1, 128], strides = [1, 1]} : vector<8x128xf32> to vector<1x128xf32>
    %mul3A_11 = vector.broadcast %get3A_9 : vector<1024x1xf32> to vector<1024x128xf32>
    %mul3A_12 = vector.broadcast %slice3A_10 : vector<1x128xf32> to vector<1024x128xf32>
    %mul3A_13 = arith.mulf %mul3A_11, %mul3A_12 : vector<1024x128xf32>
    %add3A = arith.addf %mul3A_6, %mul3A_13 : vector<1024x128xf32>
    %get3A_14 = arith.constant 0 : index
    %get3A_15 = arith.constant 0 : index
    %get3A_16 = vector.load %arg1[%get3A_14, %get3A_15] : memref<1024x128xf32, #tpu.memory_space<vmem>>, vector<1024x128xf32>
    %add3A_17 = arith.addf %add3A, %get3A_16 : vector<1024x128xf32>
    %slice3A_18 = vector.extract_strided_slice %get3A_1 {offsets = [2, 0], sizes = [1, 128], strides = [1, 1]} : vector<8x128xf32> to vector<1x128xf32>
    %add3A_19 = vector.broadcast %slice3A_18 : vector<1x128xf32> to vector<1024x128xf32>
    %add3A_20 = arith.addf %add3A_17, %add3A_19 : vector<1024x128xf32>
    %max3A = arith.constant 0.000000e+00 : f32
    %max3A_21 = vector.broadcast %max3A : f32 to vector<1024x128xf32>
    %max3A_22 = arith.maximumf %add3A_20, %max3A_21 : vector<1024x128xf32>
    %swap3A = arith.constant 0 : index
    %swap3A_23 = arith.constant 0 : index
    %swap3A_24 = vector.load %arg5[%swap3A, %swap3A_23] : memref<1024x128xf32, #tpu.memory_space<vmem>>, vector<1024x128xf32>
    tpu.vector_store %arg5[%swap3A, %swap3A_23], %max3A_22 {strides = array<i32>} : memref<1024x128xf32, #tpu.memory_space<vmem>>, vector<1024x128xf32>,
    return
  }
  func.func @transform_0(%arg0: i32) -> (i32, i32) {
    %c0_i32 = arith.constant 0 : i32
    %c0_i32_0 = arith.constant 0 : i32
    return %arg0, %c0_i32 : i32, i32
  }
  func.func @transform_1(%arg0: i32) -> (i32, i32) {
    %c0_i32 = arith.constant 0 : i32
    %c0_i32_0 = arith.constant 0 : i32
    return %arg0, %c0_i32 : i32, i32
  }
  func.func @transform_2(%arg0: i32) -> (i32, i32) {
    %c0_i32 = arith.constant 0 : i32
    %c0_i32_0 = arith.constant 0 : i32
    return %arg0, %c0_i32 : i32, i32
  }
  func.func @transform_3(%arg0: i32) -> (i32, i32) {
    %c0_i32 = arith.constant 0 : i32
    %c0_i32_0 = arith.constant 0 : i32
    %c0_i32_1 = arith.constant 0 : i32
    return %c0_i32, %c0_i32_0 : i32, i32
  }
  func.func @transform_4(%arg0: i32) -> (i32, i32) {
    %c0_i32 = arith.constant 0 : i32
    %c0_i32_0 = arith.constant 0 : i32
    return %arg0, %c0_i32 : i32, i32
  }
}

module attributes {stable_mosaic.version = 14 : i64} {
  func.func @body(%arg0: memref<10000x128xf32, #tpu.memory_space<vmem>>, %arg1: memref<20224x128xf32, #tpu.memory_space<vmem>>, %arg2: memref<1x1xf32, #tpu.memory_space<vmem>>, %arg3: memref<128x128xf32, #tpu.memory_space<vmem>>, %arg4: memref<1x128xf32, #tpu.memory_space<vmem>>, %arg5: memref<1x128xf32, #tpu.memory_space<vmem>>, %arg6: memref<1x128xf32, #tpu.memory_space<vmem>>, %arg7: memref<128x128xf32, #tpu.memory_space<vmem>>, %arg8: memref<1x128xf32, #tpu.memory_space<vmem>>, %arg9: memref<1x128xf32, #tpu.memory_space<vmem>>, %arg10: memref<1x128xf32, #tpu.memory_space<vmem>>, %arg11: memref<128x128xf32, #tpu.memory_space<vmem>>, %arg12: memref<1x128xf32, #tpu.memory_space<vmem>>, %arg13: memref<10000x128xf32, #tpu.memory_space<vmem>>) attributes {dimension_semantics = [], scalar_prefetch = 0 : i64, scratch_operands = 0 : i64, tpu.core_type = #tpu.core_type<tc>} {
    %get3A = arith.constant 0 : index
    %get3A_0 = arith.constant 0 : index
    %get3A_1 = vector.load %arg1[%get3A, %get3A_0] : memref<20224x128xf32, #tpu.memory_space<vmem>>, vector<10000x128xf32>
    %get3A_2 = arith.constant 10112 : index
    %get3A_3 = arith.constant 0 : index
    %get3A_4 = vector.load %arg1[%get3A_2, %get3A_3] : memref<20224x128xf32, #tpu.memory_space<vmem>>, vector<10000x128xf32>
    %add3A = arith.addf %get3A_1, %get3A_4 : vector<10000x128xf32>
    %get3A_5 = arith.constant 0 : index
    %get3A_6 = arith.constant 0 : index
    %get3A_7 = vector.load %arg2[%get3A_5, %get3A_6] : memref<1x1xf32, #tpu.memory_space<vmem>>, vector<1x1xf32>
    %get3A_8 = arith.constant 0 : index
    %get3A_9 = arith.constant 0 : index
    %get3A_10 = vector.load %arg0[%get3A_8, %get3A_9] : memref<10000x128xf32, #tpu.memory_space<vmem>>, vector<10000x128xf32>
    %mul3A = vector.broadcast %get3A_7 : vector<1x1xf32> to vector<10000x128xf32>
    %mul3A_11 = arith.mulf %mul3A, %get3A_10 : vector<10000x128xf32>
    %add3A_12 = arith.addf %mul3A_11, %add3A : vector<10000x128xf32>
    %get3A_13 = arith.constant 0 : index
    %get3A_14 = arith.constant 0 : index
    %get3A_15 = vector.load %arg3[%get3A_13, %get3A_14] : memref<128x128xf32, #tpu.memory_space<vmem>>, vector<128x128xf32>
    %dot_general3A = arith.constant dense<0.000000e+00> : vector<10000x128xf32>
    %dot_general3A_16 = tpu.matmul %add3A_12, %get3A_15, %dot_general3A {dimension_numbers = #tpu.dot_dimension_numbers<[1], [0], [0], [1], [0, 0, 1, 1], [], []>, transpose_lhs_hint = false} : vector<10000x128xf32>, vector<128x128xf32>, vector<10000x128xf32> -> vector<10000x128xf32>
    %get3A_17 = arith.constant 0 : index
    %get3A_18 = arith.constant 0 : index
    %get3A_19 = vector.load %arg4[%get3A_17, %get3A_18] : memref<1x128xf32, #tpu.memory_space<vmem>>, vector<1x128xf32>
    %add3A_20 = vector.broadcast %get3A_19 : vector<1x128xf32> to vector<10000x128xf32>
    %add3A_21 = arith.addf %dot_general3A_16, %add3A_20 : vector<10000x128xf32>
    %get3A_22 = arith.constant 0 : index
    %get3A_23 = arith.constant 0 : index
    %get3A_24 = vector.load %arg5[%get3A_22, %get3A_23] : memref<1x128xf32, #tpu.memory_space<vmem>>, vector<1x128xf32>
    %get3A_25 = arith.constant 0 : index
    %get3A_26 = arith.constant 0 : index
    %get3A_27 = vector.load %arg6[%get3A_25, %get3A_26] : memref<1x128xf32, #tpu.memory_space<vmem>>, vector<1x128xf32>
    %reduce_sum3A = arith.constant dense<0.000000e+00> : vector<128xf32>
    %reduce_sum3A_28 = vector.multi_reduction <add>, %add3A_21, %reduce_sum3A [0] : vector<10000x128xf32> to vector<128xf32>
    %broadcast_in_dim3A = vector.shape_cast %reduce_sum3A_28 : vector<128xf32> to vector<1x128xf32>
    %div3A = arith.constant 1.000000e+04 : f32
    %div3A_29 = vector.broadcast %div3A : f32 to vector<1x128xf32>
    %div3A_30 = arith.divf %broadcast_in_dim3A, %div3A_29 : vector<1x128xf32>
    %jit3A = arith.constant 0 : i32
    %reduce_sum3A_31 = arith.constant dense<0.000000e+00> : vector<128xf32>
    %reduce_sum3A_32 = vector.multi_reduction <add>, %add3A_21, %reduce_sum3A_31 [0] : vector<10000x128xf32> to vector<128xf32>
    %broadcast_in_dim3A_33 = vector.shape_cast %reduce_sum3A_32 : vector<128xf32> to vector<1x128xf32>
    %div3A_34 = arith.constant 1.000000e+04 : f32
    %div3A_35 = vector.broadcast %div3A_34 : f32 to vector<1x128xf32>
    %div3A_36 = arith.divf %broadcast_in_dim3A_33, %div3A_35 : vector<1x128xf32>
    %sub3A = vector.broadcast %div3A_36 : vector<1x128xf32> to vector<10000x128xf32>
    %sub3A_37 = arith.subf %add3A_21, %sub3A : vector<10000x128xf32>
    %square3A = arith.mulf %sub3A_37, %sub3A_37 : vector<10000x128xf32>
    %convert_element_type3A = arith.sitofp %jit3A : i32 to f32
    %sub3A_38 = arith.constant 1.000000e+04 : f32
    %sub3A_39 = arith.subf %sub3A_38, %convert_element_type3A : f32
    %reduce_sum3A_40 = arith.constant dense<0.000000e+00> : vector<128xf32>
    %reduce_sum3A_41 = vector.multi_reduction <add>, %square3A, %reduce_sum3A_40 [0] : vector<10000x128xf32> to vector<128xf32>
    %broadcast_in_dim3A_42 = vector.shape_cast %reduce_sum3A_41 : vector<128xf32> to vector<1x128xf32>
    %div3A_43 = vector.broadcast %sub3A_39 : f32 to vector<1x128xf32>
    %div3A_44 = arith.divf %broadcast_in_dim3A_42, %div3A_43 : vector<1x128xf32>
    %gt3A = arith.constant 0.000000e+00 : f32
    %gt3A_45 = arith.cmpf ogt, %sub3A_39, %gt3A : f32
    %jit3A_46 = arith.constant 0x7FC00000 : f32
    %broadcast_in_dim3A_47 = vector.broadcast %jit3A_46 : f32 to vector<1x128xf32>
    %select_n3A = arith.select %gt3A_45, %div3A_44, %broadcast_in_dim3A_47 : vector<1x128xf32>
    %sub3A_48 = vector.broadcast %div3A_30 : vector<1x128xf32> to vector<10000x128xf32>
    %sub3A_49 = arith.subf %add3A_21, %sub3A_48 : vector<10000x128xf32>
    %add3A_50 = arith.constant 9.99999974E-6 : f32
    %add3A_51 = vector.broadcast %add3A_50 : f32 to vector<1x128xf32>
    %add3A_52 = arith.addf %select_n3A, %add3A_51 : vector<1x128xf32>
    %sqrt3A = math.sqrt %add3A_52 : vector<1x128xf32>
    %div3A_53 = vector.broadcast %sqrt3A : vector<1x128xf32> to vector<10000x128xf32>
    %div3A_54 = arith.divf %sub3A_49, %div3A_53 : vector<10000x128xf32>
    %mul3A_55 = vector.broadcast %get3A_24 : vector<1x128xf32> to vector<10000x128xf32>
    %mul3A_56 = arith.mulf %div3A_54, %mul3A_55 : vector<10000x128xf32>
    %add3A_57 = vector.broadcast %get3A_27 : vector<1x128xf32> to vector<10000x128xf32>
    %add3A_58 = arith.addf %mul3A_56, %add3A_57 : vector<10000x128xf32>
    %max3A = arith.constant 0.000000e+00 : f32
    %max3A_59 = vector.broadcast %max3A : f32 to vector<10000x128xf32>
    %max3A_60 = arith.maximumf %add3A_58, %max3A_59 : vector<10000x128xf32>
    %get3A_61 = arith.constant 0 : index
    %get3A_62 = arith.constant 0 : index
    %get3A_63 = vector.load %arg7[%get3A_61, %get3A_62] : memref<128x128xf32, #tpu.memory_space<vmem>>, vector<128x128xf32>
    %dot_general3A_64 = arith.constant dense<0.000000e+00> : vector<10000x128xf32>
    %dot_general3A_65 = tpu.matmul %max3A_60, %get3A_63, %dot_general3A_64 {dimension_numbers = #tpu.dot_dimension_numbers<[1], [0], [0], [1], [0, 0, 1, 1], [], []>, transpose_lhs_hint = false} : vector<10000x128xf32>, vector<128x128xf32>, vector<10000x128xf32> -> vector<10000x128xf32>
    %get3A_66 = arith.constant 0 : index
    %get3A_67 = arith.constant 0 : index
    %get3A_68 = vector.load %arg8[%get3A_66, %get3A_67] : memref<1x128xf32, #tpu.memory_space<vmem>>, vector<1x128xf32>
    %add3A_69 = vector.broadcast %get3A_68 : vector<1x128xf32> to vector<10000x128xf32>
    %add3A_70 = arith.addf %dot_general3A_65, %add3A_69 : vector<10000x128xf32>
    %get3A_71 = arith.constant 0 : index
    %get3A_72 = arith.constant 0 : index
    %get3A_73 = vector.load %arg9[%get3A_71, %get3A_72] : memref<1x128xf32, #tpu.memory_space<vmem>>, vector<1x128xf32>
    %get3A_74 = arith.constant 0 : index
    %get3A_75 = arith.constant 0 : index
    %get3A_76 = vector.load %arg10[%get3A_74, %get3A_75] : memref<1x128xf32, #tpu.memory_space<vmem>>, vector<1x128xf32>
    %reduce_sum3A_77 = arith.constant dense<0.000000e+00> : vector<128xf32>
    %reduce_sum3A_78 = vector.multi_reduction <add>, %add3A_70, %reduce_sum3A_77 [0] : vector<10000x128xf32> to vector<128xf32>
    %broadcast_in_dim3A_79 = vector.shape_cast %reduce_sum3A_78 : vector<128xf32> to vector<1x128xf32>
    %div3A_80 = arith.constant 1.000000e+04 : f32
    %div3A_81 = vector.broadcast %div3A_80 : f32 to vector<1x128xf32>
    %div3A_82 = arith.divf %broadcast_in_dim3A_79, %div3A_81 : vector<1x128xf32>
    %jit3A_83 = arith.constant 0 : i32
    %reduce_sum3A_84 = arith.constant dense<0.000000e+00> : vector<128xf32>
    %reduce_sum3A_85 = vector.multi_reduction <add>, %add3A_70, %reduce_sum3A_84 [0] : vector<10000x128xf32> to vector<128xf32>
    %broadcast_in_dim3A_86 = vector.shape_cast %reduce_sum3A_85 : vector<128xf32> to vector<1x128xf32>
    %div3A_87 = arith.constant 1.000000e+04 : f32
    %div3A_88 = vector.broadcast %div3A_87 : f32 to vector<1x128xf32>
    %div3A_89 = arith.divf %broadcast_in_dim3A_86, %div3A_88 : vector<1x128xf32>
    %sub3A_90 = vector.broadcast %div3A_89 : vector<1x128xf32> to vector<10000x128xf32>
    %sub3A_91 = arith.subf %add3A_70, %sub3A_90 : vector<10000x128xf32>
    %square3A_92 = arith.mulf %sub3A_91, %sub3A_91 : vector<10000x128xf32>
    %convert_element_type3A_93 = arith.sitofp %jit3A_83 : i32 to f32
    %sub3A_94 = arith.constant 1.000000e+04 : f32
    %sub3A_95 = arith.subf %sub3A_94, %convert_element_type3A_93 : f32
    %reduce_sum3A_96 = arith.constant dense<0.000000e+00> : vector<128xf32>
    %reduce_sum3A_97 = vector.multi_reduction <add>, %square3A_92, %reduce_sum3A_96 [0] : vector<10000x128xf32> to vector<128xf32>
    %broadcast_in_dim3A_98 = vector.shape_cast %reduce_sum3A_97 : vector<128xf32> to vector<1x128xf32>
    %div3A_99 = vector.broadcast %sub3A_95 : f32 to vector<1x128xf32>
    %div3A_100 = arith.divf %broadcast_in_dim3A_98, %div3A_99 : vector<1x128xf32>
    %gt3A_101 = arith.constant 0.000000e+00 : f32
    %gt3A_102 = arith.cmpf ogt, %sub3A_95, %gt3A_101 : f32
    %jit3A_103 = arith.constant 0x7FC00000 : f32
    %broadcast_in_dim3A_104 = vector.broadcast %jit3A_103 : f32 to vector<1x128xf32>
    %select_n3A_105 = arith.select %gt3A_102, %div3A_100, %broadcast_in_dim3A_104 : vector<1x128xf32>
    %sub3A_106 = vector.broadcast %div3A_82 : vector<1x128xf32> to vector<10000x128xf32>
    %sub3A_107 = arith.subf %add3A_70, %sub3A_106 : vector<10000x128xf32>
    %add3A_108 = arith.constant 9.99999974E-6 : f32
    %add3A_109 = vector.broadcast %add3A_108 : f32 to vector<1x128xf32>
    %add3A_110 = arith.addf %select_n3A_105, %add3A_109 : vector<1x128xf32>
    %sqrt3A_111 = math.sqrt %add3A_110 : vector<1x128xf32>
    %div3A_112 = vector.broadcast %sqrt3A_111 : vector<1x128xf32> to vector<10000x128xf32>
    %div3A_113 = arith.divf %sub3A_107, %div3A_112 : vector<10000x128xf32>
    %mul3A_114 = vector.broadcast %get3A_73 : vector<1x128xf32> to vector<10000x128xf32>
    %mul3A_115 = arith.mulf %div3A_113, %mul3A_114 : vector<10000x128xf32>
    %add3A_116 = vector.broadcast %get3A_76 : vector<1x128xf32> to vector<10000x128xf32>
    %add3A_117 = arith.addf %mul3A_115, %add3A_116 : vector<10000x128xf32>
    %max3A_118 = arith.constant 0.000000e+00 : f32
    %max3A_119 = vector.broadcast %max3A_118 : f32 to vector<10000x128xf32>
    %max3A_120 = arith.maximumf %add3A_117, %max3A_119 : vector<10000x128xf32>
    %get3A_121 = arith.constant 0 : index
    %get3A_122 = arith.constant 0 : index
    %get3A_123 = vector.load %arg11[%get3A_121, %get3A_122] : memref<128x128xf32, #tpu.memory_space<vmem>>, vector<128x128xf32>
    %dot_general3A_124 = arith.constant dense<0.000000e+00> : vector<10000x128xf32>
    %dot_general3A_125 = tpu.matmul %max3A_120, %get3A_123, %dot_general3A_124 {dimension_numbers = #tpu.dot_dimension_numbers<[1], [0], [0], [1], [0, 0, 1, 1], [], []>, transpose_lhs_hint = false} : vector<10000x128xf32>, vector<128x128xf32>, vector<10000x128xf32> -> vector<10000x128xf32>
    %get3A_126 = arith.constant 0 : index
    %get3A_127 = arith.constant 0 : index
    %get3A_128 = vector.load %arg12[%get3A_126, %get3A_127] : memref<1x128xf32, #tpu.memory_space<vmem>>, vector<1x128xf32>
    %add3A_129 = vector.broadcast %get3A_128 : vector<1x128xf32> to vector<10000x128xf32>
    %add3A_130 = arith.addf %dot_general3A_125, %add3A_129 : vector<10000x128xf32>
    %max3A_131 = arith.constant 0.000000e+00 : f32
    %max3A_132 = vector.broadcast %max3A_131 : f32 to vector<10000x128xf32>
    %max3A_133 = arith.maximumf %add3A_130, %max3A_132 : vector<10000x128xf32>
    %swap3A = arith.constant 0 : index
    %swap3A_134 = arith.constant 0 : index
    %swap3A_135 = vector.load %arg13[%swap3A, %swap3A_134] : memref<10000x128xf32, #tpu.memory_space<vmem>>, vector<10000x128xf32>
    tpu.vector_store %arg13[%swap3A, %swap3A_134], %max3A_133 {strides = array<i32>} : memref<10000x128xf32, #tpu.memory_space<vmem>>, vector<10000x128xf32>,
    return
  }
}

module attributes {stable_mosaic.version = 14 : i64} {
  func.func @body(%arg0: memref<10000x128xf32, #tpu.memory_space<vmem>>, %arg1: memref<10000x128xf32, #tpu.memory_space<vmem>>, %arg2: memref<10000x128xf32, #tpu.memory_space<vmem>>, %arg3: memref<10000x128xf32, #tpu.memory_space<vmem>>, %arg4: memref<1x10000xi32, #tpu.memory_space<vmem>>, %arg5: memref<128x128xf32, #tpu.memory_space<vmem>>, %arg6: memref<1x128xf32, #tpu.memory_space<vmem>>, %arg7: memref<1x128xf32, #tpu.memory_space<vmem>>, %arg8: memref<1x128xf32, #tpu.memory_space<vmem>>, %arg9: memref<128x128xf32, #tpu.memory_space<vmem>>, %arg10: memref<1x128xf32, #tpu.memory_space<vmem>>, %arg11: memref<1x128xf32, #tpu.memory_space<vmem>>, %arg12: memref<1x128xf32, #tpu.memory_space<vmem>>, %arg13: memref<128x128xf32, #tpu.memory_space<vmem>>, %arg14: memref<1x128xf32, #tpu.memory_space<vmem>>, %arg15: memref<128x128xf32, #tpu.memory_space<vmem>>, %arg16: memref<1x128xf32, #tpu.memory_space<vmem>>, %arg17: memref<1x128xf32, #tpu.memory_space<vmem>>, %arg18: memref<1x128xf32, #tpu.memory_space<vmem>>, %arg19: memref<128x128xf32, #tpu.memory_space<vmem>>, %arg20: memref<1x128xf32, #tpu.memory_space<vmem>>, %arg21: memref<1x128xf32, #tpu.memory_space<vmem>>, %arg22: memref<1x128xf32, #tpu.memory_space<vmem>>, %arg23: memref<128x128xf32, #tpu.memory_space<vmem>>, %arg24: memref<1x128xf32, #tpu.memory_space<vmem>>, %arg25: memref<128x128xf32, #tpu.memory_space<vmem>>, %arg26: memref<1x128xf32, #tpu.memory_space<vmem>>, %arg27: memref<1x128xf32, #tpu.memory_space<vmem>>, %arg28: memref<1x128xf32, #tpu.memory_space<vmem>>, %arg29: memref<128x128xf32, #tpu.memory_space<vmem>>, %arg30: memref<1x128xf32, #tpu.memory_space<vmem>>, %arg31: memref<1x128xf32, #tpu.memory_space<vmem>>, %arg32: memref<1x128xf32, #tpu.memory_space<vmem>>, %arg33: memref<128x128xf32, #tpu.memory_space<vmem>>, %arg34: memref<1x128xf32, #tpu.memory_space<vmem>>, %arg35: memref<128x128xf32, #tpu.memory_space<vmem>>, %arg36: memref<1x128xf32, #tpu.memory_space<vmem>>, %arg37: memref<1x128xf32, #tpu.memory_space<vmem>>, %arg38: memref<1x128xf32, #tpu.memory_space<vmem>>, %arg39: memref<128x128xf32, #tpu.memory_space<vmem>>, %arg40: memref<1x128xf32, #tpu.memory_space<vmem>>, %arg41: memref<1x128xf32, #tpu.memory_space<vmem>>, %arg42: memref<1x128xf32, #tpu.memory_space<vmem>>, %arg43: memref<128x128xf32, #tpu.memory_space<vmem>>, %arg44: memref<1x128xf32, #tpu.memory_space<vmem>>, %arg45: memref<64x128xf32, #tpu.memory_space<vmem>>) attributes {dimension_semantics = [], scalar_prefetch = 0 : i64, scratch_operands = 0 : i64, tpu.core_type = #tpu.core_type<tc>} {
    %get3A = arith.constant 0 : index
    %get3A_0 = arith.constant 0 : index
    %get3A_1 = vector.load %arg4[%get3A, %get3A_0] : memref<1x10000xi32, #tpu.memory_space<vmem>>, vector<1x10000xi32>
    %iota3A = tpu.iota {dimensions = array<i32: 0>} : vector<64x10000xi32>
    %eq3A = vector.broadcast %get3A_1 : vector<1x10000xi32> to vector<64x10000xi32>
    %eq3A_2 = arith.cmpi eq, %iota3A, %eq3A : vector<64x10000xi32>
    %convert_element_type3A = arith.extui %eq3A_2 : vector<64x10000xi1> to vector<64x10000xi32>
    %convert_element_type3A_3 = arith.sitofp %convert_element_type3A : vector<64x10000xi32> to vector<64x10000xf32>
    %get3A_4 = arith.constant 0 : index
    %get3A_5 = arith.constant 0 : index
    %get3A_6 = vector.load %arg0[%get3A_4, %get3A_5] : memref<10000x128xf32, #tpu.memory_space<vmem>>, vector<10000x128xf32>
    %dot_general3A = arith.constant dense<0.000000e+00> : vector<64x128xf32>
    %dot_general3A_7 = tpu.matmul %convert_element_type3A_3, %get3A_6, %dot_general3A {dimension_numbers = #tpu.dot_dimension_numbers<[1], [0], [0], [1], [0, 0, 1, 1], [], []>, precision = #tpu.contract_precision<fp32>, transpose_lhs_hint = false} : vector<64x10000xf32>, vector<10000x128xf32>, vector<64x128xf32> -> vector<64x128xf32>
    %get3A_8 = arith.constant 0 : index
    %get3A_9 = arith.constant 0 : index
    %get3A_10 = vector.load %arg5[%get3A_8, %get3A_9] : memref<128x128xf32, #tpu.memory_space<vmem>>, vector<128x128xf32>
    %dot_general3A_11 = arith.constant dense<0.000000e+00> : vector<64x128xf32>
    %dot_general3A_12 = tpu.matmul %dot_general3A_7, %get3A_10, %dot_general3A_11 {dimension_numbers = #tpu.dot_dimension_numbers<[1], [0], [0], [1], [0, 0, 1, 1], [], []>, transpose_lhs_hint = false} : vector<64x128xf32>, vector<128x128xf32>, vector<64x128xf32> -> vector<64x128xf32>
    %get3A_13 = arith.constant 0 : index
    %get3A_14 = arith.constant 0 : index
    %get3A_15 = vector.load %arg6[%get3A_13, %get3A_14] : memref<1x128xf32, #tpu.memory_space<vmem>>, vector<1x128xf32>
    %add3A = vector.broadcast %get3A_15 : vector<1x128xf32> to vector<64x128xf32>
    %add3A_16 = arith.addf %dot_general3A_12, %add3A : vector<64x128xf32>
    %get3A_17 = arith.constant 0 : index
    %get3A_18 = arith.constant 0 : index
    %get3A_19 = vector.load %arg7[%get3A_17, %get3A_18] : memref<1x128xf32, #tpu.memory_space<vmem>>, vector<1x128xf32>
    %get3A_20 = arith.constant 0 : index
    %get3A_21 = arith.constant 0 : index
    %get3A_22 = vector.load %arg8[%get3A_20, %get3A_21] : memref<1x128xf32, #tpu.memory_space<vmem>>, vector<1x128xf32>
    %reduce_sum3A = arith.constant dense<0.000000e+00> : vector<128xf32>
    %reduce_sum3A_23 = vector.multi_reduction <add>, %add3A_16, %reduce_sum3A [0] : vector<64x128xf32> to vector<128xf32>
    %broadcast_in_dim3A = vector.shape_cast %reduce_sum3A_23 : vector<128xf32> to vector<1x128xf32>
    %div3A = arith.constant 6.400000e+01 : f32
    %div3A_24 = vector.broadcast %div3A : f32 to vector<1x128xf32>
    %div3A_25 = arith.divf %broadcast_in_dim3A, %div3A_24 : vector<1x128xf32>
    %jit3A = arith.constant 0 : i32
    %reduce_sum3A_26 = arith.constant dense<0.000000e+00> : vector<128xf32>
    %reduce_sum3A_27 = vector.multi_reduction <add>, %add3A_16, %reduce_sum3A_26 [0] : vector<64x128xf32> to vector<128xf32>
    %broadcast_in_dim3A_28 = vector.shape_cast %reduce_sum3A_27 : vector<128xf32> to vector<1x128xf32>
    %div3A_29 = arith.constant 6.400000e+01 : f32
    %div3A_30 = vector.broadcast %div3A_29 : f32 to vector<1x128xf32>
    %div3A_31 = arith.divf %broadcast_in_dim3A_28, %div3A_30 : vector<1x128xf32>
    %sub3A = vector.broadcast %div3A_31 : vector<1x128xf32> to vector<64x128xf32>
    %sub3A_32 = arith.subf %add3A_16, %sub3A : vector<64x128xf32>
    %square3A = arith.mulf %sub3A_32, %sub3A_32 : vector<64x128xf32>
    %convert_element_type3A_33 = arith.sitofp %jit3A : i32 to f32
    %sub3A_34 = arith.constant 6.400000e+01 : f32
    %sub3A_35 = arith.subf %sub3A_34, %convert_element_type3A_33 : f32
    %reduce_sum3A_36 = arith.constant dense<0.000000e+00> : vector<128xf32>
    %reduce_sum3A_37 = vector.multi_reduction <add>, %square3A, %reduce_sum3A_36 [0] : vector<64x128xf32> to vector<128xf32>
    %broadcast_in_dim3A_38 = vector.shape_cast %reduce_sum3A_37 : vector<128xf32> to vector<1x128xf32>
    %div3A_39 = vector.broadcast %sub3A_35 : f32 to vector<1x128xf32>
    %div3A_40 = arith.divf %broadcast_in_dim3A_38, %div3A_39 : vector<1x128xf32>
    %gt3A = arith.constant 0.000000e+00 : f32
    %gt3A_41 = arith.cmpf ogt, %sub3A_35, %gt3A : f32
    %jit3A_42 = arith.constant 0x7FC00000 : f32
    %broadcast_in_dim3A_43 = vector.broadcast %jit3A_42 : f32 to vector<1x128xf32>
    %select_n3A = arith.select %gt3A_41, %div3A_40, %broadcast_in_dim3A_43 : vector<1x128xf32>
    %sub3A_44 = vector.broadcast %div3A_25 : vector<1x128xf32> to vector<64x128xf32>
    %sub3A_45 = arith.subf %add3A_16, %sub3A_44 : vector<64x128xf32>
    %add3A_46 = arith.constant 9.99999974E-6 : f32
    %add3A_47 = vector.broadcast %add3A_46 : f32 to vector<1x128xf32>
    %add3A_48 = arith.addf %select_n3A, %add3A_47 : vector<1x128xf32>
    %sqrt3A = math.sqrt %add3A_48 : vector<1x128xf32>
    %div3A_49 = vector.broadcast %sqrt3A : vector<1x128xf32> to vector<64x128xf32>
    %div3A_50 = arith.divf %sub3A_45, %div3A_49 : vector<64x128xf32>
    %mul3A = vector.broadcast %get3A_19 : vector<1x128xf32> to vector<64x128xf32>
    %mul3A_51 = arith.mulf %div3A_50, %mul3A : vector<64x128xf32>
    %add3A_52 = vector.broadcast %get3A_22 : vector<1x128xf32> to vector<64x128xf32>
    %add3A_53 = arith.addf %mul3A_51, %add3A_52 : vector<64x128xf32>
    %max3A = arith.constant 0.000000e+00 : f32
    %max3A_54 = vector.broadcast %max3A : f32 to vector<64x128xf32>
    %max3A_55 = arith.maximumf %add3A_53, %max3A_54 : vector<64x128xf32>
    %get3A_56 = arith.constant 0 : index
    %get3A_57 = arith.constant 0 : index
    %get3A_58 = vector.load %arg9[%get3A_56, %get3A_57] : memref<128x128xf32, #tpu.memory_space<vmem>>, vector<128x128xf32>
    %dot_general3A_59 = arith.constant dense<0.000000e+00> : vector<64x128xf32>
    %dot_general3A_60 = tpu.matmul %max3A_55, %get3A_58, %dot_general3A_59 {dimension_numbers = #tpu.dot_dimension_numbers<[1], [0], [0], [1], [0, 0, 1, 1], [], []>, transpose_lhs_hint = false} : vector<64x128xf32>, vector<128x128xf32>, vector<64x128xf32> -> vector<64x128xf32>
    %get3A_61 = arith.constant 0 : index
    %get3A_62 = arith.constant 0 : index
    %get3A_63 = vector.load %arg10[%get3A_61, %get3A_62] : memref<1x128xf32, #tpu.memory_space<vmem>>, vector<1x128xf32>
    %add3A_64 = vector.broadcast %get3A_63 : vector<1x128xf32> to vector<64x128xf32>
    %add3A_65 = arith.addf %dot_general3A_60, %add3A_64 : vector<64x128xf32>
    %get3A_66 = arith.constant 0 : index
    %get3A_67 = arith.constant 0 : index
    %get3A_68 = vector.load %arg11[%get3A_66, %get3A_67] : memref<1x128xf32, #tpu.memory_space<vmem>>, vector<1x128xf32>
    %get3A_69 = arith.constant 0 : index
    %get3A_70 = arith.constant 0 : index
    %get3A_71 = vector.load %arg12[%get3A_69, %get3A_70] : memref<1x128xf32, #tpu.memory_space<vmem>>, vector<1x128xf32>
    %reduce_sum3A_72 = arith.constant dense<0.000000e+00> : vector<128xf32>
    %reduce_sum3A_73 = vector.multi_reduction <add>, %add3A_65, %reduce_sum3A_72 [0] : vector<64x128xf32> to vector<128xf32>
    %broadcast_in_dim3A_74 = vector.shape_cast %reduce_sum3A_73 : vector<128xf32> to vector<1x128xf32>
    %div3A_75 = arith.constant 6.400000e+01 : f32
    %div3A_76 = vector.broadcast %div3A_75 : f32 to vector<1x128xf32>
    %div3A_77 = arith.divf %broadcast_in_dim3A_74, %div3A_76 : vector<1x128xf32>
    %jit3A_78 = arith.constant 0 : i32
    %reduce_sum3A_79 = arith.constant dense<0.000000e+00> : vector<128xf32>
    %reduce_sum3A_80 = vector.multi_reduction <add>, %add3A_65, %reduce_sum3A_79 [0] : vector<64x128xf32> to vector<128xf32>
    %broadcast_in_dim3A_81 = vector.shape_cast %reduce_sum3A_80 : vector<128xf32> to vector<1x128xf32>
    %div3A_82 = arith.constant 6.400000e+01 : f32
    %div3A_83 = vector.broadcast %div3A_82 : f32 to vector<1x128xf32>
    %div3A_84 = arith.divf %broadcast_in_dim3A_81, %div3A_83 : vector<1x128xf32>
    %sub3A_85 = vector.broadcast %div3A_84 : vector<1x128xf32> to vector<64x128xf32>
    %sub3A_86 = arith.subf %add3A_65, %sub3A_85 : vector<64x128xf32>
    %square3A_87 = arith.mulf %sub3A_86, %sub3A_86 : vector<64x128xf32>
    %convert_element_type3A_88 = arith.sitofp %jit3A_78 : i32 to f32
    %sub3A_89 = arith.constant 6.400000e+01 : f32
    %sub3A_90 = arith.subf %sub3A_89, %convert_element_type3A_88 : f32
    %reduce_sum3A_91 = arith.constant dense<0.000000e+00> : vector<128xf32>
    %reduce_sum3A_92 = vector.multi_reduction <add>, %square3A_87, %reduce_sum3A_91 [0] : vector<64x128xf32> to vector<128xf32>
    %broadcast_in_dim3A_93 = vector.shape_cast %reduce_sum3A_92 : vector<128xf32> to vector<1x128xf32>
    %div3A_94 = vector.broadcast %sub3A_90 : f32 to vector<1x128xf32>
    %div3A_95 = arith.divf %broadcast_in_dim3A_93, %div3A_94 : vector<1x128xf32>
    %gt3A_96 = arith.constant 0.000000e+00 : f32
    %gt3A_97 = arith.cmpf ogt, %sub3A_90, %gt3A_96 : f32
    %jit3A_98 = arith.constant 0x7FC00000 : f32
    %broadcast_in_dim3A_99 = vector.broadcast %jit3A_98 : f32 to vector<1x128xf32>
    %select_n3A_100 = arith.select %gt3A_97, %div3A_95, %broadcast_in_dim3A_99 : vector<1x128xf32>
    %sub3A_101 = vector.broadcast %div3A_77 : vector<1x128xf32> to vector<64x128xf32>
    %sub3A_102 = arith.subf %add3A_65, %sub3A_101 : vector<64x128xf32>
    %add3A_103 = arith.constant 9.99999974E-6 : f32
    %add3A_104 = vector.broadcast %add3A_103 : f32 to vector<1x128xf32>
    %add3A_105 = arith.addf %select_n3A_100, %add3A_104 : vector<1x128xf32>
    %sqrt3A_106 = math.sqrt %add3A_105 : vector<1x128xf32>
    %div3A_107 = vector.broadcast %sqrt3A_106 : vector<1x128xf32> to vector<64x128xf32>
    %div3A_108 = arith.divf %sub3A_102, %div3A_107 : vector<64x128xf32>
    %mul3A_109 = vector.broadcast %get3A_68 : vector<1x128xf32> to vector<64x128xf32>
    %mul3A_110 = arith.mulf %div3A_108, %mul3A_109 : vector<64x128xf32>
    %add3A_111 = vector.broadcast %get3A_71 : vector<1x128xf32> to vector<64x128xf32>
    %add3A_112 = arith.addf %mul3A_110, %add3A_111 : vector<64x128xf32>
    %max3A_113 = arith.constant 0.000000e+00 : f32
    %max3A_114 = vector.broadcast %max3A_113 : f32 to vector<64x128xf32>
    %max3A_115 = arith.maximumf %add3A_112, %max3A_114 : vector<64x128xf32>
    %get3A_116 = arith.constant 0 : index
    %get3A_117 = arith.constant 0 : index
    %get3A_118 = vector.load %arg13[%get3A_116, %get3A_117] : memref<128x128xf32, #tpu.memory_space<vmem>>, vector<128x128xf32>
    %dot_general3A_119 = arith.constant dense<0.000000e+00> : vector<64x128xf32>
    %dot_general3A_120 = tpu.matmul %max3A_115, %get3A_118, %dot_general3A_119 {dimension_numbers = #tpu.dot_dimension_numbers<[1], [0], [0], [1], [0, 0, 1, 1], [], []>, transpose_lhs_hint = false} : vector<64x128xf32>, vector<128x128xf32>, vector<64x128xf32> -> vector<64x128xf32>
    %get3A_121 = arith.constant 0 : index
    %get3A_122 = arith.constant 0 : index
    %get3A_123 = vector.load %arg14[%get3A_121, %get3A_122] : memref<1x128xf32, #tpu.memory_space<vmem>>, vector<1x128xf32>
    %add3A_124 = vector.broadcast %get3A_123 : vector<1x128xf32> to vector<64x128xf32>
    %add3A_125 = arith.addf %dot_general3A_120, %add3A_124 : vector<64x128xf32>
    %get3A_126 = arith.constant 0 : index
    %get3A_127 = arith.constant 0 : index
    %get3A_128 = vector.load %arg1[%get3A_126, %get3A_127] : memref<10000x128xf32, #tpu.memory_space<vmem>>, vector<10000x128xf32>
    %dot_general3A_129 = arith.constant dense<0.000000e+00> : vector<64x128xf32>
    %dot_general3A_130 = tpu.matmul %convert_element_type3A_3, %get3A_128, %dot_general3A_129 {dimension_numbers = #tpu.dot_dimension_numbers<[1], [0], [0], [1], [0, 0, 1, 1], [], []>, precision = #tpu.contract_precision<fp32>, transpose_lhs_hint = false} : vector<64x10000xf32>, vector<10000x128xf32>, vector<64x128xf32> -> vector<64x128xf32>
    %get3A_131 = arith.constant 0 : index
    %get3A_132 = arith.constant 0 : index
    %get3A_133 = vector.load %arg15[%get3A_131, %get3A_132] : memref<128x128xf32, #tpu.memory_space<vmem>>, vector<128x128xf32>
    %dot_general3A_134 = arith.constant dense<0.000000e+00> : vector<64x128xf32>
    %dot_general3A_135 = tpu.matmul %dot_general3A_130, %get3A_133, %dot_general3A_134 {dimension_numbers = #tpu.dot_dimension_numbers<[1], [0], [0], [1], [0, 0, 1, 1], [], []>, transpose_lhs_hint = false} : vector<64x128xf32>, vector<128x128xf32>, vector<64x128xf32> -> vector<64x128xf32>
    %get3A_136 = arith.constant 0 : index
    %get3A_137 = arith.constant 0 : index
    %get3A_138 = vector.load %arg16[%get3A_136, %get3A_137] : memref<1x128xf32, #tpu.memory_space<vmem>>, vector<1x128xf32>
    %add3A_139 = vector.broadcast %get3A_138 : vector<1x128xf32> to vector<64x128xf32>
    %add3A_140 = arith.addf %dot_general3A_135, %add3A_139 : vector<64x128xf32>
    %get3A_141 = arith.constant 0 : index
    %get3A_142 = arith.constant 0 : index
    %get3A_143 = vector.load %arg17[%get3A_141, %get3A_142] : memref<1x128xf32, #tpu.memory_space<vmem>>, vector<1x128xf32>
    %get3A_144 = arith.constant 0 : index
    %get3A_145 = arith.constant 0 : index
    %get3A_146 = vector.load %arg18[%get3A_144, %get3A_145] : memref<1x128xf32, #tpu.memory_space<vmem>>, vector<1x128xf32>
    %reduce_sum3A_147 = arith.constant dense<0.000000e+00> : vector<128xf32>
    %reduce_sum3A_148 = vector.multi_reduction <add>, %add3A_140, %reduce_sum3A_147 [0] : vector<64x128xf32> to vector<128xf32>
    %broadcast_in_dim3A_149 = vector.shape_cast %reduce_sum3A_148 : vector<128xf32> to vector<1x128xf32>
    %div3A_150 = arith.constant 6.400000e+01 : f32
    %div3A_151 = vector.broadcast %div3A_150 : f32 to vector<1x128xf32>
    %div3A_152 = arith.divf %broadcast_in_dim3A_149, %div3A_151 : vector<1x128xf32>
    %jit3A_153 = arith.constant 0 : i32
    %reduce_sum3A_154 = arith.constant dense<0.000000e+00> : vector<128xf32>
    %reduce_sum3A_155 = vector.multi_reduction <add>, %add3A_140, %reduce_sum3A_154 [0] : vector<64x128xf32> to vector<128xf32>
    %broadcast_in_dim3A_156 = vector.shape_cast %reduce_sum3A_155 : vector<128xf32> to vector<1x128xf32>
    %div3A_157 = arith.constant 6.400000e+01 : f32
    %div3A_158 = vector.broadcast %div3A_157 : f32 to vector<1x128xf32>
    %div3A_159 = arith.divf %broadcast_in_dim3A_156, %div3A_158 : vector<1x128xf32>
    %sub3A_160 = vector.broadcast %div3A_159 : vector<1x128xf32> to vector<64x128xf32>
    %sub3A_161 = arith.subf %add3A_140, %sub3A_160 : vector<64x128xf32>
    %square3A_162 = arith.mulf %sub3A_161, %sub3A_161 : vector<64x128xf32>
    %convert_element_type3A_163 = arith.sitofp %jit3A_153 : i32 to f32
    %sub3A_164 = arith.constant 6.400000e+01 : f32
    %sub3A_165 = arith.subf %sub3A_164, %convert_element_type3A_163 : f32
    %reduce_sum3A_166 = arith.constant dense<0.000000e+00> : vector<128xf32>
    %reduce_sum3A_167 = vector.multi_reduction <add>, %square3A_162, %reduce_sum3A_166 [0] : vector<64x128xf32> to vector<128xf32>
    %broadcast_in_dim3A_168 = vector.shape_cast %reduce_sum3A_167 : vector<128xf32> to vector<1x128xf32>
    %div3A_169 = vector.broadcast %sub3A_165 : f32 to vector<1x128xf32>
    %div3A_170 = arith.divf %broadcast_in_dim3A_168, %div3A_169 : vector<1x128xf32>
    %gt3A_171 = arith.constant 0.000000e+00 : f32
    %gt3A_172 = arith.cmpf ogt, %sub3A_165, %gt3A_171 : f32
    %jit3A_173 = arith.constant 0x7FC00000 : f32
    %broadcast_in_dim3A_174 = vector.broadcast %jit3A_173 : f32 to vector<1x128xf32>
    %select_n3A_175 = arith.select %gt3A_172, %div3A_170, %broadcast_in_dim3A_174 : vector<1x128xf32>
    %sub3A_176 = vector.broadcast %div3A_152 : vector<1x128xf32> to vector<64x128xf32>
    %sub3A_177 = arith.subf %add3A_140, %sub3A_176 : vector<64x128xf32>
    %add3A_178 = arith.constant 9.99999974E-6 : f32
    %add3A_179 = vector.broadcast %add3A_178 : f32 to vector<1x128xf32>
    %add3A_180 = arith.addf %select_n3A_175, %add3A_179 : vector<1x128xf32>
    %sqrt3A_181 = math.sqrt %add3A_180 : vector<1x128xf32>
    %div3A_182 = vector.broadcast %sqrt3A_181 : vector<1x128xf32> to vector<64x128xf32>
    %div3A_183 = arith.divf %sub3A_177, %div3A_182 : vector<64x128xf32>
    %mul3A_184 = vector.broadcast %get3A_143 : vector<1x128xf32> to vector<64x128xf32>
    %mul3A_185 = arith.mulf %div3A_183, %mul3A_184 : vector<64x128xf32>
    %add3A_186 = vector.broadcast %get3A_146 : vector<1x128xf32> to vector<64x128xf32>
    %add3A_187 = arith.addf %mul3A_185, %add3A_186 : vector<64x128xf32>
    %max3A_188 = arith.constant 0.000000e+00 : f32
    %max3A_189 = vector.broadcast %max3A_188 : f32 to vector<64x128xf32>
    %max3A_190 = arith.maximumf %add3A_187, %max3A_189 : vector<64x128xf32>
    %get3A_191 = arith.constant 0 : index
    %get3A_192 = arith.constant 0 : index
    %get3A_193 = vector.load %arg19[%get3A_191, %get3A_192] : memref<128x128xf32, #tpu.memory_space<vmem>>, vector<128x128xf32>
    %dot_general3A_194 = arith.constant dense<0.000000e+00> : vector<64x128xf32>
    %dot_general3A_195 = tpu.matmul %max3A_190, %get3A_193, %dot_general3A_194 {dimension_numbers = #tpu.dot_dimension_numbers<[1], [0], [0], [1], [0, 0, 1, 1], [], []>, transpose_lhs_hint = false} : vector<64x128xf32>, vector<128x128xf32>, vector<64x128xf32> -> vector<64x128xf32>
    %get3A_196 = arith.constant 0 : index
    %get3A_197 = arith.constant 0 : index
    %get3A_198 = vector.load %arg20[%get3A_196, %get3A_197] : memref<1x128xf32, #tpu.memory_space<vmem>>, vector<1x128xf32>
    %add3A_199 = vector.broadcast %get3A_198 : vector<1x128xf32> to vector<64x128xf32>
    %add3A_200 = arith.addf %dot_general3A_195, %add3A_199 : vector<64x128xf32>
    %get3A_201 = arith.constant 0 : index
    %get3A_202 = arith.constant 0 : index
    %get3A_203 = vector.load %arg21[%get3A_201, %get3A_202] : memref<1x128xf32, #tpu.memory_space<vmem>>, vector<1x128xf32>
    %get3A_204 = arith.constant 0 : index
    %get3A_205 = arith.constant 0 : index
    %get3A_206 = vector.load %arg22[%get3A_204, %get3A_205] : memref<1x128xf32, #tpu.memory_space<vmem>>, vector<1x128xf32>
    %reduce_sum3A_207 = arith.constant dense<0.000000e+00> : vector<128xf32>
    %reduce_sum3A_208 = vector.multi_reduction <add>, %add3A_200, %reduce_sum3A_207 [0] : vector<64x128xf32> to vector<128xf32>
    %broadcast_in_dim3A_209 = vector.shape_cast %reduce_sum3A_208 : vector<128xf32> to vector<1x128xf32>
    %div3A_210 = arith.constant 6.400000e+01 : f32
    %div3A_211 = vector.broadcast %div3A_210 : f32 to vector<1x128xf32>
    %div3A_212 = arith.divf %broadcast_in_dim3A_209, %div3A_211 : vector<1x128xf32>
    %jit3A_213 = arith.constant 0 : i32
    %reduce_sum3A_214 = arith.constant dense<0.000000e+00> : vector<128xf32>
    %reduce_sum3A_215 = vector.multi_reduction <add>, %add3A_200, %reduce_sum3A_214 [0] : vector<64x128xf32> to vector<128xf32>
    %broadcast_in_dim3A_216 = vector.shape_cast %reduce_sum3A_215 : vector<128xf32> to vector<1x128xf32>
    %div3A_217 = arith.constant 6.400000e+01 : f32
    %div3A_218 = vector.broadcast %div3A_217 : f32 to vector<1x128xf32>
    %div3A_219 = arith.divf %broadcast_in_dim3A_216, %div3A_218 : vector<1x128xf32>
    %sub3A_220 = vector.broadcast %div3A_219 : vector<1x128xf32> to vector<64x128xf32>
    %sub3A_221 = arith.subf %add3A_200, %sub3A_220 : vector<64x128xf32>
    %square3A_222 = arith.mulf %sub3A_221, %sub3A_221 : vector<64x128xf32>
    %convert_element_type3A_223 = arith.sitofp %jit3A_213 : i32 to f32
    %sub3A_224 = arith.constant 6.400000e+01 : f32
    %sub3A_225 = arith.subf %sub3A_224, %convert_element_type3A_223 : f32
    %reduce_sum3A_226 = arith.constant dense<0.000000e+00> : vector<128xf32>
    %reduce_sum3A_227 = vector.multi_reduction <add>, %square3A_222, %reduce_sum3A_226 [0] : vector<64x128xf32> to vector<128xf32>
    %broadcast_in_dim3A_228 = vector.shape_cast %reduce_sum3A_227 : vector<128xf32> to vector<1x128xf32>
    %div3A_229 = vector.broadcast %sub3A_225 : f32 to vector<1x128xf32>
    %div3A_230 = arith.divf %broadcast_in_dim3A_228, %div3A_229 : vector<1x128xf32>
    %gt3A_231 = arith.constant 0.000000e+00 : f32
    %gt3A_232 = arith.cmpf ogt, %sub3A_225, %gt3A_231 : f32
    %jit3A_233 = arith.constant 0x7FC00000 : f32
    %broadcast_in_dim3A_234 = vector.broadcast %jit3A_233 : f32 to vector<1x128xf32>
    %select_n3A_235 = arith.select %gt3A_232, %div3A_230, %broadcast_in_dim3A_234 : vector<1x128xf32>
    %sub3A_236 = vector.broadcast %div3A_212 : vector<1x128xf32> to vector<64x128xf32>
    %sub3A_237 = arith.subf %add3A_200, %sub3A_236 : vector<64x128xf32>
    %add3A_238 = arith.constant 9.99999974E-6 : f32
    %add3A_239 = vector.broadcast %add3A_238 : f32 to vector<1x128xf32>
    %add3A_240 = arith.addf %select_n3A_235, %add3A_239 : vector<1x128xf32>
    %sqrt3A_241 = math.sqrt %add3A_240 : vector<1x128xf32>
    %div3A_242 = vector.broadcast %sqrt3A_241 : vector<1x128xf32> to vector<64x128xf32>
    %div3A_243 = arith.divf %sub3A_237, %div3A_242 : vector<64x128xf32>
    %mul3A_244 = vector.broadcast %get3A_203 : vector<1x128xf32> to vector<64x128xf32>
    %mul3A_245 = arith.mulf %div3A_243, %mul3A_244 : vector<64x128xf32>
    %add3A_246 = vector.broadcast %get3A_206 : vector<1x128xf32> to vector<64x128xf32>
    %add3A_247 = arith.addf %mul3A_245, %add3A_246 : vector<64x128xf32>
    %max3A_248 = arith.constant 0.000000e+00 : f32
    %max3A_249 = vector.broadcast %max3A_248 : f32 to vector<64x128xf32>
    %max3A_250 = arith.maximumf %add3A_247, %max3A_249 : vector<64x128xf32>
    %get3A_251 = arith.constant 0 : index
    %get3A_252 = arith.constant 0 : index
    %get3A_253 = vector.load %arg23[%get3A_251, %get3A_252] : memref<128x128xf32, #tpu.memory_space<vmem>>, vector<128x128xf32>
    %dot_general3A_254 = arith.constant dense<0.000000e+00> : vector<64x128xf32>
    %dot_general3A_255 = tpu.matmul %max3A_250, %get3A_253, %dot_general3A_254 {dimension_numbers = #tpu.dot_dimension_numbers<[1], [0], [0], [1], [0, 0, 1, 1], [], []>, transpose_lhs_hint = false} : vector<64x128xf32>, vector<128x128xf32>, vector<64x128xf32> -> vector<64x128xf32>
    %get3A_256 = arith.constant 0 : index
    %get3A_257 = arith.constant 0 : index
    %get3A_258 = vector.load %arg24[%get3A_256, %get3A_257] : memref<1x128xf32, #tpu.memory_space<vmem>>, vector<1x128xf32>
    %add3A_259 = vector.broadcast %get3A_258 : vector<1x128xf32> to vector<64x128xf32>
    %add3A_260 = arith.addf %dot_general3A_255, %add3A_259 : vector<64x128xf32>
    %add3A_261 = arith.addf %add3A_125, %add3A_260 : vector<64x128xf32>
    %get3A_262 = arith.constant 0 : index
    %get3A_263 = arith.constant 0 : index
    %get3A_264 = vector.load %arg2[%get3A_262, %get3A_263] : memref<10000x128xf32, #tpu.memory_space<vmem>>, vector<10000x128xf32>
    %dot_general3A_265 = arith.constant dense<0.000000e+00> : vector<64x128xf32>
    %dot_general3A_266 = tpu.matmul %convert_element_type3A_3, %get3A_264, %dot_general3A_265 {dimension_numbers = #tpu.dot_dimension_numbers<[1], [0], [0], [1], [0, 0, 1, 1], [], []>, precision = #tpu.contract_precision<fp32>, transpose_lhs_hint = false} : vector<64x10000xf32>, vector<10000x128xf32>, vector<64x128xf32> -> vector<64x128xf32>
    %get3A_267 = arith.constant 0 : index
    %get3A_268 = arith.constant 0 : index
    %get3A_269 = vector.load %arg25[%get3A_267, %get3A_268] : memref<128x128xf32, #tpu.memory_space<vmem>>, vector<128x128xf32>
    %dot_general3A_270 = arith.constant dense<0.000000e+00> : vector<64x128xf32>
    %dot_general3A_271 = tpu.matmul %dot_general3A_266, %get3A_269, %dot_general3A_270 {dimension_numbers = #tpu.dot_dimension_numbers<[1], [0], [0], [1], [0, 0, 1, 1], [], []>, transpose_lhs_hint = false} : vector<64x128xf32>, vector<128x128xf32>, vector<64x128xf32> -> vector<64x128xf32>
    %get3A_272 = arith.constant 0 : index
    %get3A_273 = arith.constant 0 : index
    %get3A_274 = vector.load %arg26[%get3A_272, %get3A_273] : memref<1x128xf32, #tpu.memory_space<vmem>>, vector<1x128xf32>
    %add3A_275 = vector.broadcast %get3A_274 : vector<1x128xf32> to vector<64x128xf32>
    %add3A_276 = arith.addf %dot_general3A_271, %add3A_275 : vector<64x128xf32>
    %get3A_277 = arith.constant 0 : index
    %get3A_278 = arith.constant 0 : index
    %get3A_279 = vector.load %arg27[%get3A_277, %get3A_278] : memref<1x128xf32, #tpu.memory_space<vmem>>, vector<1x128xf32>
    %get3A_280 = arith.constant 0 : index
    %get3A_281 = arith.constant 0 : index
    %get3A_282 = vector.load %arg28[%get3A_280, %get3A_281] : memref<1x128xf32, #tpu.memory_space<vmem>>, vector<1x128xf32>
    %reduce_sum3A_283 = arith.constant dense<0.000000e+00> : vector<128xf32>
    %reduce_sum3A_284 = vector.multi_reduction <add>, %add3A_276, %reduce_sum3A_283 [0] : vector<64x128xf32> to vector<128xf32>
    %broadcast_in_dim3A_285 = vector.shape_cast %reduce_sum3A_284 : vector<128xf32> to vector<1x128xf32>
    %div3A_286 = arith.constant 6.400000e+01 : f32
    %div3A_287 = vector.broadcast %div3A_286 : f32 to vector<1x128xf32>
    %div3A_288 = arith.divf %broadcast_in_dim3A_285, %div3A_287 : vector<1x128xf32>
    %jit3A_289 = arith.constant 0 : i32
    %reduce_sum3A_290 = arith.constant dense<0.000000e+00> : vector<128xf32>
    %reduce_sum3A_291 = vector.multi_reduction <add>, %add3A_276, %reduce_sum3A_290 [0] : vector<64x128xf32> to vector<128xf32>
    %broadcast_in_dim3A_292 = vector.shape_cast %reduce_sum3A_291 : vector<128xf32> to vector<1x128xf32>
    %div3A_293 = arith.constant 6.400000e+01 : f32
    %div3A_294 = vector.broadcast %div3A_293 : f32 to vector<1x128xf32>
    %div3A_295 = arith.divf %broadcast_in_dim3A_292, %div3A_294 : vector<1x128xf32>
    %sub3A_296 = vector.broadcast %div3A_295 : vector<1x128xf32> to vector<64x128xf32>
    %sub3A_297 = arith.subf %add3A_276, %sub3A_296 : vector<64x128xf32>
    %square3A_298 = arith.mulf %sub3A_297, %sub3A_297 : vector<64x128xf32>
    %convert_element_type3A_299 = arith.sitofp %jit3A_289 : i32 to f32
    %sub3A_300 = arith.constant 6.400000e+01 : f32
    %sub3A_301 = arith.subf %sub3A_300, %convert_element_type3A_299 : f32
    %reduce_sum3A_302 = arith.constant dense<0.000000e+00> : vector<128xf32>
    %reduce_sum3A_303 = vector.multi_reduction <add>, %square3A_298, %reduce_sum3A_302 [0] : vector<64x128xf32> to vector<128xf32>
    %broadcast_in_dim3A_304 = vector.shape_cast %reduce_sum3A_303 : vector<128xf32> to vector<1x128xf32>
    %div3A_305 = vector.broadcast %sub3A_301 : f32 to vector<1x128xf32>
    %div3A_306 = arith.divf %broadcast_in_dim3A_304, %div3A_305 : vector<1x128xf32>
    %gt3A_307 = arith.constant 0.000000e+00 : f32
    %gt3A_308 = arith.cmpf ogt, %sub3A_301, %gt3A_307 : f32
    %jit3A_309 = arith.constant 0x7FC00000 : f32
    %broadcast_in_dim3A_310 = vector.broadcast %jit3A_309 : f32 to vector<1x128xf32>
    %select_n3A_311 = arith.select %gt3A_308, %div3A_306, %broadcast_in_dim3A_310 : vector<1x128xf32>
    %sub3A_312 = vector.broadcast %div3A_288 : vector<1x128xf32> to vector<64x128xf32>
    %sub3A_313 = arith.subf %add3A_276, %sub3A_312 : vector<64x128xf32>
    %add3A_314 = arith.constant 9.99999974E-6 : f32
    %add3A_315 = vector.broadcast %add3A_314 : f32 to vector<1x128xf32>
    %add3A_316 = arith.addf %select_n3A_311, %add3A_315 : vector<1x128xf32>
    %sqrt3A_317 = math.sqrt %add3A_316 : vector<1x128xf32>
    %div3A_318 = vector.broadcast %sqrt3A_317 : vector<1x128xf32> to vector<64x128xf32>
    %div3A_319 = arith.divf %sub3A_313, %div3A_318 : vector<64x128xf32>
    %mul3A_320 = vector.broadcast %get3A_279 : vector<1x128xf32> to vector<64x128xf32>
    %mul3A_321 = arith.mulf %div3A_319, %mul3A_320 : vector<64x128xf32>
    %add3A_322 = vector.broadcast %get3A_282 : vector<1x128xf32> to vector<64x128xf32>
    %add3A_323 = arith.addf %mul3A_321, %add3A_322 : vector<64x128xf32>
    %max3A_324 = arith.constant 0.000000e+00 : f32
    %max3A_325 = vector.broadcast %max3A_324 : f32 to vector<64x128xf32>
    %max3A_326 = arith.maximumf %add3A_323, %max3A_325 : vector<64x128xf32>
    %get3A_327 = arith.constant 0 : index
    %get3A_328 = arith.constant 0 : index
    %get3A_329 = vector.load %arg29[%get3A_327, %get3A_328] : memref<128x128xf32, #tpu.memory_space<vmem>>, vector<128x128xf32>
    %dot_general3A_330 = arith.constant dense<0.000000e+00> : vector<64x128xf32>
    %dot_general3A_331 = tpu.matmul %max3A_326, %get3A_329, %dot_general3A_330 {dimension_numbers = #tpu.dot_dimension_numbers<[1], [0], [0], [1], [0, 0, 1, 1], [], []>, transpose_lhs_hint = false} : vector<64x128xf32>, vector<128x128xf32>, vector<64x128xf32> -> vector<64x128xf32>
    %get3A_332 = arith.constant 0 : index
    %get3A_333 = arith.constant 0 : index
    %get3A_334 = vector.load %arg30[%get3A_332, %get3A_333] : memref<1x128xf32, #tpu.memory_space<vmem>>, vector<1x128xf32>
    %add3A_335 = vector.broadcast %get3A_334 : vector<1x128xf32> to vector<64x128xf32>
    %add3A_336 = arith.addf %dot_general3A_331, %add3A_335 : vector<64x128xf32>
    %get3A_337 = arith.constant 0 : index
    %get3A_338 = arith.constant 0 : index
    %get3A_339 = vector.load %arg31[%get3A_337, %get3A_338] : memref<1x128xf32, #tpu.memory_space<vmem>>, vector<1x128xf32>
    %get3A_340 = arith.constant 0 : index
    %get3A_341 = arith.constant 0 : index
    %get3A_342 = vector.load %arg32[%get3A_340, %get3A_341] : memref<1x128xf32, #tpu.memory_space<vmem>>, vector<1x128xf32>
    %reduce_sum3A_343 = arith.constant dense<0.000000e+00> : vector<128xf32>
    %reduce_sum3A_344 = vector.multi_reduction <add>, %add3A_336, %reduce_sum3A_343 [0] : vector<64x128xf32> to vector<128xf32>
    %broadcast_in_dim3A_345 = vector.shape_cast %reduce_sum3A_344 : vector<128xf32> to vector<1x128xf32>
    %div3A_346 = arith.constant 6.400000e+01 : f32
    %div3A_347 = vector.broadcast %div3A_346 : f32 to vector<1x128xf32>
    %div3A_348 = arith.divf %broadcast_in_dim3A_345, %div3A_347 : vector<1x128xf32>
    %jit3A_349 = arith.constant 0 : i32
    %reduce_sum3A_350 = arith.constant dense<0.000000e+00> : vector<128xf32>
    %reduce_sum3A_351 = vector.multi_reduction <add>, %add3A_336, %reduce_sum3A_350 [0] : vector<64x128xf32> to vector<128xf32>
    %broadcast_in_dim3A_352 = vector.shape_cast %reduce_sum3A_351 : vector<128xf32> to vector<1x128xf32>
    %div3A_353 = arith.constant 6.400000e+01 : f32
    %div3A_354 = vector.broadcast %div3A_353 : f32 to vector<1x128xf32>
    %div3A_355 = arith.divf %broadcast_in_dim3A_352, %div3A_354 : vector<1x128xf32>
    %sub3A_356 = vector.broadcast %div3A_355 : vector<1x128xf32> to vector<64x128xf32>
    %sub3A_357 = arith.subf %add3A_336, %sub3A_356 : vector<64x128xf32>
    %square3A_358 = arith.mulf %sub3A_357, %sub3A_357 : vector<64x128xf32>
    %convert_element_type3A_359 = arith.sitofp %jit3A_349 : i32 to f32
    %sub3A_360 = arith.constant 6.400000e+01 : f32
    %sub3A_361 = arith.subf %sub3A_360, %convert_element_type3A_359 : f32
    %reduce_sum3A_362 = arith.constant dense<0.000000e+00> : vector<128xf32>
    %reduce_sum3A_363 = vector.multi_reduction <add>, %square3A_358, %reduce_sum3A_362 [0] : vector<64x128xf32> to vector<128xf32>
    %broadcast_in_dim3A_364 = vector.shape_cast %reduce_sum3A_363 : vector<128xf32> to vector<1x128xf32>
    %div3A_365 = vector.broadcast %sub3A_361 : f32 to vector<1x128xf32>
    %div3A_366 = arith.divf %broadcast_in_dim3A_364, %div3A_365 : vector<1x128xf32>
    %gt3A_367 = arith.constant 0.000000e+00 : f32
    %gt3A_368 = arith.cmpf ogt, %sub3A_361, %gt3A_367 : f32
    %jit3A_369 = arith.constant 0x7FC00000 : f32
    %broadcast_in_dim3A_370 = vector.broadcast %jit3A_369 : f32 to vector<1x128xf32>
    %select_n3A_371 = arith.select %gt3A_368, %div3A_366, %broadcast_in_dim3A_370 : vector<1x128xf32>
    %sub3A_372 = vector.broadcast %div3A_348 : vector<1x128xf32> to vector<64x128xf32>
    %sub3A_373 = arith.subf %add3A_336, %sub3A_372 : vector<64x128xf32>
    %add3A_374 = arith.constant 9.99999974E-6 : f32
    %add3A_375 = vector.broadcast %add3A_374 : f32 to vector<1x128xf32>
    %add3A_376 = arith.addf %select_n3A_371, %add3A_375 : vector<1x128xf32>
    %sqrt3A_377 = math.sqrt %add3A_376 : vector<1x128xf32>
    %div3A_378 = vector.broadcast %sqrt3A_377 : vector<1x128xf32> to vector<64x128xf32>
    %div3A_379 = arith.divf %sub3A_373, %div3A_378 : vector<64x128xf32>
    %mul3A_380 = vector.broadcast %get3A_339 : vector<1x128xf32> to vector<64x128xf32>
    %mul3A_381 = arith.mulf %div3A_379, %mul3A_380 : vector<64x128xf32>
    %add3A_382 = vector.broadcast %get3A_342 : vector<1x128xf32> to vector<64x128xf32>
    %add3A_383 = arith.addf %mul3A_381, %add3A_382 : vector<64x128xf32>
    %max3A_384 = arith.constant 0.000000e+00 : f32
    %max3A_385 = vector.broadcast %max3A_384 : f32 to vector<64x128xf32>
    %max3A_386 = arith.maximumf %add3A_383, %max3A_385 : vector<64x128xf32>
    %get3A_387 = arith.constant 0 : index
    %get3A_388 = arith.constant 0 : index
    %get3A_389 = vector.load %arg33[%get3A_387, %get3A_388] : memref<128x128xf32, #tpu.memory_space<vmem>>, vector<128x128xf32>
    %dot_general3A_390 = arith.constant dense<0.000000e+00> : vector<64x128xf32>
    %dot_general3A_391 = tpu.matmul %max3A_386, %get3A_389, %dot_general3A_390 {dimension_numbers = #tpu.dot_dimension_numbers<[1], [0], [0], [1], [0, 0, 1, 1], [], []>, transpose_lhs_hint = false} : vector<64x128xf32>, vector<128x128xf32>, vector<64x128xf32> -> vector<64x128xf32>
    %get3A_392 = arith.constant 0 : index
    %get3A_393 = arith.constant 0 : index
    %get3A_394 = vector.load %arg34[%get3A_392, %get3A_393] : memref<1x128xf32, #tpu.memory_space<vmem>>, vector<1x128xf32>
    %add3A_395 = vector.broadcast %get3A_394 : vector<1x128xf32> to vector<64x128xf32>
    %add3A_396 = arith.addf %dot_general3A_391, %add3A_395 : vector<64x128xf32>
    %add3A_397 = arith.addf %add3A_261, %add3A_396 : vector<64x128xf32>
    %get3A_398 = arith.constant 0 : index
    %get3A_399 = arith.constant 0 : index
    %get3A_400 = vector.load %arg3[%get3A_398, %get3A_399] : memref<10000x128xf32, #tpu.memory_space<vmem>>, vector<10000x128xf32>
    %dot_general3A_401 = arith.constant dense<0.000000e+00> : vector<64x128xf32>
    %dot_general3A_402 = tpu.matmul %convert_element_type3A_3, %get3A_400, %dot_general3A_401 {dimension_numbers = #tpu.dot_dimension_numbers<[1], [0], [0], [1], [0, 0, 1, 1], [], []>, precision = #tpu.contract_precision<fp32>, transpose_lhs_hint = false} : vector<64x10000xf32>, vector<10000x128xf32>, vector<64x128xf32> -> vector<64x128xf32>
    %get3A_403 = arith.constant 0 : index
    %get3A_404 = arith.constant 0 : index
    %get3A_405 = vector.load %arg35[%get3A_403, %get3A_404] : memref<128x128xf32, #tpu.memory_space<vmem>>, vector<128x128xf32>
    %dot_general3A_406 = arith.constant dense<0.000000e+00> : vector<64x128xf32>
    %dot_general3A_407 = tpu.matmul %dot_general3A_402, %get3A_405, %dot_general3A_406 {dimension_numbers = #tpu.dot_dimension_numbers<[1], [0], [0], [1], [0, 0, 1, 1], [], []>, transpose_lhs_hint = false} : vector<64x128xf32>, vector<128x128xf32>, vector<64x128xf32> -> vector<64x128xf32>
    %get3A_408 = arith.constant 0 : index
    %get3A_409 = arith.constant 0 : index
    %get3A_410 = vector.load %arg36[%get3A_408, %get3A_409] : memref<1x128xf32, #tpu.memory_space<vmem>>, vector<1x128xf32>
    %add3A_411 = vector.broadcast %get3A_410 : vector<1x128xf32> to vector<64x128xf32>
    %add3A_412 = arith.addf %dot_general3A_407, %add3A_411 : vector<64x128xf32>
    %get3A_413 = arith.constant 0 : index
    %get3A_414 = arith.constant 0 : index
    %get3A_415 = vector.load %arg37[%get3A_413, %get3A_414] : memref<1x128xf32, #tpu.memory_space<vmem>>, vector<1x128xf32>
    %get3A_416 = arith.constant 0 : index
    %get3A_417 = arith.constant 0 : index
    %get3A_418 = vector.load %arg38[%get3A_416, %get3A_417] : memref<1x128xf32, #tpu.memory_space<vmem>>, vector<1x128xf32>
    %reduce_sum3A_419 = arith.constant dense<0.000000e+00> : vector<128xf32>
    %reduce_sum3A_420 = vector.multi_reduction <add>, %add3A_412, %reduce_sum3A_419 [0] : vector<64x128xf32> to vector<128xf32>
    %broadcast_in_dim3A_421 = vector.shape_cast %reduce_sum3A_420 : vector<128xf32> to vector<1x128xf32>
    %div3A_422 = arith.constant 6.400000e+01 : f32
    %div3A_423 = vector.broadcast %div3A_422 : f32 to vector<1x128xf32>
    %div3A_424 = arith.divf %broadcast_in_dim3A_421, %div3A_423 : vector<1x128xf32>
    %jit3A_425 = arith.constant 0 : i32
    %reduce_sum3A_426 = arith.constant dense<0.000000e+00> : vector<128xf32>
    %reduce_sum3A_427 = vector.multi_reduction <add>, %add3A_412, %reduce_sum3A_426 [0] : vector<64x128xf32> to vector<128xf32>
    %broadcast_in_dim3A_428 = vector.shape_cast %reduce_sum3A_427 : vector<128xf32> to vector<1x128xf32>
    %div3A_429 = arith.constant 6.400000e+01 : f32
    %div3A_430 = vector.broadcast %div3A_429 : f32 to vector<1x128xf32>
    %div3A_431 = arith.divf %broadcast_in_dim3A_428, %div3A_430 : vector<1x128xf32>
    %sub3A_432 = vector.broadcast %div3A_431 : vector<1x128xf32> to vector<64x128xf32>
    %sub3A_433 = arith.subf %add3A_412, %sub3A_432 : vector<64x128xf32>
    %square3A_434 = arith.mulf %sub3A_433, %sub3A_433 : vector<64x128xf32>
    %convert_element_type3A_435 = arith.sitofp %jit3A_425 : i32 to f32
    %sub3A_436 = arith.constant 6.400000e+01 : f32
    %sub3A_437 = arith.subf %sub3A_436, %convert_element_type3A_435 : f32
    %reduce_sum3A_438 = arith.constant dense<0.000000e+00> : vector<128xf32>
    %reduce_sum3A_439 = vector.multi_reduction <add>, %square3A_434, %reduce_sum3A_438 [0] : vector<64x128xf32> to vector<128xf32>
    %broadcast_in_dim3A_440 = vector.shape_cast %reduce_sum3A_439 : vector<128xf32> to vector<1x128xf32>
    %div3A_441 = vector.broadcast %sub3A_437 : f32 to vector<1x128xf32>
    %div3A_442 = arith.divf %broadcast_in_dim3A_440, %div3A_441 : vector<1x128xf32>
    %gt3A_443 = arith.constant 0.000000e+00 : f32
    %gt3A_444 = arith.cmpf ogt, %sub3A_437, %gt3A_443 : f32
    %jit3A_445 = arith.constant 0x7FC00000 : f32
    %broadcast_in_dim3A_446 = vector.broadcast %jit3A_445 : f32 to vector<1x128xf32>
    %select_n3A_447 = arith.select %gt3A_444, %div3A_442, %broadcast_in_dim3A_446 : vector<1x128xf32>
    %sub3A_448 = vector.broadcast %div3A_424 : vector<1x128xf32> to vector<64x128xf32>
    %sub3A_449 = arith.subf %add3A_412, %sub3A_448 : vector<64x128xf32>
    %add3A_450 = arith.constant 9.99999974E-6 : f32
    %add3A_451 = vector.broadcast %add3A_450 : f32 to vector<1x128xf32>
    %add3A_452 = arith.addf %select_n3A_447, %add3A_451 : vector<1x128xf32>
    %sqrt3A_453 = math.sqrt %add3A_452 : vector<1x128xf32>
    %div3A_454 = vector.broadcast %sqrt3A_453 : vector<1x128xf32> to vector<64x128xf32>
    %div3A_455 = arith.divf %sub3A_449, %div3A_454 : vector<64x128xf32>
    %mul3A_456 = vector.broadcast %get3A_415 : vector<1x128xf32> to vector<64x128xf32>
    %mul3A_457 = arith.mulf %div3A_455, %mul3A_456 : vector<64x128xf32>
    %add3A_458 = vector.broadcast %get3A_418 : vector<1x128xf32> to vector<64x128xf32>
    %add3A_459 = arith.addf %mul3A_457, %add3A_458 : vector<64x128xf32>
    %max3A_460 = arith.constant 0.000000e+00 : f32
    %max3A_461 = vector.broadcast %max3A_460 : f32 to vector<64x128xf32>
    %max3A_462 = arith.maximumf %add3A_459, %max3A_461 : vector<64x128xf32>
    %get3A_463 = arith.constant 0 : index
    %get3A_464 = arith.constant 0 : index
    %get3A_465 = vector.load %arg39[%get3A_463, %get3A_464] : memref<128x128xf32, #tpu.memory_space<vmem>>, vector<128x128xf32>
    %dot_general3A_466 = arith.constant dense<0.000000e+00> : vector<64x128xf32>
    %dot_general3A_467 = tpu.matmul %max3A_462, %get3A_465, %dot_general3A_466 {dimension_numbers = #tpu.dot_dimension_numbers<[1], [0], [0], [1], [0, 0, 1, 1], [], []>, transpose_lhs_hint = false} : vector<64x128xf32>, vector<128x128xf32>, vector<64x128xf32> -> vector<64x128xf32>
    %get3A_468 = arith.constant 0 : index
    %get3A_469 = arith.constant 0 : index
    %get3A_470 = vector.load %arg40[%get3A_468, %get3A_469] : memref<1x128xf32, #tpu.memory_space<vmem>>, vector<1x128xf32>
    %add3A_471 = vector.broadcast %get3A_470 : vector<1x128xf32> to vector<64x128xf32>
    %add3A_472 = arith.addf %dot_general3A_467, %add3A_471 : vector<64x128xf32>
    %get3A_473 = arith.constant 0 : index
    %get3A_474 = arith.constant 0 : index
    %get3A_475 = vector.load %arg41[%get3A_473, %get3A_474] : memref<1x128xf32, #tpu.memory_space<vmem>>, vector<1x128xf32>
    %get3A_476 = arith.constant 0 : index
    %get3A_477 = arith.constant 0 : index
    %get3A_478 = vector.load %arg42[%get3A_476, %get3A_477] : memref<1x128xf32, #tpu.memory_space<vmem>>, vector<1x128xf32>
    %reduce_sum3A_479 = arith.constant dense<0.000000e+00> : vector<128xf32>
    %reduce_sum3A_480 = vector.multi_reduction <add>, %add3A_472, %reduce_sum3A_479 [0] : vector<64x128xf32> to vector<128xf32>
    %broadcast_in_dim3A_481 = vector.shape_cast %reduce_sum3A_480 : vector<128xf32> to vector<1x128xf32>
    %div3A_482 = arith.constant 6.400000e+01 : f32
    %div3A_483 = vector.broadcast %div3A_482 : f32 to vector<1x128xf32>
    %div3A_484 = arith.divf %broadcast_in_dim3A_481, %div3A_483 : vector<1x128xf32>
    %jit3A_485 = arith.constant 0 : i32
    %reduce_sum3A_486 = arith.constant dense<0.000000e+00> : vector<128xf32>
    %reduce_sum3A_487 = vector.multi_reduction <add>, %add3A_472, %reduce_sum3A_486 [0] : vector<64x128xf32> to vector<128xf32>
    %broadcast_in_dim3A_488 = vector.shape_cast %reduce_sum3A_487 : vector<128xf32> to vector<1x128xf32>
    %div3A_489 = arith.constant 6.400000e+01 : f32
    %div3A_490 = vector.broadcast %div3A_489 : f32 to vector<1x128xf32>
    %div3A_491 = arith.divf %broadcast_in_dim3A_488, %div3A_490 : vector<1x128xf32>
    %sub3A_492 = vector.broadcast %div3A_491 : vector<1x128xf32> to vector<64x128xf32>
    %sub3A_493 = arith.subf %add3A_472, %sub3A_492 : vector<64x128xf32>
    %square3A_494 = arith.mulf %sub3A_493, %sub3A_493 : vector<64x128xf32>
    %convert_element_type3A_495 = arith.sitofp %jit3A_485 : i32 to f32
    %sub3A_496 = arith.constant 6.400000e+01 : f32
    %sub3A_497 = arith.subf %sub3A_496, %convert_element_type3A_495 : f32
    %reduce_sum3A_498 = arith.constant dense<0.000000e+00> : vector<128xf32>
    %reduce_sum3A_499 = vector.multi_reduction <add>, %square3A_494, %reduce_sum3A_498 [0] : vector<64x128xf32> to vector<128xf32>
    %broadcast_in_dim3A_500 = vector.shape_cast %reduce_sum3A_499 : vector<128xf32> to vector<1x128xf32>
    %div3A_501 = vector.broadcast %sub3A_497 : f32 to vector<1x128xf32>
    %div3A_502 = arith.divf %broadcast_in_dim3A_500, %div3A_501 : vector<1x128xf32>
    %gt3A_503 = arith.constant 0.000000e+00 : f32
    %gt3A_504 = arith.cmpf ogt, %sub3A_497, %gt3A_503 : f32
    %jit3A_505 = arith.constant 0x7FC00000 : f32
    %broadcast_in_dim3A_506 = vector.broadcast %jit3A_505 : f32 to vector<1x128xf32>
    %select_n3A_507 = arith.select %gt3A_504, %div3A_502, %broadcast_in_dim3A_506 : vector<1x128xf32>
    %sub3A_508 = vector.broadcast %div3A_484 : vector<1x128xf32> to vector<64x128xf32>
    %sub3A_509 = arith.subf %add3A_472, %sub3A_508 : vector<64x128xf32>
    %add3A_510 = arith.constant 9.99999974E-6 : f32
    %add3A_511 = vector.broadcast %add3A_510 : f32 to vector<1x128xf32>
    %add3A_512 = arith.addf %select_n3A_507, %add3A_511 : vector<1x128xf32>
    %sqrt3A_513 = math.sqrt %add3A_512 : vector<1x128xf32>
    %div3A_514 = vector.broadcast %sqrt3A_513 : vector<1x128xf32> to vector<64x128xf32>
    %div3A_515 = arith.divf %sub3A_509, %div3A_514 : vector<64x128xf32>
    %mul3A_516 = vector.broadcast %get3A_475 : vector<1x128xf32> to vector<64x128xf32>
    %mul3A_517 = arith.mulf %div3A_515, %mul3A_516 : vector<64x128xf32>
    %add3A_518 = vector.broadcast %get3A_478 : vector<1x128xf32> to vector<64x128xf32>
    %add3A_519 = arith.addf %mul3A_517, %add3A_518 : vector<64x128xf32>
    %max3A_520 = arith.constant 0.000000e+00 : f32
    %max3A_521 = vector.broadcast %max3A_520 : f32 to vector<64x128xf32>
    %max3A_522 = arith.maximumf %add3A_519, %max3A_521 : vector<64x128xf32>
    %get3A_523 = arith.constant 0 : index
    %get3A_524 = arith.constant 0 : index
    %get3A_525 = vector.load %arg43[%get3A_523, %get3A_524] : memref<128x128xf32, #tpu.memory_space<vmem>>, vector<128x128xf32>
    %dot_general3A_526 = arith.constant dense<0.000000e+00> : vector<64x128xf32>
    %dot_general3A_527 = tpu.matmul %max3A_522, %get3A_525, %dot_general3A_526 {dimension_numbers = #tpu.dot_dimension_numbers<[1], [0], [0], [1], [0, 0, 1, 1], [], []>, transpose_lhs_hint = false} : vector<64x128xf32>, vector<128x128xf32>, vector<64x128xf32> -> vector<64x128xf32>
    %get3A_528 = arith.constant 0 : index
    %get3A_529 = arith.constant 0 : index
    %get3A_530 = vector.load %arg44[%get3A_528, %get3A_529] : memref<1x128xf32, #tpu.memory_space<vmem>>, vector<1x128xf32>
    %add3A_531 = vector.broadcast %get3A_530 : vector<1x128xf32> to vector<64x128xf32>
    %add3A_532 = arith.addf %dot_general3A_527, %add3A_531 : vector<64x128xf32>
    %add3A_533 = arith.addf %add3A_397, %add3A_532 : vector<64x128xf32>
    %swap3A = arith.constant 0 : index
    %swap3A_534 = arith.constant 0 : index
    %swap3A_535 = vector.load %arg45[%swap3A, %swap3A_534] : memref<64x128xf32, #tpu.memory_space<vmem>>, vector<64x128xf32>
    tpu.vector_store %arg45[%swap3A, %swap3A_534], %add3A_533 {strides = array<i32>} : memref<64x128xf32, #tpu.memory_space<vmem>>, vector<64x128xf32>,
    return
  }
}

</mosaic_0001>

<sc_bundles>
// kernel: kernel.15.cloned.1.call-start
scs
__scs_entry_jumppad:
0x0: {  	(pc) =	sbr.rel $0x88, $3  }
0x1: {  	(tag) =	ssettag $0x0;
	lr =	simm.s32 $0x1  }
0x2: {  	[smem:$0x3F4D] =	sst lr;
	_ =	strace $0xD0000000  }
0x3: {  	_ = 	snop  }
0x4: {  	_ = 	snop  }
0x5: {  	_ = 	snop  }
0x6: {  	_ = 	snop  }
0x7: {  	_ = 	snop  }
__scs_overlays_trampoline_lowered:
0x8: {  	[smem:$0x3F5C] =	sst s0  }
0x9: {  	[smem:$0x3F5D] =	sst s1  }
0xa: {  	[smem:$0x3F5E] =	sst s2  }
0xb: {  	[smem:$0x3F5F] =	sst s3  }
0xc: {  	[smem:$0x3F60] =	sst s4  }
0xd: {  	[smem:$0x3F61] =	sst s5  }
0xe: {  	[smem:$0x3F62] =	sst s6  }
0xf: {  	[smem:$0x3F63] =	sst s7  }
0x10: {  	[smem:$0x3F64] =	sst s8  }
0x11: {  	[smem:$0x3F65] =	sst s9;
	s0 =	simm.s32 @!p0 $0x0  }
0x12: {  	s1 =	sld [smem:$0x3F4B];
	s0 =	simm.s32 @p0 $0x1  }
0x13: {  	[smem:$0x3F66] =	sst s0;
	s0 =	simm.s32 @!p1 $0x0  }
0x14: {  	s2 =	sld [smem:$0x3F4A];
	s0 =	simm.s32 @p1 $0x1  }
0x15: {  	[smem:$0x3F67] =	sst s0;
	s0 =	simm.s32 @!p2 $0x0  }
0x16: {  	s3 =	sld [smem:$0x3FDB];
	s0 =	simm.s32 @p2 $0x1  }
0x17: {  	s4 =	simm.s32 $0x1BF5;
	[smem:$0x3F69] =	sst s0  }
0x18: {  	s0 =	sld [smem:$0x3F4C];
	_ =	swait.ge [sflag:s4], $0x0  }
0x19: {  	s7 =	sld [smem:$0x3F4D]  }
0x1a: {  	s8 =	sadd.s32 $0xFFFFE003, lr  }
0x1b: {  	s9 =	sadd.s32 $0xFFFFFEF7, lr;
	s5 =	simm.s32 $0xFFFFFFFF;
	p2 =	slt.u32 s8, $0xFFFFF086  }
0x1c: {  	p1 =	slt.u32 s9, $0xF7A;
	s5 =	simm.s32 @!p2 $0x0  }
0x1d: {  	s5 =	simm.s32 @p1 $0x1;
	p0 =	seq.s32 s7, s2  }
0x1e: {  	s7 =	smul.u32 @!p0 $0xF7A, s2;
	p2 =	seq.s32 @!p0 s5, $0x0  }
0x1f: {  	s9 =	smul.u32 $0xF7A, s1;
	s8 =	simm.s32 @!p0 $0x1BF5;
	p2 =	por !p2, p0  }
0x20: {  	[sflag:s8] =	ssyncset.s32 @!p0 $0xFFFFF086;
	s6 =	sadd.s32 @!p0 s3, s7;
	s7 =	simm.s32 @!p0 $0x108  }
0x21: {  	s3 =	sadd.s32 s3, s9;
	s6 =	sadd.s32 @!p0 $0x88, s6;
	s7 =	simm.s32 @p2 $0x1082  }
0x22: {  	[simem:s7], [sflag:s8] =	dma.local @!p0 [hbm:s6], $0xF7A  }
0x23: {  	s9 =	sor.u32 $0xD0000000, s2;
	s6 =	simm.s32 $0x108;
	_ =	swait.ge @!p0 [sflag:s8], $0x0  }
0x24: {  	s3 =	sadd.s32 $0x88, s3;
	s6 =	simm.s32 @!p1 $0x1082;
	[sflag:s4] =	ssyncset.s32 $0xFFFFF086  }
0x25: {  	[simem:s6], [sflag:s4] =	dma.local [hbm:s3], $0xF7A  }
0x26: {  	[smem:$0x3F4D] =	sst s1;
	(tag) =	ssettag s2;
	_ =	strace s9  }
0x27: {  	s1 =	sld [smem:$0x3F5D]  }
0x28: {  	s2 =	sld [smem:$0x3F5E]  }
0x29: {  	s4 =	sld [smem:$0x3F60]  }
0x2a: {  	p0 =	seq.s32 s5, $0x0;
	s5 =	sld [smem:$0x3F61]  }
0x2b: {  	s6 =	sld [smem:$0x3F62]  }
0x2c: {  	s7 =	sld [smem:$0x3F63]  }
0x2d: {  	s3 =	simm.s32 $0x108;
	s8 =	sld [smem:$0x3F64]  }
0x2e: {  	s3 =	simm.s32 @!p0 $0x1082;
	s9 =	sld [smem:$0x3F65]  }
0x2f: {  	lr =	sadd.s32 s0, s3;
	s0 =	sld [smem:$0x3F5C]  }
0x30: {  	s3 =	sld [smem:$0x3F5F]  }
0x31: {  	[smem:$0x3F68] =	sst s10  }
0x32: {  	s10 =	sld [smem:$0x3F66];
	_ =	sdelay $0x3  }
0x33: {  	p0 =	seq.s32 s10, $0x1;
	s10 =	sld [smem:$0x3F68];
	_ =	sdelay $0x3  }
0x34: {  	[smem:$0x3F68] =	sst s10  }
0x35: {  	s10 =	sld [smem:$0x3F67];
	_ =	sdelay $0x3  }
0x36: {  	p1 =	seq.s32 s10, $0x1;
	s10 =	sld [smem:$0x3F68];
	_ =	sdelay $0x3  }
0x37: {  	[smem:$0x3F68] =	sst s10  }
0x38: {  	s10 =	sld [smem:$0x3F69]  }
0x39: {  	_ = 	snop;
	(pc) =	sbr.ind lr, $3  }
0x3a: {  	_ = 	snop  }
0x3b: {  	_ = 	snop  }
0x3c: {  	p2 =	seq.s32 s10, $0x1;
	s10 =	sld [smem:$0x3F68]  }
0x3d: {  	_ =	shalt  }
0x3e: {  	_ =	shalt  }
0x3f: {  	_ =	shalt  }
0x40: {  	_ =	shalt  }
0x41: {  	_ =	shalt  }
0x42: {  	_ =	shalt  }
0x43: {  	_ =	shalt  }
0x44: {  	_ =	shalt  }
0x45: {  	_ =	shalt  }
0x46: {  	_ =	shalt  }
0x47: {  	_ =	shalt  }
0x48: {  	_ =	shalt  }
0x49: {  	_ =	shalt  }
0x4a: {  	_ =	shalt  }
0x4b: {  	_ =	shalt  }
0x4c: {  	_ =	shalt  }
0x4d: {  	_ =	shalt  }
0x4e: {  	_ =	shalt  }
0x4f: {  	_ =	shalt  }
0x50: {  	_ =	shalt  }
0x51: {  	_ =	shalt  }
0x52: {  	_ =	shalt  }
0x53: {  	_ =	shalt  }
0x54: {  	_ =	shalt  }
0x55: {  	_ =	shalt  }
0x56: {  	_ =	shalt  }
0x57: {  	_ =	shalt  }
0x58: {  	_ =	shalt  }
0x59: {  	_ =	shalt  }
0x5a: {  	_ =	shalt  }
0x5b: {  	_ =	shalt  }
0x5c: {  	_ =	shalt  }
0x5d: {  	_ =	shalt  }
0x5e: {  	_ =	shalt  }
0x5f: {  	_ =	shalt  }
0x60: {  	_ =	shalt  }
0x61: {  	_ =	shalt  }
0x62: {  	_ =	shalt  }
0x63: {  	_ =	shalt  }
0x64: {  	_ =	shalt  }
0x65: {  	_ =	shalt  }
0x66: {  	_ =	shalt  }
0x67: {  	_ =	shalt  }
0x68: {  	_ =	shalt  }
0x69: {  	_ =	shalt  }
0x6a: {  	_ =	shalt  }
0x6b: {  	_ =	shalt  }
0x6c: {  	_ =	shalt  }
0x6d: {  	_ =	shalt  }
0x6e: {  	_ =	shalt  }
0x6f: {  	_ =	shalt  }
0x70: {  	_ =	shalt  }
0x71: {  	_ =	shalt  }
0x72: {  	_ =	shalt  }
0x73: {  	_ =	shalt  }
0x74: {  	_ =	shalt  }
0x75: {  	_ =	shalt  }
0x76: {  	_ =	shalt  }
0x77: {  	_ =	shalt  }
0x78: {  	_ =	shalt  }
0x79: {  	_ =	shalt  }
0x7a: {  	_ =	shalt  }
0x7b: {  	_ =	shalt  }
0x7c: {  	_ =	shalt  }
0x7d: {  	_ =	shalt  }
0x7e: {  	_ =	shalt  }
0x7f: {  	_ =	shalt  }
0x80: {  	_ =	shalt  }
0x81: {  	_ =	shalt  }
0x82: {  	_ =	shalt  }
0x83: {  	_ =	shalt  }
0x84: {  	_ =	shalt  }
0x85: {  	_ =	shalt  }
0x86: {  	_ =	shalt  }
0x87: {  	_ =	shalt  }
.Lfunc_end0:
.L_simem_size_0:
called_computation_lowered:
.L_overlay_start_0:
0x88: {  	s2 =	sld [smem:$0x3FD9]  }
0x89: {  	s3 =	sld [smem:$0x3FFE];
	_ =	sdelay $0x1  }
0x8a: {  	s1 =	srdreg.scid  }
0x8b: {  	s0 =	sand.u32 $0x1, s1  }
0x8c: {  	s17 =	sshll.u32 s0, $0xA;
	s2 =	sadd.s32 s3, s2  }
0x8d: {  	s2 =	sadd.s32 s2, s17  }
0x8e: {  	[smem:$0x3F74] =	sst s2  }
0x8f: {  	_ = 	snop  }
0x90: {  	s2 =	sld [smem:$0x3FC9];
	(tm) =	ssettm $0x1  }
0x91: {  	s18 =	sld [smem:$0x3FFB];
	_ =	sdelay $0x3  }
0x92: {  	_ =	strace s18  }
0x93: {  	s3 =	sld [smem:$0x3FFC];
	_ =	sdelay $0x3  }
0x94: {  	_ =	strace s3  }
0x95: {  	s3 =	sld [smem:$0x3FFD];
	_ =	sdelay $0x3  }
0x96: {  	_ =	strace s3  }
0x97: {  	_ =	strace $0x8FFFFFFF  }
0x98: {  	s19 =	sld [smem:$0x3FDB];
	_ =	sdelay $0x1  }
0x99: {  	s4 =	simm.s32 $_scs_section_size  }
0x9a: {  	s5 =	simm.s32 $_size__tile_overlayer_lowered;
	s6 =	simm.s32 $_tile_overlayer_lowered  }
0x9b: {  	s22 =	simm.s32 $0x1BFF;
	s21 =	sshll.u32 s6, $0x1;
	s3 =	sadd.s32 s4, s19  }
0x9c: {  	s7 =	simm.s32 $0x0;
	s20 =	sshll.u32 s5, $0x1;
	s5 =	sadd.s32 s21, s3  }
0x9d: {  	[timem:s7], [sflag:s22] =	dma.local [hbm:s5], s20  }
0x9e: {  	_ =	swait.ge [sflag:s22], s20  }
0x9f: {  	s4 =	ssub.s32 $0x0, s20;
	[sflag:s22] =	ssyncset.done $0x0  }
0xa0: {  	[sflag:s22] =	ssyncadd.s32 s4;
	_ =	sdelay $0x1  }
0xa1: {  	s23 =	simm.s32 $0x1B8B  }
0xa2: {  	_ =	swait.ge [sflag:s23], $0x1  }
0xa3: {  	[sflag:s23] =	ssyncset.done $0x0  }
0xa4: {  	s25 =	simm.s32 $0x1B8E;
	s24 =	sld [smem:$0x3FFE];
	[sflag:s23] =	ssyncadd.s32 $0xFFFFFFFF  }
0xa5: {  	s26 =	simm.s32 $execute0_lowered;
	[smem:$0x3FD2] =	sst s25  }
0xa6: {  	s5 =	sshll.u32 s26, $0x1;
	_ =	strace $0x80000046;
	[dreg:$0x1] =	wrdreg $0xFFFFFFFF  }
0xa7: {  	s28 =	simm.s32 $_size_execute0_lowered;
	s3 =	sadd.s32 s3, s5;
	[dreg:$0x0] =	wrdreg $0x0  }
0xa8: {  	s5 =	sshll.u32 s28, $0x1;
	[dreg:$0x2] =	wrdreg s3  }
0xa9: {  	[dreg:$0x3] =	wrdreg s5  }
0xaa: {  	[dreg:$0x4] =	wrdreg $0xC0  }
0xab: {  	_ =	task [dreg:s7], $0x5FFFF  }
0xac: {  	[dreg:$0x1] =	wrdreg $0xFFFFFFFF  }
0xad: {  	[dreg:$0x0] =	wrdreg $0x60  }
0xae: {  	[dreg:$0x2] =	wrdreg s2  }
0xaf: {  	[dreg:$0x3] =	wrdreg s24  }
0xb0: {  	[dreg:$0x4] =	wrdreg $0x9  }
0xb1: {  	_ =	task.clear_ibuf [dreg:s7], $0x5FFFF;
	_ =	strace $0x90000046  }
0xb2: {  	s29 =	simm.s32 $0x9;
	_ =	strace $0x80000048  }
0xb3: {  	_ =	swait.ge [sflag:s29], $0x1  }
0xb4: {  	[sflag:s29] =	ssyncadd.s32 $0xFFFFFFFF  }
0xb5: {  	_ =	strace $0x90000048  }
0xb6: {  	_ =	sfence  }
0xb7: {  	s30 =	sld [smem:$0x0];
	_ =	sdelay $0x2  }
0xb8: {  	s31 =	sshll.u32 s1, $0xD;
	s1 =	sshrl.u32 s1, $0x2  }
0xb9: {  	s3 =	sand.u32 $0x4000, s31;
	s1 =	sadd.s32 s1, s30  }
0xba: {  	s0 =	sor.u32 s3, s0;
	s1 =	sshll.u32 s1, $0x11  }
0xbb: {  	s0 =	sor.u32 s1, s0  }
0xbc: {  	s0 =	sadd.s32 $0x8F2B, s0  }
0xbd: {  	[sflag:s0] =	ssyncadd.remote.s32 $0x1  }
0xbe: {  	_ =	sfence.sel $0xFFFF  }
0xbf: {  	[dreg:$0x0] =	wrdreg $0xFFFFFFFF;
	(pc) =	sbr.abs _section_cstart, $3  }
0xc0: {  	[dreg:$0x1] =	wrdreg $0xFFFFFFFF  }
0xc1: {  	_ =	task.clear_ibuf [dreg:s7], $0x2FFFF;
	_ =	strace $0x9FFFFFFF  }
0xc2: {  	(tm) =	ssettm $0x7FFFFFFF  }
0xc3: {  	_ =	shalt  }
tec
execute0_lowered:
.L_overlay_start_1:
0x0: {  	(tag) =	ssettag $0x1  }
0x1: {  	s2 =	rddreg [dreg:$0x0];
	s0 =	stileid.u32  }
0x2: {  	s1 =	srdreg.scid;
	s22 =	smul.u32 $0x280000, s0  }
0x3: {  	s4 =	rddreg [dreg:$0x1];
	s3 =	simm.s32 $0x0;
	s16 =	smul.u32 $0x5000, s0  }
0x4: {  	s12 =	sand.u32 $0x1, s1;
	s1 =	rddreg [dreg:$0x2];
	s28 =	smul.u32 $0x50000, s0  }
0x5: {  	s5 =	sshll.u32 s0, $0x1;
	[smem:$0x7FF] =	sst s3;
	s24 =	smul.u32 $0x140000, s12  }
0x6: {  	s14 =	sadd.s32 $0x16C00, s4;
	s6 =	sor.u32 s12, s5;
	s30 =	smul.u32 $0x28000, s12  }
0x7: {  	s13 =	sadd.s32 $0x20C00, s4;
	s18 =	ssub.s32 $0x2, s12;
	s7 =	smul.u32 $0x2800, s6  }
0x8: {  	_ =	strace $0x80000047;
	s9 =	sshrl.u32 s18, $0x1;
	s20 =	smul.u32 $0x140000, s6  }
0x9: {  	s19 =	ssub.s32 s18, s9;
	s17 =	sadd.s32 s24, s22;
	s18 =	smul.u32 $0x2800, s12  }
0xa: {  	s22 =	simm.s32 $0x4;
	s24 =	simm.s32 $0x0;
	s8 =	sshrl.u32 s7, $0x3  }
0xb: {  	s10 =	sor.u32 $0x100, s7;
	s11 =	sshll.u32 s7, $0x4;
	s15 =	sor.u32 $0x180, s7  }
0xc: {  	s6 =	smax.u32 s19, $0x1;
	s21 =	sshrl.u32 s20, $0x3;
	s25 =	sor.u32 $0x8000, s17  }
0xd: {  	s17 =	simm.s32 $0x1;
	s19 =	simm.s32 $0x3;
	s20 =	simm.s32 $0x2  }
0xe: {  	s4 =	sadd.s32 s14, s8;
	s7 =	sadd.s32 s13, s21;
	s23 =	sshrl.u32 s10, $0x3  }
0xf: {  	s11 =	sadd.s32 s11, s13;
	s15 =	sshrl.u32 s15, $0x3;
	s26 =	sadd.s32 s18, s16  }
0x10: {  	s16 =	simm.s32 $0x8080;
	s18 =	simm.s32 $0x80;
	s21 =	simm.s32 $0x4000  }
0x11: {  	s5 =	sadd.s32 $0x10, s4;
	s8 =	sadd.s32 s14, s23;
	s9 =	sadd.s32 $0x800, s11  }
.Ltmp0:
0x12: {  	s10 =	sadd.s32 s14, s15;
	s11 =	sshrl.u32 s25, $0x3;
	(pc) =	sbr.rel .LBB2_1-.Ltmp0, $4  }
0x13: {  	s29 =	sor.u32 $0x280, s26;
	s15 =	sor.u32 $0x200, s26;
	s23 =	simm.s32 $0x5  }
0x14: {  	s11 =	sadd.s32 s11, s13;
	s31 =	sshrl.u32 s29, $0x3;
	s13 =	sadd.s32 s28, s13  }
0x15: {  	s15 =	sshrl.u32 s15, $0x3;
	s12 =	sadd.s32 s31, s14;
	s13 =	sadd.s32 s30, s13  }
0x16: {  	s14 =	sadd.s32 s15, s14;
	s15 =	simm.s32 $0x8000;
	s13 =	sadd.s32 $0x1800, s13  }
.LBB2_4:
0x17: {  	s24 =	sadd.s32 $0x1, s24  }
0x18: {  	_ =	swait.ge [sflag:s22], $0x4000;
	p0 =	sne.s32 s24, s6  }
.Ltmp1:
0x19: {  	[sflag:s22] =	ssyncset.done $0x0;
	(pc) =	sbr.rel @!p0 .LBB2_5-.Ltmp1, $4  }
0x1a: {  	[sflag:s22] =	ssyncadd.s32 $0xFFFFC000  }
0x1b: {  	_ =	swait.ge [sflag:s23], $0x4000  }
0x1c: {  	[sflag:s23] =	ssyncset.done $0x0  }
0x1d: {  	[sflag:s23] =	ssyncadd.s32 $0xFFFFC000  }
.LBB2_1:
0x1e: {  	[tilespmem:s15], [sflag:$0x1] =	stream.linear.gather [hbm4b:s4+s3], $0x80, $0x38;
	[tilespmem:$0x8100] =	vst v63  }
0x1f: {  	_ = 	snop  }
0x20: {  	[tilespmem:s16], [sflag:$0x2] =	stream.linear.gather [hbm4b:s5+s3], $0x80, $0x38;
	[tilespmem:$0x8100] =	vst v63  }
0x21: {  	_ =	swait.ge [sflag:s17], $0x80  }
0x22: {  	[sflag:s17] =	ssyncset.done $0x0  }
0x23: {  	[sflag:s17] =	ssyncadd.s32 $0xFFFFFF80  }
0x24: {  	[tilespmem:s3], [sflag:$0x3] =	stream.indirect.gather [hbm4b:s2+s18], $0x80, s15, s18, $0xb8;
	[tilespmem:$0x8100] =	vst v63  }
0x25: {  	_ =	swait.ge [sflag:s19], $0x4000  }
0x26: {  	[sflag:s19] =	ssyncset.done $0x0  }
0x27: {  	[sflag:s19] =	ssyncadd.s32 $0xFFFFC000  }
0x28: {  	[hbm4b:s7+s3] =	stream.linear.scatter [tilespmem:s3], [sflag:$0x4], $0x4000, $0x38;
	[tilespmem:$0x8100] =	vst v63  }
0x29: {  	_ = 	snop  }
0x2a: {  	[tilespmem:s15], [sflag:$0x1] =	stream.linear.gather [hbm4b:s8+s3], $0x80, $0x38;
	[tilespmem:$0x8100] =	vst v63  }
0x2b: {  	_ =	swait.ge [sflag:s20], $0x80  }
0x2c: {  	[sflag:s20] =	ssyncset.done $0x0  }
0x2d: {  	[sflag:s20] =	ssyncadd.s32 $0xFFFFFF80  }
0x2e: {  	[tilespmem:s21], [sflag:$0x3] =	stream.indirect.gather [hbm4b:s2+s18], $0x80, s16, s18, $0xb8;
	[tilespmem:$0x8100] =	vst v63  }
0x2f: {  	_ =	swait.ge [sflag:s19], $0x4000  }
0x30: {  	[sflag:s19] =	ssyncset.done $0x0  }
0x31: {  	[sflag:s19] =	ssyncadd.s32 $0xFFFFC000  }
0x32: {  	[hbm4b:s9+s3] =	stream.linear.scatter [tilespmem:s21], [sflag:$0x5], $0x4000, $0x38;
	[tilespmem:$0x8100] =	vst v63  }
0x33: {  	s25 =	smov.u32 s13;
	s26 =	simm.s32 $0x0;
	s28 =	smov.u32 s11  }
0x34: {  	[tilespmem:s16], [sflag:$0x2] =	stream.linear.gather [hbm4b:s10+s3], $0x80, $0x38;
	[tilespmem:$0x8100] =	vst v63  }
.LBB2_2:
0x35: {  	_ =	swait.ge [sflag:s17], $0x80  }
0x36: {  	[sflag:s17] =	ssyncset.done $0x0  }
0x37: {  	[sflag:s17] =	ssyncadd.s32 $0xFFFFFF80  }
0x38: {  	_ =	swait.ge [sflag:s22], $0x4000  }
0x39: {  	[sflag:s22] =	ssyncset.done $0x0  }
0x3a: {  	[sflag:s22] =	ssyncadd.s32 $0xFFFFC000  }
0x3b: {  	[tilespmem:s3], [sflag:$0x3] =	stream.indirect.gather [hbm4b:s2+s18], $0x80, s15, s18, $0xb8;
	[tilespmem:$0x8100] =	vst v63  }
0x3c: {  	_ =	swait.ge [sflag:s19], $0x4000  }
0x3d: {  	[sflag:s19] =	ssyncset.done $0x0  }
0x3e: {  	p0 =	seq.s32 s26, $0x4C0;
	[sflag:s19] =	ssyncadd.s32 $0xFFFFC000  }
0x3f: {  	[hbm4b:s28+s3] =	stream.linear.scatter [tilespmem:s3], [sflag:$0x4], $0x4000, $0x38;
	[tilespmem:$0x8100] =	vst v63  }
0x40: {  	s29 =	sadd.s32 @!p0 s26, s14;
	s30 =	simm.s32 @!p0 $0x0;
	s31 =	simm.s32 @!p0 $0x8000  }
0x41: {  	[tilespmem:s31], [sflag:$0x1] =	stream.linear.gather @!p0 [hbm4b:s29+s30], $0x80, $0x38;
	[tilespmem:$0x8100] =	vst v63  }
0x42: {  	_ =	swait.ge [sflag:s20], $0x80  }
0x43: {  	[sflag:s20] =	ssyncset.done $0x0  }
0x44: {  	[sflag:s20] =	ssyncadd.s32 $0xFFFFFF80  }
0x45: {  	_ =	swait.ge [sflag:s23], $0x4000  }
0x46: {  	[sflag:s23] =	ssyncset.done $0x0  }
0x47: {  	[sflag:s23] =	ssyncadd.s32 $0xFFFFC000  }
0x48: {  	[tilespmem:s21], [sflag:$0x3] =	stream.indirect.gather [hbm4b:s2+s18], $0x80, s16, s18, $0xb8;
	[tilespmem:$0x8100] =	vst v63  }
.Ltmp2:
0x49: {  	_ = 	snop;
	(pc) =	sbr.rel @p0 .LBB2_4-.Ltmp2, $4  }
0x4a: {  	_ =	swait.ge [sflag:s19], $0x4000  }
0x4b: {  	[sflag:s19] =	ssyncset.done $0x0  }
0x4c: {  	[sflag:s19] =	ssyncadd.s32 $0xFFFFC000  }
0x4d: {  	[hbm4b:s25+s3] =	stream.linear.scatter [tilespmem:s21], [sflag:$0x5], $0x4000, $0x38;
	[tilespmem:$0x8100] =	vst v63  }
.Ltmp3:
0x4e: {  	(pc) =	sbr.rel .LBB2_2-.Ltmp3, $4  }
0x4f: {  	_ = 	snop  }
0x50: {  	s29 =	sadd.s32 s26, s12  }
0x51: {  	s28 =	sadd.s32 $0x1000, s28;
	s26 =	sadd.s32 $0x20, s26;
	s25 =	sadd.s32 $0x1000, s25  }
0x52: {  	[tilespmem:s16], [sflag:$0x2] =	stream.linear.gather [hbm4b:s29+s3], $0x80, $0x38;
	[tilespmem:$0x8100] =	vst v63  }
.LBB2_5:
0x53: {  	_ =	sfence.sel $0x180000  }
0x54: {  	[bflag:$0x0] =	sbarrier.arrive $0xFFFF  }
0x55: {  	p0 =	sne.s32 s0, $0x0;
	_ =	strace $0x90000047  }
0x56: {  	s0 =	sadd.s32 @!p0 $0x100000, s1;
	[bflag:$0x2] =	sbarrier.arrive $0xFFFF  }
0x57: {  	[sflag:s0] =	ssyncadd.tile.s32 @!p0 $0x1;
	_ =	shalt  }
.Lfunc_end2:
_tile_overlayer_lowered:
.L_overlay_start_2:
0x58: {  	(tag) =	ssettag $0x2  }
0x59: {  	s0 =	rddreg [dreg:$0x0];
	s2 =	stileid.u32  }
0x5a: {  	s1 =	rddreg [dreg:$0x1];
	p0 =	sne.s32 s2, $0x0  }
0x5b: {  	s3 =	rddreg [dreg:$0x2];
	[bflag:$0x3] =	sbarrier.arrive $0xFFFF;
	s2 =	simm.s32 @!p0 $0x1C06  }
0x5c: {  	[timem:s3], [sflag:s2] =	dma.local @!p0 [hbm:s0], s1  }
0x5d: {  	s0 =	simm.s32 @!p0 $0x6  }
0x5e: {  	_ =	swait.ge @!p0 [sflag:s0], s1  }
0x5f: {  	s1 =	ssub.s32 @!p0 $0x0, s1;
	[sflag:s0] =	ssyncset.done @!p0 $0x0  }
0x60: {  	[sflag:s0] =	ssyncadd.s32 @!p0 s1  }
0x61: {  	[bflag:$0x3] =	sbarrier.arrive $0xFFFF  }
0x62: {  	_ =	shalt  }

// kernel: kernel.18.cloned.1.call-start
scs
__scs_entry_jumppad:
0x0: {  	(pc) =	sbr.rel $0x88, $3  }
0x1: {  	(tag) =	ssettag $0x0;
	lr =	simm.s32 $0x1  }
0x2: {  	[smem:$0x3F4D] =	sst lr;
	_ =	strace $0xD0000000  }
0x3: {  	_ = 	snop  }
0x4: {  	_ = 	snop  }
0x5: {  	_ = 	snop  }
0x6: {  	_ = 	snop  }
0x7: {  	_ = 	snop  }
__scs_overlays_trampoline_lowered:
0x8: {  	[smem:$0x3F5C] =	sst s0  }
0x9: {  	[smem:$0x3F5D] =	sst s1  }
0xa: {  	[smem:$0x3F5E] =	sst s2  }
0xb: {  	[smem:$0x3F5F] =	sst s3  }
0xc: {  	[smem:$0x3F60] =	sst s4  }
0xd: {  	[smem:$0x3F61] =	sst s5  }
0xe: {  	[smem:$0x3F62] =	sst s6  }
0xf: {  	[smem:$0x3F63] =	sst s7  }
0x10: {  	[smem:$0x3F64] =	sst s8  }
0x11: {  	[smem:$0x3F65] =	sst s9;
	s0 =	simm.s32 @!p0 $0x0  }
0x12: {  	s1 =	sld [smem:$0x3F4B];
	s0 =	simm.s32 @p0 $0x1  }
0x13: {  	[smem:$0x3F66] =	sst s0;
	s0 =	simm.s32 @!p1 $0x0  }
0x14: {  	s2 =	sld [smem:$0x3F4A];
	s0 =	simm.s32 @p1 $0x1  }
0x15: {  	[smem:$0x3F67] =	sst s0;
	s0 =	simm.s32 @!p2 $0x0  }
0x16: {  	s3 =	sld [smem:$0x3FDB];
	s0 =	simm.s32 @p2 $0x1  }
0x17: {  	s4 =	simm.s32 $0x1BF5;
	[smem:$0x3F69] =	sst s0  }
0x18: {  	s0 =	sld [smem:$0x3F4C];
	_ =	swait.ge [sflag:s4], $0x0  }
0x19: {  	s7 =	sld [smem:$0x3F4D]  }
0x1a: {  	s8 =	sadd.s32 $0xFFFFE003, lr  }
0x1b: {  	s9 =	sadd.s32 $0xFFFFFEF7, lr;
	s5 =	simm.s32 $0xFFFFFFFF;
	p2 =	slt.u32 s8, $0xFFFFF086  }
0x1c: {  	p1 =	slt.u32 s9, $0xF7A;
	s5 =	simm.s32 @!p2 $0x0  }
0x1d: {  	s5 =	simm.s32 @p1 $0x1;
	p0 =	seq.s32 s7, s2  }
0x1e: {  	s7 =	smul.u32 @!p0 $0xF7A, s2;
	p2 =	seq.s32 @!p0 s5, $0x0  }
0x1f: {  	s9 =	smul.u32 $0xF7A, s1;
	s8 =	simm.s32 @!p0 $0x1BF5;
	p2 =	por !p2, p0  }
0x20: {  	[sflag:s8] =	ssyncset.s32 @!p0 $0xFFFFF086;
	s6 =	sadd.s32 @!p0 s3, s7;
	s7 =	simm.s32 @!p0 $0x108  }
0x21: {  	s3 =	sadd.s32 s3, s9;
	s6 =	sadd.s32 @!p0 $0x88, s6;
	s7 =	simm.s32 @p2 $0x1082  }
0x22: {  	[simem:s7], [sflag:s8] =	dma.local @!p0 [hbm:s6], $0xF7A  }
0x23: {  	s9 =	sor.u32 $0xD0000000, s2;
	s6 =	simm.s32 $0x108;
	_ =	swait.ge @!p0 [sflag:s8], $0x0  }
0x24: {  	s3 =	sadd.s32 $0x88, s3;
	s6 =	simm.s32 @!p1 $0x1082;
	[sflag:s4] =	ssyncset.s32 $0xFFFFF086  }
0x25: {  	[simem:s6], [sflag:s4] =	dma.local [hbm:s3], $0xF7A  }
0x26: {  	[smem:$0x3F4D] =	sst s1;
	(tag) =	ssettag s2;
	_ =	strace s9  }
0x27: {  	s1 =	sld [smem:$0x3F5D]  }
0x28: {  	s2 =	sld [smem:$0x3F5E]  }
0x29: {  	s4 =	sld [smem:$0x3F60]  }
0x2a: {  	p0 =	seq.s32 s5, $0x0;
	s5 =	sld [smem:$0x3F61]  }
0x2b: {  	s6 =	sld [smem:$0x3F62]  }
0x2c: {  	s7 =	sld [smem:$0x3F63]  }
0x2d: {  	s3 =	simm.s32 $0x108;
	s8 =	sld [smem:$0x3F64]  }
0x2e: {  	s3 =	simm.s32 @!p0 $0x1082;
	s9 =	sld [smem:$0x3F65]  }
0x2f: {  	lr =	sadd.s32 s0, s3;
	s0 =	sld [smem:$0x3F5C]  }
0x30: {  	s3 =	sld [smem:$0x3F5F]  }
0x31: {  	[smem:$0x3F68] =	sst s10  }
0x32: {  	s10 =	sld [smem:$0x3F66];
	_ =	sdelay $0x3  }
0x33: {  	p0 =	seq.s32 s10, $0x1;
	s10 =	sld [smem:$0x3F68];
	_ =	sdelay $0x3  }
0x34: {  	[smem:$0x3F68] =	sst s10  }
0x35: {  	s10 =	sld [smem:$0x3F67];
	_ =	sdelay $0x3  }
0x36: {  	p1 =	seq.s32 s10, $0x1;
	s10 =	sld [smem:$0x3F68];
	_ =	sdelay $0x3  }
0x37: {  	[smem:$0x3F68] =	sst s10  }
0x38: {  	s10 =	sld [smem:$0x3F69]  }
0x39: {  	_ = 	snop;
	(pc) =	sbr.ind lr, $3  }
0x3a: {  	_ = 	snop  }
0x3b: {  	_ = 	snop  }
0x3c: {  	p2 =	seq.s32 s10, $0x1;
	s10 =	sld [smem:$0x3F68]  }
0x3d: {  	_ =	shalt  }
0x3e: {  	_ =	shalt  }
0x3f: {  	_ =	shalt  }
0x40: {  	_ =	shalt  }
0x41: {  	_ =	shalt  }
0x42: {  	_ =	shalt  }
0x43: {  	_ =	shalt  }
0x44: {  	_ =	shalt  }
0x45: {  	_ =	shalt  }
0x46: {  	_ =	shalt  }
0x47: {  	_ =	shalt  }
0x48: {  	_ =	shalt  }
0x49: {  	_ =	shalt  }
0x4a: {  	_ =	shalt  }
0x4b: {  	_ =	shalt  }
0x4c: {  	_ =	shalt  }
0x4d: {  	_ =	shalt  }
0x4e: {  	_ =	shalt  }
0x4f: {  	_ =	shalt  }
0x50: {  	_ =	shalt  }
0x51: {  	_ =	shalt  }
0x52: {  	_ =	shalt  }
0x53: {  	_ =	shalt  }
0x54: {  	_ =	shalt  }
0x55: {  	_ =	shalt  }
0x56: {  	_ =	shalt  }
0x57: {  	_ =	shalt  }
0x58: {  	_ =	shalt  }
0x59: {  	_ =	shalt  }
0x5a: {  	_ =	shalt  }
0x5b: {  	_ =	shalt  }
0x5c: {  	_ =	shalt  }
0x5d: {  	_ =	shalt  }
0x5e: {  	_ =	shalt  }
0x5f: {  	_ =	shalt  }
0x60: {  	_ =	shalt  }
0x61: {  	_ =	shalt  }
0x62: {  	_ =	shalt  }
0x63: {  	_ =	shalt  }
0x64: {  	_ =	shalt  }
0x65: {  	_ =	shalt  }
0x66: {  	_ =	shalt  }
0x67: {  	_ =	shalt  }
0x68: {  	_ =	shalt  }
0x69: {  	_ =	shalt  }
0x6a: {  	_ =	shalt  }
0x6b: {  	_ =	shalt  }
0x6c: {  	_ =	shalt  }
0x6d: {  	_ =	shalt  }
0x6e: {  	_ =	shalt  }
0x6f: {  	_ =	shalt  }
0x70: {  	_ =	shalt  }
0x71: {  	_ =	shalt  }
0x72: {  	_ =	shalt  }
0x73: {  	_ =	shalt  }
0x74: {  	_ =	shalt  }
0x75: {  	_ =	shalt  }
0x76: {  	_ =	shalt  }
0x77: {  	_ =	shalt  }
0x78: {  	_ =	shalt  }
0x79: {  	_ =	shalt  }
0x7a: {  	_ =	shalt  }
0x7b: {  	_ =	shalt  }
0x7c: {  	_ =	shalt  }
0x7d: {  	_ =	shalt  }
0x7e: {  	_ =	shalt  }
0x7f: {  	_ =	shalt  }
0x80: {  	_ =	shalt  }
0x81: {  	_ =	shalt  }
0x82: {  	_ =	shalt  }
0x83: {  	_ =	shalt  }
0x84: {  	_ =	shalt  }
0x85: {  	_ =	shalt  }
0x86: {  	_ =	shalt  }
0x87: {  	_ =	shalt  }
.Lfunc_end0:
.L_simem_size_0:
called_computation.1_lowered:
.L_overlay_start_0:
0x88: {  	s2 =	sld [smem:$0x3FD9]  }
0x89: {  	s3 =	sld [smem:$0x3FFE];
	_ =	sdelay $0x1  }
0x8a: {  	s1 =	srdreg.scid  }
0x8b: {  	s0 =	sand.u32 $0x1, s1  }
0x8c: {  	s16 =	sshll.u32 s0, $0xA;
	s2 =	sadd.s32 s3, s2  }
0x8d: {  	s2 =	sadd.s32 s2, s16  }
0x8e: {  	[smem:$0x3F74] =	sst s2  }
0x8f: {  	_ = 	snop  }
0x90: {  	(tm) =	ssettm $0x1  }
0x91: {  	s17 =	sld [smem:$0x3FFB];
	_ =	sdelay $0x3  }
0x92: {  	_ =	strace s17  }
0x93: {  	s2 =	sld [smem:$0x3FFC];
	_ =	sdelay $0x3  }
0x94: {  	_ =	strace s2  }
0x95: {  	s2 =	sld [smem:$0x3FFD];
	_ =	sdelay $0x3  }
0x96: {  	_ =	strace s2  }
0x97: {  	_ =	strace $0x8FFFFFFF  }
0x98: {  	s18 =	sld [smem:$0x3FDB];
	_ =	sdelay $0x1  }
0x99: {  	s19 =	simm.s32 $_scs_section_size  }
0x9a: {  	s4 =	simm.s32 $_size__tile_overlayer_lowered;
	s5 =	simm.s32 $_tile_overlayer_lowered  }
0x9b: {  	s22 =	simm.s32 $0x1BFF;
	s21 =	sshll.u32 s5, $0x1;
	s2 =	sadd.s32 s19, s18  }
0x9c: {  	s6 =	simm.s32 $0x0;
	s20 =	sshll.u32 s4, $0x1;
	s4 =	sadd.s32 s21, s2  }
0x9d: {  	[timem:s6], [sflag:s22] =	dma.local [hbm:s4], s20  }
0x9e: {  	_ =	swait.ge [sflag:s22], s20  }
0x9f: {  	s3 =	ssub.s32 $0x0, s20;
	[sflag:s22] =	ssyncset.done $0x0  }
0xa0: {  	[sflag:s22] =	ssyncadd.s32 s3;
	_ =	sdelay $0x1  }
0xa1: {  	s23 =	simm.s32 $0x1B8B  }
0xa2: {  	_ =	swait.ge [sflag:s23], $0x1  }
0xa3: {  	[sflag:s23] =	ssyncset.done $0x0  }
0xa4: {  	s25 =	simm.s32 $0x1B8E;
	s24 =	sld [smem:$0x3FFE];
	[sflag:s23] =	ssyncadd.s32 $0xFFFFFFFF  }
0xa5: {  	s26 =	simm.s32 $execute0_lowered;
	[smem:$0x3FD2] =	sst s25  }
0xa6: {  	s4 =	sshll.u32 s26, $0x1;
	_ =	strace $0x80000049;
	[dreg:$0x1] =	wrdreg $0xFFFFFFFF  }
0xa7: {  	s28 =	simm.s32 $_size_execute0_lowered;
	s2 =	sadd.s32 s2, s4;
	[dreg:$0x0] =	wrdreg $0x0  }
0xa8: {  	s4 =	sshll.u32 s28, $0x1;
	[dreg:$0x2] =	wrdreg s2  }
0xa9: {  	[dreg:$0x3] =	wrdreg s4  }
0xaa: {  	[dreg:$0x4] =	wrdreg $0xC0  }
0xab: {  	_ =	task [dreg:s6], $0x5FFFF  }
0xac: {  	[dreg:$0x1] =	wrdreg $0xFFFFFFFF  }
0xad: {  	[dreg:$0x0] =	wrdreg $0x60  }
0xae: {  	[dreg:$0x2] =	wrdreg s24  }
0xaf: {  	[dreg:$0x3] =	wrdreg $0x81000  }
0xb0: {  	[dreg:$0x4] =	wrdreg $0x9  }
0xb1: {  	_ =	task.clear_ibuf [dreg:s6], $0x5FFFF;
	_ =	strace $0x90000049  }
0xb2: {  	s29 =	simm.s32 $0x9;
	_ =	strace $0x8000004B  }
0xb3: {  	_ =	swait.ge [sflag:s29], $0x1  }
0xb4: {  	[sflag:s29] =	ssyncadd.s32 $0xFFFFFFFF  }
0xb5: {  	_ =	strace $0x9000004B  }
0xb6: {  	_ =	sfence  }
0xb7: {  	s30 =	sld [smem:$0x0];
	_ =	sdelay $0x2  }
0xb8: {  	s31 =	sshll.u32 s1, $0xD;
	s1 =	sshrl.u32 s1, $0x2  }
0xb9: {  	s3 =	sand.u32 $0x4000, s31;
	s1 =	sadd.s32 s1, s30  }
0xba: {  	s0 =	sor.u32 s3, s0;
	s1 =	sshll.u32 s1, $0x11  }
0xbb: {  	s0 =	sor.u32 s1, s0  }
0xbc: {  	s0 =	sadd.s32 $0x8F2B, s0  }
0xbd: {  	[sflag:s0] =	ssyncadd.remote.s32 $0x1  }
0xbe: {  	_ =	sfence.sel $0xFFFF  }
0xbf: {  	[dreg:$0x0] =	wrdreg $0xFFFFFFFF;
	(pc) =	sbr.abs _section_cstart, $3  }
0xc0: {  	[dreg:$0x1] =	wrdreg $0xFFFFFFFF  }
0xc1: {  	_ =	task.clear_ibuf [dreg:s6], $0x2FFFF;
	_ =	strace $0x9FFFFFFF  }
0xc2: {  	(tm) =	ssettm $0x7FFFFFFF  }
0xc3: {  	_ =	shalt  }
tec
execute0_lowered:
.L_overlay_start_1:
0x0: {  	(tag) =	ssettag $0x1  }
0x1: {  	s5 =	rddreg [dreg:$0x0]  }
0x2: {  	s2 =	rddreg [dreg:$0x1];
	s3 =	simm.s32 $0x0  }
0x3: {  	s4 =	srdreg.scid;
	s1 =	stileid.u32;
	s20 =	simm.s32 $0x8080  }
0x4: {  	s21 =	simm.s32 $0x1;
	s22 =	simm.s32 $0x3;
	s23 =	simm.s32 $0x80  }
0x5: {  	s24 =	simm.s32 $0x6;
	s28 =	simm.s32 $0x0;
	s6 =	smul.u32 $0x2780, s1  }
0x6: {  	[smem:$0x7FF] =	sst s3;
	s14 =	sadd.s32 $0x52AC00, s5;
	s9 =	smul.u32 $0x4F000, s1  }
0x7: {  	s13 =	sand.u32 $0x1, s4;
	s15 =	sadd.s32 $0x520C00, s5;
	s17 =	smul.u32 $0x5000, s1  }
0x8: {  	s4 =	sadd.s32 $0xCE00, s5;
	s25 =	sshll.u32 s1, $0x1;
	s19 =	smul.u32 $0x50000, s1  }
0x9: {  	_ =	strace $0x8000004A;
	s7 =	smul.u32 $0x27800, s13;
	s8 =	ssub.s32 $0x2, s13  }
0xa: {  	s18 =	smul.u32 $0x2800, s13;
	s26 =	sshrl.u32 s8, $0x1;
	s9 =	sshrl.u32 s9, $0x2  }
0xb: {  	s6 =	sadd.s32 s6, s7;
	s7 =	sor.u32 s13, s25;
	s12 =	ssub.s32 s8, s26  }
0xc: {  	s16 =	sadd.s32 s9, s2;
	s13 =	smul.u32 $0x28000, s13;
	s17 =	sadd.s32 s18, s17  }
0xd: {  	s25 =	simm.s32 $0x2;
	s26 =	simm.s32 $0x4;
	s10 =	smul.u32 $0x2800, s7  }
0xe: {  	s11 =	sadd.s32 s6, s5;
	s5 =	sshll.u32 s1, $0x6;
	s7 =	smul.u32 $0x28000, s7  }
0xf: {  	s12 =	smax.u32 s12, $0x1;
	s18 =	sor.u32 $0x180, s17;
	s17 =	sor.u32 $0x100, s17  }
0x10: {  	s16 =	sshrl.u32 s16, $0x3;
	s6 =	sor.u32 $0x1C05, s5;
	s11 =	sadd.s32 $0xA2AC00, s11  }
0x11: {  	s31 =	sshrl.u32 s18, $0x3;
	s17 =	sshrl.u32 s17, $0x3;
	s18 =	simm.s32 $0x8000  }
0x12: {  	s7 =	sadd.s32 s14, s7;
	s29 =	sshrl.u32 s10, $0x3;
	s10 =	sor.u32 $0x80, s10  }
0x13: {  	s8 =	sadd.s32 s15, s29;
	s30 =	sshll.u32 s10, $0x4;
	s10 =	sshrl.u32 s10, $0x3  }
0x14: {  	s9 =	sadd.s32 s14, s30;
	s10 =	sadd.s32 s15, s10;
	s14 =	sadd.s32 s19, s14  }
0x15: {  	s19 =	simm.s32 $0x4000;
	s13 =	sadd.s32 s13, s14;
	s14 =	sadd.s32 s31, s15  }
0x16: {  	s15 =	sadd.s32 s17, s15;
	s17 =	simm.s32 $0x5;
	s13 =	sadd.s32 $0x1800, s13  }
.LBB2_1:
0x17: {  	[spmem:s16], [sflag:s6] =	dma.local [hbm:s4], $0x2780  }
0x18: {  	_ =	swait.ge [sflag:s17], $0x2780  }
0x19: {  	[sflag:s17] =	ssyncset.done $0x0  }
0x1a: {  	[sflag:s17] =	ssyncadd.s32 $0xFFFFD880  }
0x1b: {  	[bflag:$0x0] =	sbarrier.arrive $0xFFFF  }
0x1c: {  	[tilespmem:s3], [sflag:$0x1] =	stream.linear.gather [hbm4b:s7+s3], $0x4000, $0x38;
	[tilespmem:$0x1BD00] =	vst v63  }
0x1d: {  	_ = 	snop  }
0x1e: {  	[tilespmem:s18], [sflag:$0x3] =	stream.linear.gather [hbm4b:s8+s3], $0x80, $0x38;
	[tilespmem:$0x1BD00] =	vst v63  }
0x1f: {  	_ = 	snop  }
0x20: {  	[tilespmem:s19], [sflag:$0x2] =	stream.linear.gather [hbm4b:s9+s3], $0x4000, $0x38;
	[tilespmem:$0x1BD00] =	vst v63  }
0x21: {  	_ = 	snop  }
0x22: {  	[tilespmem:s20], [sflag:$0x4] =	stream.linear.gather [hbm4b:s10+s3], $0x80, $0x38;
	[tilespmem:$0x1BD00] =	vst v63  }
0x23: {  	_ =	swait.ge [sflag:s21], $0x4000  }
0x24: {  	[sflag:s21] =	ssyncset.done $0x0  }
0x25: {  	[sflag:s21] =	ssyncadd.s32 $0xFFFFC000  }
0x26: {  	_ =	swait.ge [sflag:s22], $0x80  }
0x27: {  	[sflag:s22] =	ssyncset.done $0x0  }
0x28: {  	[sflag:s22] =	ssyncadd.s32 $0xFFFFFF80  }
0x29: {  	[spmem:s2] =	stream.indirect.scatter.add.f32 [tilespmem:s3], [sflag:$0x6], $0x80, s18, s23, $0xb8;
	[tilespmem:$0x1BD00] =	vst v63  }
0x2a: {  	_ =	swait.ge [sflag:s24], $0x4000  }
0x2b: {  	[sflag:s24] =	ssyncset.done $0x0  }
0x2c: {  	s29 =	sadd.s32 $0xFFFFF800, s13;
	[sflag:s24] =	ssyncadd.s32 $0xFFFFC000  }
0x2d: {  	[tilespmem:s3], [sflag:$0x1] =	stream.linear.gather [hbm4b:s29+s3], $0x4000, $0x38;
	[tilespmem:$0x1BD00] =	vst v63  }
0x2e: {  	s29 =	sadd.s32 $0x0, s15  }
0x2f: {  	[tilespmem:s18], [sflag:$0x3] =	stream.linear.gather [hbm4b:s29+s3], $0x80, $0x38;
	[tilespmem:$0x1BD00] =	vst v63  }
0x30: {  	_ =	swait.ge [sflag:s25], $0x4000  }
0x31: {  	[sflag:s25] =	ssyncset.done $0x0  }
0x32: {  	[sflag:s25] =	ssyncadd.s32 $0xFFFFC000  }
0x33: {  	_ =	swait.ge [sflag:s26], $0x80  }
0x34: {  	[sflag:s26] =	ssyncset.done $0x0  }
0x35: {  	[sflag:s26] =	ssyncadd.s32 $0xFFFFFF80  }
0x36: {  	[spmem:s2] =	stream.indirect.scatter.add.f32 [tilespmem:s19], [sflag:$0x6], $0x80, s20, s23, $0xb8;
	[tilespmem:$0x1BD00] =	vst v63  }
0x37: {  	_ =	swait.ge [sflag:s24], $0x4000  }
0x38: {  	s31 =	sadd.s32 $0x0, s14;
	[sflag:s24] =	ssyncset.done $0x0  }
0x39: {  	s30 =	sadd.s32 $0x1000, s13;
	s29 =	simm.s32 $0x20;
	[sflag:s24] =	ssyncadd.s32 $0xFFFFC000  }
0x3a: {  	[tilespmem:s19], [sflag:$0x2] =	stream.linear.gather [hbm4b:s13+s3], $0x4000, $0x38;
	[tilespmem:$0x1BD00] =	vst v63  }
.LBB2_2:
0x3b: {  	[tilespmem:s20], [sflag:$0x4] =	stream.linear.gather [hbm4b:s31+s3], $0x80, $0x38;
	[tilespmem:$0x1BD00] =	vst v63  }
0x3c: {  	s31 =	smov.u32 s29  }
0x3d: {  	p0 =	sne.s32 s29, $0x4C0;
	s29 =	sadd.s32 $0x20, s29;
	_ =	swait.ge [sflag:s21], $0x4000  }
0x3e: {  	[sflag:s21] =	ssyncset.done $0x0  }
0x3f: {  	[sflag:s21] =	ssyncadd.s32 $0xFFFFC000  }
0x40: {  	_ =	swait.ge [sflag:s22], $0x80  }
0x41: {  	[sflag:s22] =	ssyncset.done $0x0  }
0x42: {  	[sflag:s22] =	ssyncadd.s32 $0xFFFFFF80  }
0x43: {  	[spmem:s2] =	stream.indirect.scatter.add.f32 [tilespmem:s3], [sflag:$0x6], $0x80, s18, s23, $0xb8;
	[tilespmem:$0x1BD00] =	vst v63  }
0x44: {  	_ =	swait.ge [sflag:s24], $0x4000  }
0x45: {  	[sflag:s24] =	ssyncset.done $0x0  }
0x46: {  	s0 =	sadd.s32 $0xFFFFF800, s30;
	[sflag:s24] =	ssyncadd.s32 $0xFFFFC000  }
0x47: {  	[tilespmem:s3], [sflag:$0x1] =	stream.linear.gather [hbm4b:s0+s3], $0x4000, $0x38;
	[tilespmem:$0x1BD00] =	vst v63  }
0x48: {  	s0 =	sadd.s32 s31, s15  }
0x49: {  	[tilespmem:s18], [sflag:$0x3] =	stream.linear.gather [hbm4b:s0+s3], $0x80, $0x38;
	[tilespmem:$0x1BD00] =	vst v63  }
0x4a: {  	_ =	swait.ge [sflag:s25], $0x4000  }
0x4b: {  	[sflag:s25] =	ssyncset.done $0x0  }
0x4c: {  	[sflag:s25] =	ssyncadd.s32 $0xFFFFC000  }
0x4d: {  	_ =	swait.ge [sflag:s26], $0x80  }
0x4e: {  	[sflag:s26] =	ssyncset.done $0x0  }
0x4f: {  	[sflag:s26] =	ssyncadd.s32 $0xFFFFFF80  }
0x50: {  	[spmem:s2] =	stream.indirect.scatter.add.f32 [tilespmem:s19], [sflag:$0x6], $0x80, s20, s23, $0xb8;
	[tilespmem:$0x1BD00] =	vst v63  }
.Ltmp0:
0x51: {  	_ =	swait.ge [sflag:s24], $0x4000;
	(pc) =	sbr.rel @p0 .LBB2_2-.Ltmp0, $4  }
0x52: {  	[sflag:s24] =	ssyncset.done $0x0  }
0x53: {  	[sflag:s24] =	ssyncadd.s32 $0xFFFFC000  }
0x54: {  	[tilespmem:s19], [sflag:$0x2] =	stream.linear.gather [hbm4b:s30+s3], $0x4000, $0x38;
	[tilespmem:$0x1BD00] =	vst v63  }
0x55: {  	s31 =	sadd.s32 s31, s14;
	s30 =	sadd.s32 $0x1000, s30  }
0x56: {  	[tilespmem:s20], [sflag:$0x4] =	stream.linear.gather [hbm4b:s31+s3], $0x80, $0x38;
	[tilespmem:$0x1BD00] =	vst v63  }
0x57: {  	_ =	swait.ge [sflag:s21], $0x4000  }
0x58: {  	[sflag:s21] =	ssyncset.done $0x0  }
0x59: {  	[sflag:s21] =	ssyncadd.s32 $0xFFFFC000  }
0x5a: {  	_ =	swait.ge [sflag:s22], $0x80  }
0x5b: {  	[sflag:s22] =	ssyncset.done $0x0  }
0x5c: {  	[sflag:s22] =	ssyncadd.s32 $0xFFFFFF80  }
0x5d: {  	[spmem:s2] =	stream.indirect.scatter.add.f32 [tilespmem:s3], [sflag:$0x6], $0x80, s18, s23, $0xb8;
	[tilespmem:$0x1BD00] =	vst v63  }
0x5e: {  	_ =	swait.ge [sflag:s24], $0x4000  }
0x5f: {  	[sflag:s24] =	ssyncset.done $0x0  }
0x60: {  	[sflag:s24] =	ssyncadd.s32 $0xFFFFC000  }
0x61: {  	_ =	swait.ge [sflag:s25], $0x4000  }
0x62: {  	[sflag:s25] =	ssyncset.done $0x0  }
0x63: {  	[sflag:s25] =	ssyncadd.s32 $0xFFFFC000  }
0x64: {  	_ =	swait.ge [sflag:s26], $0x80  }
0x65: {  	[sflag:s26] =	ssyncset.done $0x0  }
0x66: {  	[sflag:s26] =	ssyncadd.s32 $0xFFFFFF80  }
0x67: {  	[spmem:s2] =	stream.indirect.scatter.add.f32 [tilespmem:s19], [sflag:$0x6], $0x80, s20, s23, $0xb8;
	[tilespmem:$0x1BD00] =	vst v63  }
0x68: {  	_ =	swait.ge [sflag:s24], $0x4000  }
0x69: {  	s28 =	sadd.s32 $0x1, s28;
	[sflag:s24] =	ssyncset.done $0x0  }
0x6a: {  	p0 =	sne.s32 s28, s12;
	[sflag:s24] =	ssyncadd.s32 $0xFFFFC000  }
.Ltmp1:
0x6b: {  	s0 =	sor.u32 $0x1C06, s5;
	[bflag:$0x0] =	sbarrier.arrive $0xFFFF;
	(pc) =	sbr.rel @p0 .LBB2_1-.Ltmp1, $4  }
0x6c: {  	[hbm:s11], [sflag:s0] =	dma.local [spmem:s16], $0x2780  }
0x6d: {  	_ =	swait.ge [sflag:s24], $0x2780  }
0x6e: {  	[sflag:s24] =	ssyncset.done $0x0  }
0x6f: {  	[sflag:s24] =	ssyncadd.s32 $0xFFFFD880  }
0x70: {  	_ =	sfence.sel $0x180000  }
0x71: {  	[bflag:$0x0] =	sbarrier.arrive $0xFFFF  }
0x72: {  	_ =	strace $0x9000004A  }
0x73: {  	[bflag:$0x2] =	sbarrier.arrive $0xFFFF  }
0x74: {  	p0 =	sne.s32 s1, $0x0;
	s0 =	rddreg [dreg:$0x2]  }
0x75: {  	s0 =	sadd.s32 @!p0 $0x100000, s0  }
0x76: {  	[sflag:s0] =	ssyncadd.tile.s32 @!p0 $0x1;
	_ =	shalt  }
.Lfunc_end2:
_tile_overlayer_lowered:
.L_overlay_start_2:
0x77: {  	(tag) =	ssettag $0x2  }
0x78: {  	s0 =	rddreg [dreg:$0x0];
	s2 =	stileid.u32  }
0x79: {  	s1 =	rddreg [dreg:$0x1];
	p0 =	sne.s32 s2, $0x0  }
0x7a: {  	s3 =	rddreg [dreg:$0x2];
	[bflag:$0x3] =	sbarrier.arrive $0xFFFF;
	s2 =	simm.s32 @!p0 $0x1C06  }
0x7b: {  	[timem:s3], [sflag:s2] =	dma.local @!p0 [hbm:s0], s1  }
0x7c: {  	s0 =	simm.s32 @!p0 $0x6  }
0x7d: {  	_ =	swait.ge @!p0 [sflag:s0], s1  }
0x7e: {  	s1 =	ssub.s32 @!p0 $0x0, s1;
	[sflag:s0] =	ssyncset.done @!p0 $0x0  }
0x7f: {  	[sflag:s0] =	ssyncadd.s32 @!p0 s1  }
0x80: {  	[bflag:$0x3] =	sbarrier.arrive $0xFFFF  }
0x81: {  	_ =	shalt  }

// kernel: kernel.21.cloned.1.call-start
scs
__scs_entry_jumppad:
0x0: {  	(pc) =	sbr.rel $0x88, $3  }
0x1: {  	(tag) =	ssettag $0x0;
	lr =	simm.s32 $0x1  }
0x2: {  	[smem:$0x3F4D] =	sst lr;
	_ =	strace $0xD0000000  }
0x3: {  	_ = 	snop  }
0x4: {  	_ = 	snop  }
0x5: {  	_ = 	snop  }
0x6: {  	_ = 	snop  }
0x7: {  	_ = 	snop  }
__scs_overlays_trampoline_lowered:
0x8: {  	[smem:$0x3F5C] =	sst s0  }
0x9: {  	[smem:$0x3F5D] =	sst s1  }
0xa: {  	[smem:$0x3F5E] =	sst s2  }
0xb: {  	[smem:$0x3F5F] =	sst s3  }
0xc: {  	[smem:$0x3F60] =	sst s4  }
0xd: {  	[smem:$0x3F61] =	sst s5  }
0xe: {  	[smem:$0x3F62] =	sst s6  }
0xf: {  	[smem:$0x3F63] =	sst s7  }
0x10: {  	[smem:$0x3F64] =	sst s8  }
0x11: {  	[smem:$0x3F65] =	sst s9;
	s0 =	simm.s32 @!p0 $0x0  }
0x12: {  	s1 =	sld [smem:$0x3F4B];
	s0 =	simm.s32 @p0 $0x1  }
0x13: {  	[smem:$0x3F66] =	sst s0;
	s0 =	simm.s32 @!p1 $0x0  }
0x14: {  	s2 =	sld [smem:$0x3F4A];
	s0 =	simm.s32 @p1 $0x1  }
0x15: {  	[smem:$0x3F67] =	sst s0;
	s0 =	simm.s32 @!p2 $0x0  }
0x16: {  	s3 =	sld [smem:$0x3FDB];
	s0 =	simm.s32 @p2 $0x1  }
0x17: {  	s4 =	simm.s32 $0x1BF5;
	[smem:$0x3F69] =	sst s0  }
0x18: {  	s0 =	sld [smem:$0x3F4C];
	_ =	swait.ge [sflag:s4], $0x0  }
0x19: {  	s7 =	sld [smem:$0x3F4D]  }
0x1a: {  	s8 =	sadd.s32 $0xFFFFE003, lr  }
0x1b: {  	s9 =	sadd.s32 $0xFFFFFEF7, lr;
	s5 =	simm.s32 $0xFFFFFFFF;
	p2 =	slt.u32 s8, $0xFFFFF086  }
0x1c: {  	p1 =	slt.u32 s9, $0xF7A;
	s5 =	simm.s32 @!p2 $0x0  }
0x1d: {  	s5 =	simm.s32 @p1 $0x1;
	p0 =	seq.s32 s7, s2  }
0x1e: {  	s7 =	smul.u32 @!p0 $0xF7A, s2;
	p2 =	seq.s32 @!p0 s5, $0x0  }
0x1f: {  	s9 =	smul.u32 $0xF7A, s1;
	s8 =	simm.s32 @!p0 $0x1BF5;
	p2 =	por !p2, p0  }
0x20: {  	[sflag:s8] =	ssyncset.s32 @!p0 $0xFFFFF086;
	s6 =	sadd.s32 @!p0 s3, s7;
	s7 =	simm.s32 @!p0 $0x108  }
0x21: {  	s3 =	sadd.s32 s3, s9;
	s6 =	sadd.s32 @!p0 $0x88, s6;
	s7 =	simm.s32 @p2 $0x1082  }
0x22: {  	[simem:s7], [sflag:s8] =	dma.local @!p0 [hbm:s6], $0xF7A  }
0x23: {  	s9 =	sor.u32 $0xD0000000, s2;
	s6 =	simm.s32 $0x108;
	_ =	swait.ge @!p0 [sflag:s8], $0x0  }
0x24: {  	s3 =	sadd.s32 $0x88, s3;
	s6 =	simm.s32 @!p1 $0x1082;
	[sflag:s4] =	ssyncset.s32 $0xFFFFF086  }
0x25: {  	[simem:s6], [sflag:s4] =	dma.local [hbm:s3], $0xF7A  }
0x26: {  	[smem:$0x3F4D] =	sst s1;
	(tag) =	ssettag s2;
	_ =	strace s9  }
0x27: {  	s1 =	sld [smem:$0x3F5D]  }
0x28: {  	s2 =	sld [smem:$0x3F5E]  }
0x29: {  	s4 =	sld [smem:$0x3F60]  }
0x2a: {  	p0 =	seq.s32 s5, $0x0;
	s5 =	sld [smem:$0x3F61]  }
0x2b: {  	s6 =	sld [smem:$0x3F62]  }
0x2c: {  	s7 =	sld [smem:$0x3F63]  }
0x2d: {  	s3 =	simm.s32 $0x108;
	s8 =	sld [smem:$0x3F64]  }
0x2e: {  	s3 =	simm.s32 @!p0 $0x1082;
	s9 =	sld [smem:$0x3F65]  }
0x2f: {  	lr =	sadd.s32 s0, s3;
	s0 =	sld [smem:$0x3F5C]  }
0x30: {  	s3 =	sld [smem:$0x3F5F]  }
0x31: {  	[smem:$0x3F68] =	sst s10  }
0x32: {  	s10 =	sld [smem:$0x3F66];
	_ =	sdelay $0x3  }
0x33: {  	p0 =	seq.s32 s10, $0x1;
	s10 =	sld [smem:$0x3F68];
	_ =	sdelay $0x3  }
0x34: {  	[smem:$0x3F68] =	sst s10  }
0x35: {  	s10 =	sld [smem:$0x3F67];
	_ =	sdelay $0x3  }
0x36: {  	p1 =	seq.s32 s10, $0x1;
	s10 =	sld [smem:$0x3F68];
	_ =	sdelay $0x3  }
0x37: {  	[smem:$0x3F68] =	sst s10  }
0x38: {  	s10 =	sld [smem:$0x3F69]  }
0x39: {  	_ = 	snop;
	(pc) =	sbr.ind lr, $3  }
0x3a: {  	_ = 	snop  }
0x3b: {  	_ = 	snop  }
0x3c: {  	p2 =	seq.s32 s10, $0x1;
	s10 =	sld [smem:$0x3F68]  }
0x3d: {  	_ =	shalt  }
0x3e: {  	_ =	shalt  }
0x3f: {  	_ =	shalt  }
0x40: {  	_ =	shalt  }
0x41: {  	_ =	shalt  }
0x42: {  	_ =	shalt  }
0x43: {  	_ =	shalt  }
0x44: {  	_ =	shalt  }
0x45: {  	_ =	shalt  }
0x46: {  	_ =	shalt  }
0x47: {  	_ =	shalt  }
0x48: {  	_ =	shalt  }
0x49: {  	_ =	shalt  }
0x4a: {  	_ =	shalt  }
0x4b: {  	_ =	shalt  }
0x4c: {  	_ =	shalt  }
0x4d: {  	_ =	shalt  }
0x4e: {  	_ =	shalt  }
0x4f: {  	_ =	shalt  }
0x50: {  	_ =	shalt  }
0x51: {  	_ =	shalt  }
0x52: {  	_ =	shalt  }
0x53: {  	_ =	shalt  }
0x54: {  	_ =	shalt  }
0x55: {  	_ =	shalt  }
0x56: {  	_ =	shalt  }
0x57: {  	_ =	shalt  }
0x58: {  	_ =	shalt  }
0x59: {  	_ =	shalt  }
0x5a: {  	_ =	shalt  }
0x5b: {  	_ =	shalt  }
0x5c: {  	_ =	shalt  }
0x5d: {  	_ =	shalt  }
0x5e: {  	_ =	shalt  }
0x5f: {  	_ =	shalt  }
0x60: {  	_ =	shalt  }
0x61: {  	_ =	shalt  }
0x62: {  	_ =	shalt  }
0x63: {  	_ =	shalt  }
0x64: {  	_ =	shalt  }
0x65: {  	_ =	shalt  }
0x66: {  	_ =	shalt  }
0x67: {  	_ =	shalt  }
0x68: {  	_ =	shalt  }
0x69: {  	_ =	shalt  }
0x6a: {  	_ =	shalt  }
0x6b: {  	_ =	shalt  }
0x6c: {  	_ =	shalt  }
0x6d: {  	_ =	shalt  }
0x6e: {  	_ =	shalt  }
0x6f: {  	_ =	shalt  }
0x70: {  	_ =	shalt  }
0x71: {  	_ =	shalt  }
0x72: {  	_ =	shalt  }
0x73: {  	_ =	shalt  }
0x74: {  	_ =	shalt  }
0x75: {  	_ =	shalt  }
0x76: {  	_ =	shalt  }
0x77: {  	_ =	shalt  }
0x78: {  	_ =	shalt  }
0x79: {  	_ =	shalt  }
0x7a: {  	_ =	shalt  }
0x7b: {  	_ =	shalt  }
0x7c: {  	_ =	shalt  }
0x7d: {  	_ =	shalt  }
0x7e: {  	_ =	shalt  }
0x7f: {  	_ =	shalt  }
0x80: {  	_ =	shalt  }
0x81: {  	_ =	shalt  }
0x82: {  	_ =	shalt  }
0x83: {  	_ =	shalt  }
0x84: {  	_ =	shalt  }
0x85: {  	_ =	shalt  }
0x86: {  	_ =	shalt  }
0x87: {  	_ =	shalt  }
.Lfunc_end0:
.L_simem_size_0:
called_computation.2_lowered:
.L_overlay_start_0:
0x88: {  	s2 =	sld [smem:$0x3FD9]  }
0x89: {  	s3 =	sld [smem:$0x3FFE];
	_ =	sdelay $0x1  }
0x8a: {  	s1 =	srdreg.scid  }
0x8b: {  	s0 =	sand.u32 $0x1, s1  }
0x8c: {  	s16 =	sshll.u32 s0, $0xA;
	s2 =	sadd.s32 s3, s2  }
0x8d: {  	s2 =	sadd.s32 s2, s16  }
0x8e: {  	[smem:$0x3F74] =	sst s2  }
0x8f: {  	_ = 	snop  }
0x90: {  	(tm) =	ssettm $0x1  }
0x91: {  	s17 =	sld [smem:$0x3FFB];
	_ =	sdelay $0x3  }
0x92: {  	_ =	strace s17  }
0x93: {  	s2 =	sld [smem:$0x3FFC];
	_ =	sdelay $0x3  }
0x94: {  	_ =	strace s2  }
0x95: {  	s2 =	sld [smem:$0x3FFD];
	_ =	sdelay $0x3  }
0x96: {  	_ =	strace s2  }
0x97: {  	_ =	strace $0x8FFFFFFF  }
0x98: {  	s18 =	sld [smem:$0x3FDB];
	_ =	sdelay $0x1  }
0x99: {  	s19 =	simm.s32 $_scs_section_size  }
0x9a: {  	s4 =	simm.s32 $_size__tile_overlayer_lowered;
	s5 =	simm.s32 $_tile_overlayer_lowered  }
0x9b: {  	s22 =	simm.s32 $0x1BFF;
	s21 =	sshll.u32 s5, $0x1;
	s2 =	sadd.s32 s19, s18  }
0x9c: {  	s6 =	simm.s32 $0x0;
	s20 =	sshll.u32 s4, $0x1;
	s4 =	sadd.s32 s21, s2  }
0x9d: {  	[timem:s6], [sflag:s22] =	dma.local [hbm:s4], s20  }
0x9e: {  	_ =	swait.ge [sflag:s22], s20  }
0x9f: {  	s3 =	ssub.s32 $0x0, s20;
	[sflag:s22] =	ssyncset.done $0x0  }
0xa0: {  	[sflag:s22] =	ssyncadd.s32 s3;
	_ =	sdelay $0x1  }
0xa1: {  	s23 =	simm.s32 $0x1B8B  }
0xa2: {  	_ =	swait.ge [sflag:s23], $0x1  }
0xa3: {  	[sflag:s23] =	ssyncset.done $0x0  }
0xa4: {  	s25 =	simm.s32 $0x1B8E;
	s24 =	sld [smem:$0x3FFE];
	[sflag:s23] =	ssyncadd.s32 $0xFFFFFFFF  }
0xa5: {  	s26 =	simm.s32 $execute0_lowered;
	[smem:$0x3FD2] =	sst s25  }
0xa6: {  	s4 =	sshll.u32 s26, $0x1;
	_ =	strace $0x8000004C;
	[dreg:$0x1] =	wrdreg $0xFFFFFFFF  }
0xa7: {  	s28 =	simm.s32 $_size_execute0_lowered;
	s2 =	sadd.s32 s2, s4;
	[dreg:$0x0] =	wrdreg $0x0  }
0xa8: {  	s4 =	sshll.u32 s28, $0x1;
	[dreg:$0x2] =	wrdreg s2  }
0xa9: {  	[dreg:$0x3] =	wrdreg s4  }
0xaa: {  	[dreg:$0x4] =	wrdreg $0xC0  }
0xab: {  	_ =	task [dreg:s6], $0x5FFFF  }
0xac: {  	[dreg:$0x1] =	wrdreg $0xFFFFFFFF  }
0xad: {  	[dreg:$0x0] =	wrdreg $0x60  }
0xae: {  	[dreg:$0x2] =	wrdreg s24  }
0xaf: {  	[dreg:$0x3] =	wrdreg $0x9  }
0xb0: {  	_ =	task.clear_ibuf [dreg:s6], $0x4FFFF;
	_ =	strace $0x9000004C  }
0xb1: {  	s29 =	simm.s32 $0x9;
	_ =	strace $0x8000004E  }
0xb2: {  	_ =	swait.ge [sflag:s29], $0x1  }
0xb3: {  	[sflag:s29] =	ssyncadd.s32 $0xFFFFFFFF  }
0xb4: {  	_ =	strace $0x9000004E  }
0xb5: {  	_ =	sfence  }
0xb6: {  	s30 =	sld [smem:$0x0];
	_ =	sdelay $0x2  }
0xb7: {  	s31 =	sshll.u32 s1, $0xD;
	s1 =	sshrl.u32 s1, $0x2  }
0xb8: {  	s3 =	sand.u32 $0x4000, s31;
	s1 =	sadd.s32 s1, s30  }
0xb9: {  	s0 =	sor.u32 s3, s0;
	s1 =	sshll.u32 s1, $0x11  }
0xba: {  	s0 =	sor.u32 s1, s0  }
0xbb: {  	s0 =	sadd.s32 $0x8F2B, s0  }
0xbc: {  	[sflag:s0] =	ssyncadd.remote.s32 $0x1  }
0xbd: {  	_ =	sfence.sel $0xFFFF  }
0xbe: {  	[dreg:$0x0] =	wrdreg $0xFFFFFFFF;
	(pc) =	sbr.abs _section_cstart, $3  }
0xbf: {  	[dreg:$0x1] =	wrdreg $0xFFFFFFFF  }
0xc0: {  	_ =	task.clear_ibuf [dreg:s6], $0x2FFFF;
	_ =	strace $0x9FFFFFFF  }
0xc1: {  	(tm) =	ssettm $0x7FFFFFFF  }
tec
execute0_lowered:
.L_overlay_start_1:
0x0: {  	(tag) =	ssettag $0x1  }
0x1: {  	s1 =	srdreg.scid;
	s0 =	stileid.u32  }
0x2: {  	s4 =	rddreg [dreg:$0x0];
	s22 =	smul.u32 $0x280000, s0  }
0x3: {  	s2 =	simm.s32 $0x0;
	s12 =	sand.u32 $0x1, s1;
	s16 =	smul.u32 $0x5000, s0  }
0x4: {  	s3 =	sshll.u32 s0, $0x1;
	s1 =	rddreg [dreg:$0x1];
	s28 =	smul.u32 $0x50000, s0  }
0x5: {  	[smem:$0x7FF] =	sst s2;
	s14 =	sadd.s32 $0x16C00, s4;
	s24 =	smul.u32 $0x140000, s12  }
0x6: {  	s13 =	sadd.s32 $0x52AC00, s4;
	s6 =	sor.u32 s12, s3;
	s18 =	smul.u32 $0x2800, s12  }
0x7: {  	_ =	strace $0x8000004D;
	s5 =	ssub.s32 $0x2, s12;
	s30 =	smul.u32 $0x28000, s12  }
0x8: {  	s3 =	sadd.s32 $0x20C00, s4;
	s7 =	smul.u32 $0x2800, s6;
	s9 =	sshrl.u32 s5, $0x1  }
0x9: {  	s20 =	smul.u32 $0x140000, s6;
	s19 =	ssub.s32 s5, s9;
	s17 =	sadd.s32 s24, s22  }
0xa: {  	s26 =	sadd.s32 s18, s16;
	s16 =	simm.s32 $0x8080;
	s18 =	simm.s32 $0x80  }
0xb: {  	s22 =	simm.s32 $0x4;
	s24 =	simm.s32 $0x0;
	s8 =	sshrl.u32 s7, $0x3  }
0xc: {  	s10 =	sor.u32 $0x100, s7;
	s11 =	sshll.u32 s7, $0x4;
	s15 =	sor.u32 $0x180, s7  }
0xd: {  	s6 =	smax.u32 s19, $0x1;
	s21 =	sshrl.u32 s20, $0x3;
	s25 =	sor.u32 $0x8000, s17  }
0xe: {  	s29 =	sor.u32 $0x280, s26;
	s17 =	simm.s32 $0x1;
	s19 =	simm.s32 $0x3  }
0xf: {  	s20 =	simm.s32 $0x2;
	s4 =	sadd.s32 s14, s8;
	s7 =	sadd.s32 s13, s21  }
0x10: {  	s23 =	sshrl.u32 s10, $0x3;
	s11 =	sadd.s32 s11, s13;
	s15 =	sshrl.u32 s15, $0x3  }
0x11: {  	s31 =	sshrl.u32 s29, $0x3;
	s21 =	simm.s32 $0x4000;
	s5 =	sadd.s32 $0x10, s4  }
.Ltmp0:
0x12: {  	s8 =	sadd.s32 s14, s23;
	s9 =	sadd.s32 $0x800, s11;
	(pc) =	sbr.rel .LBB2_1-.Ltmp0, $4  }
0x13: {  	s10 =	sadd.s32 s14, s15;
	s11 =	sshrl.u32 s25, $0x3;
	s15 =	sor.u32 $0x200, s26  }
0x14: {  	s12 =	sadd.s32 s31, s14;
	s11 =	sadd.s32 s11, s13;
	s13 =	sadd.s32 s28, s13  }
0x15: {  	s23 =	simm.s32 $0x5;
	s15 =	sshrl.u32 s15, $0x3;
	s13 =	sadd.s32 s30, s13  }
0x16: {  	s14 =	sadd.s32 s15, s14;
	s15 =	simm.s32 $0x8000;
	s13 =	sadd.s32 $0x1800, s13  }
.LBB2_4:
0x17: {  	s24 =	sadd.s32 $0x1, s24  }
0x18: {  	_ =	swait.ge [sflag:s22], $0x4000;
	p0 =	sne.s32 s24, s6  }
.Ltmp1:
0x19: {  	[sflag:s22] =	ssyncset.done $0x0;
	(pc) =	sbr.rel @!p0 .LBB2_5-.Ltmp1, $4  }
0x1a: {  	[sflag:s22] =	ssyncadd.s32 $0xFFFFC000  }
0x1b: {  	_ =	swait.ge [sflag:s23], $0x4000  }
0x1c: {  	[sflag:s23] =	ssyncset.done $0x0  }
0x1d: {  	[sflag:s23] =	ssyncadd.s32 $0xFFFFC000  }
.LBB2_1:
0x1e: {  	[tilespmem:s15], [sflag:$0x1] =	stream.linear.gather [hbm4b:s4+s2], $0x80, $0x38;
	[tilespmem:$0x8100] =	vst v63  }
0x1f: {  	_ = 	snop  }
0x20: {  	[tilespmem:s16], [sflag:$0x2] =	stream.linear.gather [hbm4b:s5+s2], $0x80, $0x38;
	[tilespmem:$0x8100] =	vst v63  }
0x21: {  	_ =	swait.ge [sflag:s17], $0x80  }
0x22: {  	[sflag:s17] =	ssyncset.done $0x0  }
0x23: {  	[sflag:s17] =	ssyncadd.s32 $0xFFFFFF80  }
0x24: {  	[tilespmem:s2], [sflag:$0x3] =	stream.indirect.gather [hbm4b:s3+s18], $0x80, s15, s18, $0xb8;
	[tilespmem:$0x8100] =	vst v63  }
0x25: {  	_ =	swait.ge [sflag:s19], $0x4000  }
0x26: {  	[sflag:s19] =	ssyncset.done $0x0  }
0x27: {  	[sflag:s19] =	ssyncadd.s32 $0xFFFFC000  }
0x28: {  	[hbm4b:s7+s2] =	stream.linear.scatter [tilespmem:s2], [sflag:$0x4], $0x4000, $0x38;
	[tilespmem:$0x8100] =	vst v63  }
0x29: {  	_ = 	snop  }
0x2a: {  	[tilespmem:s15], [sflag:$0x1] =	stream.linear.gather [hbm4b:s8+s2], $0x80, $0x38;
	[tilespmem:$0x8100] =	vst v63  }
0x2b: {  	_ =	swait.ge [sflag:s20], $0x80  }
0x2c: {  	[sflag:s20] =	ssyncset.done $0x0  }
0x2d: {  	[sflag:s20] =	ssyncadd.s32 $0xFFFFFF80  }
0x2e: {  	[tilespmem:s21], [sflag:$0x3] =	stream.indirect.gather [hbm4b:s3+s18], $0x80, s16, s18, $0xb8;
	[tilespmem:$0x8100] =	vst v63  }
0x2f: {  	_ =	swait.ge [sflag:s19], $0x4000  }
0x30: {  	[sflag:s19] =	ssyncset.done $0x0  }
0x31: {  	[sflag:s19] =	ssyncadd.s32 $0xFFFFC000  }
0x32: {  	[hbm4b:s9+s2] =	stream.linear.scatter [tilespmem:s21], [sflag:$0x5], $0x4000, $0x38;
	[tilespmem:$0x8100] =	vst v63  }
0x33: {  	s25 =	smov.u32 s13;
	s26 =	simm.s32 $0x0;
	s28 =	smov.u32 s11  }
0x34: {  	[tilespmem:s16], [sflag:$0x2] =	stream.linear.gather [hbm4b:s10+s2], $0x80, $0x38;
	[tilespmem:$0x8100] =	vst v63  }
.LBB2_2:
0x35: {  	_ =	swait.ge [sflag:s17], $0x80  }
0x36: {  	[sflag:s17] =	ssyncset.done $0x0  }
0x37: {  	[sflag:s17] =	ssyncadd.s32 $0xFFFFFF80  }
0x38: {  	_ =	swait.ge [sflag:s22], $0x4000  }
0x39: {  	[sflag:s22] =	ssyncset.done $0x0  }
0x3a: {  	[sflag:s22] =	ssyncadd.s32 $0xFFFFC000  }
0x3b: {  	[tilespmem:s2], [sflag:$0x3] =	stream.indirect.gather [hbm4b:s3+s18], $0x80, s15, s18, $0xb8;
	[tilespmem:$0x8100] =	vst v63  }
0x3c: {  	_ =	swait.ge [sflag:s19], $0x4000  }
0x3d: {  	[sflag:s19] =	ssyncset.done $0x0  }
0x3e: {  	p0 =	seq.s32 s26, $0x4C0;
	[sflag:s19] =	ssyncadd.s32 $0xFFFFC000  }
0x3f: {  	[hbm4b:s28+s2] =	stream.linear.scatter [tilespmem:s2], [sflag:$0x4], $0x4000, $0x38;
	[tilespmem:$0x8100] =	vst v63  }
0x40: {  	s29 =	sadd.s32 @!p0 s26, s14;
	s30 =	simm.s32 @!p0 $0x0;
	s31 =	simm.s32 @!p0 $0x8000  }
0x41: {  	[tilespmem:s31], [sflag:$0x1] =	stream.linear.gather @!p0 [hbm4b:s29+s30], $0x80, $0x38;
	[tilespmem:$0x8100] =	vst v63  }
0x42: {  	_ =	swait.ge [sflag:s20], $0x80  }
0x43: {  	[sflag:s20] =	ssyncset.done $0x0  }
0x44: {  	[sflag:s20] =	ssyncadd.s32 $0xFFFFFF80  }
0x45: {  	_ =	swait.ge [sflag:s23], $0x4000  }
0x46: {  	[sflag:s23] =	ssyncset.done $0x0  }
0x47: {  	[sflag:s23] =	ssyncadd.s32 $0xFFFFC000  }
0x48: {  	[tilespmem:s21], [sflag:$0x3] =	stream.indirect.gather [hbm4b:s3+s18], $0x80, s16, s18, $0xb8;
	[tilespmem:$0x8100] =	vst v63  }
.Ltmp2:
0x49: {  	_ = 	snop;
	(pc) =	sbr.rel @p0 .LBB2_4-.Ltmp2, $4  }
0x4a: {  	_ =	swait.ge [sflag:s19], $0x4000  }
0x4b: {  	[sflag:s19] =	ssyncset.done $0x0  }
0x4c: {  	[sflag:s19] =	ssyncadd.s32 $0xFFFFC000  }
0x4d: {  	[hbm4b:s25+s2] =	stream.linear.scatter [tilespmem:s21], [sflag:$0x5], $0x4000, $0x38;
	[tilespmem:$0x8100] =	vst v63  }
.Ltmp3:
0x4e: {  	(pc) =	sbr.rel .LBB2_2-.Ltmp3, $4  }
0x4f: {  	_ = 	snop  }
0x50: {  	s29 =	sadd.s32 s26, s12  }
0x51: {  	s28 =	sadd.s32 $0x1000, s28;
	s26 =	sadd.s32 $0x20, s26;
	s25 =	sadd.s32 $0x1000, s25  }
0x52: {  	[tilespmem:s16], [sflag:$0x2] =	stream.linear.gather [hbm4b:s29+s2], $0x80, $0x38;
	[tilespmem:$0x8100] =	vst v63  }
.LBB2_5:
0x53: {  	_ =	sfence.sel $0x180000  }
0x54: {  	[bflag:$0x0] =	sbarrier.arrive $0xFFFF  }
0x55: {  	p0 =	sne.s32 s0, $0x0;
	_ =	strace $0x9000004D  }
0x56: {  	s0 =	sadd.s32 @!p0 $0x100000, s1;
	[bflag:$0x2] =	sbarrier.arrive $0xFFFF  }
0x57: {  	[sflag:s0] =	ssyncadd.tile.s32 @!p0 $0x1;
	_ =	shalt  }
.Lfunc_end2:
_tile_overlayer_lowered:
.L_overlay_start_2:
0x58: {  	(tag) =	ssettag $0x2  }
0x59: {  	s0 =	rddreg [dreg:$0x0];
	s2 =	stileid.u32  }
0x5a: {  	s1 =	rddreg [dreg:$0x1];
	p0 =	sne.s32 s2, $0x0  }
0x5b: {  	s3 =	rddreg [dreg:$0x2];
	[bflag:$0x3] =	sbarrier.arrive $0xFFFF;
	s2 =	simm.s32 @!p0 $0x1C06  }
0x5c: {  	[timem:s3], [sflag:s2] =	dma.local @!p0 [hbm:s0], s1  }
0x5d: {  	s0 =	simm.s32 @!p0 $0x6  }
0x5e: {  	_ =	swait.ge @!p0 [sflag:s0], s1  }
0x5f: {  	s1 =	ssub.s32 @!p0 $0x0, s1;
	[sflag:s0] =	ssyncset.done @!p0 $0x0  }
0x60: {  	[sflag:s0] =	ssyncadd.s32 @!p0 s1  }
0x61: {  	[bflag:$0x3] =	sbarrier.arrive $0xFFFF  }
0x62: {  	_ =	shalt  }

// kernel: kernel.24.cloned.1.call-start
scs
__scs_entry_jumppad:
0x0: {  	(pc) =	sbr.rel $0x88, $3  }
0x1: {  	(tag) =	ssettag $0x0;
	lr =	simm.s32 $0x1  }
0x2: {  	[smem:$0x3F4D] =	sst lr;
	_ =	strace $0xD0000000  }
0x3: {  	_ = 	snop  }
0x4: {  	_ = 	snop  }
0x5: {  	_ = 	snop  }
0x6: {  	_ = 	snop  }
0x7: {  	_ = 	snop  }
__scs_overlays_trampoline_lowered:
0x8: {  	[smem:$0x3F5C] =	sst s0  }
0x9: {  	[smem:$0x3F5D] =	sst s1  }
0xa: {  	[smem:$0x3F5E] =	sst s2  }
0xb: {  	[smem:$0x3F5F] =	sst s3  }
0xc: {  	[smem:$0x3F60] =	sst s4  }
0xd: {  	[smem:$0x3F61] =	sst s5  }
0xe: {  	[smem:$0x3F62] =	sst s6  }
0xf: {  	[smem:$0x3F63] =	sst s7  }
0x10: {  	[smem:$0x3F64] =	sst s8  }
0x11: {  	[smem:$0x3F65] =	sst s9;
	s0 =	simm.s32 @!p0 $0x0  }
0x12: {  	s1 =	sld [smem:$0x3F4B];
	s0 =	simm.s32 @p0 $0x1  }
0x13: {  	[smem:$0x3F66] =	sst s0;
	s0 =	simm.s32 @!p1 $0x0  }
0x14: {  	s2 =	sld [smem:$0x3F4A];
	s0 =	simm.s32 @p1 $0x1  }
0x15: {  	[smem:$0x3F67] =	sst s0;
	s0 =	simm.s32 @!p2 $0x0  }
0x16: {  	s3 =	sld [smem:$0x3FDB];
	s0 =	simm.s32 @p2 $0x1  }
0x17: {  	s4 =	simm.s32 $0x1BF5;
	[smem:$0x3F69] =	sst s0  }
0x18: {  	s0 =	sld [smem:$0x3F4C];
	_ =	swait.ge [sflag:s4], $0x0  }
0x19: {  	s7 =	sld [smem:$0x3F4D]  }
0x1a: {  	s8 =	sadd.s32 $0xFFFFE003, lr  }
0x1b: {  	s9 =	sadd.s32 $0xFFFFFEF7, lr;
	s5 =	simm.s32 $0xFFFFFFFF;
	p2 =	slt.u32 s8, $0xFFFFF086  }
0x1c: {  	p1 =	slt.u32 s9, $0xF7A;
	s5 =	simm.s32 @!p2 $0x0  }
0x1d: {  	s5 =	simm.s32 @p1 $0x1;
	p0 =	seq.s32 s7, s2  }
0x1e: {  	s7 =	smul.u32 @!p0 $0xF7A, s2;
	p2 =	seq.s32 @!p0 s5, $0x0  }
0x1f: {  	s9 =	smul.u32 $0xF7A, s1;
	s8 =	simm.s32 @!p0 $0x1BF5;
	p2 =	por !p2, p0  }
0x20: {  	[sflag:s8] =	ssyncset.s32 @!p0 $0xFFFFF086;
	s6 =	sadd.s32 @!p0 s3, s7;
	s7 =	simm.s32 @!p0 $0x108  }
0x21: {  	s3 =	sadd.s32 s3, s9;
	s6 =	sadd.s32 @!p0 $0x88, s6;
	s7 =	simm.s32 @p2 $0x1082  }
0x22: {  	[simem:s7], [sflag:s8] =	dma.local @!p0 [hbm:s6], $0xF7A  }
0x23: {  	s9 =	sor.u32 $0xD0000000, s2;
	s6 =	simm.s32 $0x108;
	_ =	swait.ge @!p0 [sflag:s8], $0x0  }
0x24: {  	s3 =	sadd.s32 $0x88, s3;
	s6 =	simm.s32 @!p1 $0x1082;
	[sflag:s4] =	ssyncset.s32 $0xFFFFF086  }
0x25: {  	[simem:s6], [sflag:s4] =	dma.local [hbm:s3], $0xF7A  }
0x26: {  	[smem:$0x3F4D] =	sst s1;
	(tag) =	ssettag s2;
	_ =	strace s9  }
0x27: {  	s1 =	sld [smem:$0x3F5D]  }
0x28: {  	s2 =	sld [smem:$0x3F5E]  }
0x29: {  	s4 =	sld [smem:$0x3F60]  }
0x2a: {  	p0 =	seq.s32 s5, $0x0;
	s5 =	sld [smem:$0x3F61]  }
0x2b: {  	s6 =	sld [smem:$0x3F62]  }
0x2c: {  	s7 =	sld [smem:$0x3F63]  }
0x2d: {  	s3 =	simm.s32 $0x108;
	s8 =	sld [smem:$0x3F64]  }
0x2e: {  	s3 =	simm.s32 @!p0 $0x1082;
	s9 =	sld [smem:$0x3F65]  }
0x2f: {  	lr =	sadd.s32 s0, s3;
	s0 =	sld [smem:$0x3F5C]  }
0x30: {  	s3 =	sld [smem:$0x3F5F]  }
0x31: {  	[smem:$0x3F68] =	sst s10  }
0x32: {  	s10 =	sld [smem:$0x3F66];
	_ =	sdelay $0x3  }
0x33: {  	p0 =	seq.s32 s10, $0x1;
	s10 =	sld [smem:$0x3F68];
	_ =	sdelay $0x3  }
0x34: {  	[smem:$0x3F68] =	sst s10  }
0x35: {  	s10 =	sld [smem:$0x3F67];
	_ =	sdelay $0x3  }
0x36: {  	p1 =	seq.s32 s10, $0x1;
	s10 =	sld [smem:$0x3F68];
	_ =	sdelay $0x3  }
0x37: {  	[smem:$0x3F68] =	sst s10  }
0x38: {  	s10 =	sld [smem:$0x3F69]  }
0x39: {  	_ = 	snop;
	(pc) =	sbr.ind lr, $3  }
0x3a: {  	_ = 	snop  }
0x3b: {  	_ = 	snop  }
0x3c: {  	p2 =	seq.s32 s10, $0x1;
	s10 =	sld [smem:$0x3F68]  }
0x3d: {  	_ =	shalt  }
0x3e: {  	_ =	shalt  }
0x3f: {  	_ =	shalt  }
0x40: {  	_ =	shalt  }
0x41: {  	_ =	shalt  }
0x42: {  	_ =	shalt  }
0x43: {  	_ =	shalt  }
0x44: {  	_ =	shalt  }
0x45: {  	_ =	shalt  }
0x46: {  	_ =	shalt  }
0x47: {  	_ =	shalt  }
0x48: {  	_ =	shalt  }
0x49: {  	_ =	shalt  }
0x4a: {  	_ =	shalt  }
0x4b: {  	_ =	shalt  }
0x4c: {  	_ =	shalt  }
0x4d: {  	_ =	shalt  }
0x4e: {  	_ =	shalt  }
0x4f: {  	_ =	shalt  }
0x50: {  	_ =	shalt  }
0x51: {  	_ =	shalt  }
0x52: {  	_ =	shalt  }
0x53: {  	_ =	shalt  }
0x54: {  	_ =	shalt  }
0x55: {  	_ =	shalt  }
0x56: {  	_ =	shalt  }
0x57: {  	_ =	shalt  }
0x58: {  	_ =	shalt  }
0x59: {  	_ =	shalt  }
0x5a: {  	_ =	shalt  }
0x5b: {  	_ =	shalt  }
0x5c: {  	_ =	shalt  }
0x5d: {  	_ =	shalt  }
0x5e: {  	_ =	shalt  }
0x5f: {  	_ =	shalt  }
0x60: {  	_ =	shalt  }
0x61: {  	_ =	shalt  }
0x62: {  	_ =	shalt  }
0x63: {  	_ =	shalt  }
0x64: {  	_ =	shalt  }
0x65: {  	_ =	shalt  }
0x66: {  	_ =	shalt  }
0x67: {  	_ =	shalt  }
0x68: {  	_ =	shalt  }
0x69: {  	_ =	shalt  }
0x6a: {  	_ =	shalt  }
0x6b: {  	_ =	shalt  }
0x6c: {  	_ =	shalt  }
0x6d: {  	_ =	shalt  }
0x6e: {  	_ =	shalt  }
0x6f: {  	_ =	shalt  }
0x70: {  	_ =	shalt  }
0x71: {  	_ =	shalt  }
0x72: {  	_ =	shalt  }
0x73: {  	_ =	shalt  }
0x74: {  	_ =	shalt  }
0x75: {  	_ =	shalt  }
0x76: {  	_ =	shalt  }
0x77: {  	_ =	shalt  }
0x78: {  	_ =	shalt  }
0x79: {  	_ =	shalt  }
0x7a: {  	_ =	shalt  }
0x7b: {  	_ =	shalt  }
0x7c: {  	_ =	shalt  }
0x7d: {  	_ =	shalt  }
0x7e: {  	_ =	shalt  }
0x7f: {  	_ =	shalt  }
0x80: {  	_ =	shalt  }
0x81: {  	_ =	shalt  }
0x82: {  	_ =	shalt  }
0x83: {  	_ =	shalt  }
0x84: {  	_ =	shalt  }
0x85: {  	_ =	shalt  }
0x86: {  	_ =	shalt  }
0x87: {  	_ =	shalt  }
.Lfunc_end0:
.L_simem_size_0:
called_computation.3_lowered:
.L_overlay_start_0:
0x88: {  	s2 =	sld [smem:$0x3FD9]  }
0x89: {  	s3 =	sld [smem:$0x3FFE];
	_ =	sdelay $0x1  }
0x8a: {  	s1 =	srdreg.scid  }
0x8b: {  	s0 =	sand.u32 $0x1, s1  }
0x8c: {  	s16 =	sshll.u32 s0, $0xA;
	s2 =	sadd.s32 s3, s2  }
0x8d: {  	s2 =	sadd.s32 s2, s16  }
0x8e: {  	[smem:$0x3F74] =	sst s2  }
0x8f: {  	_ = 	snop  }
0x90: {  	(tm) =	ssettm $0x1  }
0x91: {  	s17 =	sld [smem:$0x3FFB];
	_ =	sdelay $0x3  }
0x92: {  	_ =	strace s17  }
0x93: {  	s2 =	sld [smem:$0x3FFC];
	_ =	sdelay $0x3  }
0x94: {  	_ =	strace s2  }
0x95: {  	s2 =	sld [smem:$0x3FFD];
	_ =	sdelay $0x3  }
0x96: {  	_ =	strace s2  }
0x97: {  	_ =	strace $0x8FFFFFFF  }
0x98: {  	s18 =	sld [smem:$0x3FDB];
	_ =	sdelay $0x1  }
0x99: {  	s19 =	simm.s32 $_scs_section_size  }
0x9a: {  	s4 =	simm.s32 $_size__tile_overlayer_lowered;
	s5 =	simm.s32 $_tile_overlayer_lowered  }
0x9b: {  	s22 =	simm.s32 $0x1BFF;
	s21 =	sshll.u32 s5, $0x1;
	s2 =	sadd.s32 s19, s18  }
0x9c: {  	s6 =	simm.s32 $0x0;
	s20 =	sshll.u32 s4, $0x1;
	s4 =	sadd.s32 s21, s2  }
0x9d: {  	[timem:s6], [sflag:s22] =	dma.local [hbm:s4], s20  }
0x9e: {  	_ =	swait.ge [sflag:s22], s20  }
0x9f: {  	s3 =	ssub.s32 $0x0, s20;
	[sflag:s22] =	ssyncset.done $0x0  }
0xa0: {  	[sflag:s22] =	ssyncadd.s32 s3;
	_ =	sdelay $0x1  }
0xa1: {  	s23 =	simm.s32 $0x1B8B  }
0xa2: {  	_ =	swait.ge [sflag:s23], $0x1  }
0xa3: {  	[sflag:s23] =	ssyncset.done $0x0  }
0xa4: {  	s25 =	simm.s32 $0x1B8E;
	s24 =	sld [smem:$0x3FFE];
	[sflag:s23] =	ssyncadd.s32 $0xFFFFFFFF  }
0xa5: {  	s26 =	simm.s32 $execute0_lowered;
	[smem:$0x3FD2] =	sst s25  }
0xa6: {  	s4 =	sshll.u32 s26, $0x1;
	_ =	strace $0x8000004F;
	[dreg:$0x1] =	wrdreg $0xFFFFFFFF  }
0xa7: {  	s28 =	simm.s32 $_size_execute0_lowered;
	s2 =	sadd.s32 s2, s4;
	[dreg:$0x0] =	wrdreg $0x0  }
0xa8: {  	s4 =	sshll.u32 s28, $0x1;
	[dreg:$0x2] =	wrdreg s2  }
0xa9: {  	[dreg:$0x3] =	wrdreg s4  }
0xaa: {  	[dreg:$0x4] =	wrdreg $0xC0  }
0xab: {  	_ =	task [dreg:s6], $0x5FFFF  }
0xac: {  	[dreg:$0x1] =	wrdreg $0xFFFFFFFF  }
0xad: {  	[dreg:$0x0] =	wrdreg $0x60  }
0xae: {  	[dreg:$0x2] =	wrdreg s24  }
0xaf: {  	[dreg:$0x3] =	wrdreg $0x81000  }
0xb0: {  	[dreg:$0x4] =	wrdreg $0x9  }
0xb1: {  	_ =	task.clear_ibuf [dreg:s6], $0x5FFFF;
	_ =	strace $0x9000004F  }
0xb2: {  	s29 =	simm.s32 $0x9;
	_ =	strace $0x80000051  }
0xb3: {  	_ =	swait.ge [sflag:s29], $0x1  }
0xb4: {  	[sflag:s29] =	ssyncadd.s32 $0xFFFFFFFF  }
0xb5: {  	_ =	strace $0x90000051  }
0xb6: {  	_ =	sfence  }
0xb7: {  	s30 =	sld [smem:$0x0];
	_ =	sdelay $0x2  }
0xb8: {  	s31 =	sshll.u32 s1, $0xD;
	s1 =	sshrl.u32 s1, $0x2  }
0xb9: {  	s3 =	sand.u32 $0x4000, s31;
	s1 =	sadd.s32 s1, s30  }
0xba: {  	s0 =	sor.u32 s3, s0;
	s1 =	sshll.u32 s1, $0x11  }
0xbb: {  	s0 =	sor.u32 s1, s0  }
0xbc: {  	s0 =	sadd.s32 $0x8F2B, s0  }
0xbd: {  	[sflag:s0] =	ssyncadd.remote.s32 $0x1  }
0xbe: {  	_ =	sfence.sel $0xFFFF  }
0xbf: {  	[dreg:$0x0] =	wrdreg $0xFFFFFFFF;
	(pc) =	sbr.abs _section_cstart, $3  }
0xc0: {  	[dreg:$0x1] =	wrdreg $0xFFFFFFFF  }
0xc1: {  	_ =	task.clear_ibuf [dreg:s6], $0x2FFFF;
	_ =	strace $0x9FFFFFFF  }
0xc2: {  	(tm) =	ssettm $0x7FFFFFFF  }
0xc3: {  	_ =	shalt  }
tec
execute0_lowered:
.L_overlay_start_1:
0x0: {  	(tag) =	ssettag $0x1  }
0x1: {  	s5 =	rddreg [dreg:$0x0]  }
0x2: {  	s2 =	rddreg [dreg:$0x1];
	s3 =	simm.s32 $0x0  }
0x3: {  	s4 =	srdreg.scid;
	s1 =	stileid.u32;
	s20 =	simm.s32 $0x8080  }
0x4: {  	s21 =	simm.s32 $0x1;
	s22 =	simm.s32 $0x3;
	s23 =	simm.s32 $0x80  }
0x5: {  	s24 =	simm.s32 $0x6;
	s28 =	simm.s32 $0x0;
	s6 =	smul.u32 $0x2780, s1  }
0x6: {  	[smem:$0x7FF] =	sst s3;
	s14 =	sadd.s32 $0x18E4C00, s5;
	s9 =	smul.u32 $0x4F000, s1  }
0x7: {  	s13 =	sand.u32 $0x1, s4;
	s15 =	sadd.s32 $0x520C00, s5;
	s17 =	smul.u32 $0x5000, s1  }
0x8: {  	s4 =	sadd.s32 $0xCE00, s5;
	s25 =	sshll.u32 s1, $0x1;
	s19 =	smul.u32 $0x50000, s1  }
0x9: {  	_ =	strace $0x80000050;
	s7 =	smul.u32 $0x27800, s13;
	s8 =	ssub.s32 $0x2, s13  }
0xa: {  	s18 =	smul.u32 $0x2800, s13;
	s26 =	sshrl.u32 s8, $0x1;
	s9 =	sshrl.u32 s9, $0x2  }
0xb: {  	s6 =	sadd.s32 s6, s7;
	s7 =	sor.u32 s13, s25;
	s12 =	ssub.s32 s8, s26  }
0xc: {  	s16 =	sadd.s32 s9, s2;
	s13 =	smul.u32 $0x28000, s13;
	s17 =	sadd.s32 s18, s17  }
0xd: {  	s25 =	simm.s32 $0x2;
	s26 =	simm.s32 $0x4;
	s10 =	smul.u32 $0x2800, s7  }
0xe: {  	s11 =	sadd.s32 s6, s5;
	s5 =	sshll.u32 s1, $0x6;
	s7 =	smul.u32 $0x28000, s7  }
0xf: {  	s12 =	smax.u32 s12, $0x1;
	s18 =	sor.u32 $0x180, s17;
	s17 =	sor.u32 $0x100, s17  }
0x10: {  	s16 =	sshrl.u32 s16, $0x3;
	s6 =	sor.u32 $0x1C05, s5;
	s11 =	sadd.s32 $0x47E00, s11  }
0x11: {  	s31 =	sshrl.u32 s18, $0x3;
	s17 =	sshrl.u32 s17, $0x3;
	s18 =	simm.s32 $0x8000  }
0x12: {  	s7 =	sadd.s32 s14, s7;
	s29 =	sshrl.u32 s10, $0x3;
	s10 =	sor.u32 $0x80, s10  }
0x13: {  	s8 =	sadd.s32 s15, s29;
	s30 =	sshll.u32 s10, $0x4;
	s10 =	sshrl.u32 s10, $0x3  }
0x14: {  	s9 =	sadd.s32 s14, s30;
	s10 =	sadd.s32 s15, s10;
	s14 =	sadd.s32 s19, s14  }
0x15: {  	s19 =	simm.s32 $0x4000;
	s13 =	sadd.s32 s13, s14;
	s14 =	sadd.s32 s31, s15  }
0x16: {  	s15 =	sadd.s32 s17, s15;
	s17 =	simm.s32 $0x5;
	s13 =	sadd.s32 $0x1800, s13  }
.LBB2_1:
0x17: {  	[spmem:s16], [sflag:s6] =	dma.local [hbm:s4], $0x2780  }
0x18: {  	_ =	swait.ge [sflag:s17], $0x2780  }
0x19: {  	[sflag:s17] =	ssyncset.done $0x0  }
0x1a: {  	[sflag:s17] =	ssyncadd.s32 $0xFFFFD880  }
0x1b: {  	[bflag:$0x0] =	sbarrier.arrive $0xFFFF  }
0x1c: {  	[tilespmem:s3], [sflag:$0x1] =	stream.linear.gather [hbm4b:s7+s3], $0x4000, $0x38;
	[tilespmem:$0x1BD00] =	vst v63  }
0x1d: {  	_ = 	snop  }
0x1e: {  	[tilespmem:s18], [sflag:$0x3] =	stream.linear.gather [hbm4b:s8+s3], $0x80, $0x38;
	[tilespmem:$0x1BD00] =	vst v63  }
0x1f: {  	_ = 	snop  }
0x20: {  	[tilespmem:s19], [sflag:$0x2] =	stream.linear.gather [hbm4b:s9+s3], $0x4000, $0x38;
	[tilespmem:$0x1BD00] =	vst v63  }
0x21: {  	_ = 	snop  }
0x22: {  	[tilespmem:s20], [sflag:$0x4] =	stream.linear.gather [hbm4b:s10+s3], $0x80, $0x38;
	[tilespmem:$0x1BD00] =	vst v63  }
0x23: {  	_ =	swait.ge [sflag:s21], $0x4000  }
0x24: {  	[sflag:s21] =	ssyncset.done $0x0  }
0x25: {  	[sflag:s21] =	ssyncadd.s32 $0xFFFFC000  }
0x26: {  	_ =	swait.ge [sflag:s22], $0x80  }
0x27: {  	[sflag:s22] =	ssyncset.done $0x0  }
0x28: {  	[sflag:s22] =	ssyncadd.s32 $0xFFFFFF80  }
0x29: {  	[spmem:s2] =	stream.indirect.scatter.add.f32 [tilespmem:s3], [sflag:$0x6], $0x80, s18, s23, $0xb8;
	[tilespmem:$0x1BD00] =	vst v63  }
0x2a: {  	_ =	swait.ge [sflag:s24], $0x4000  }
0x2b: {  	[sflag:s24] =	ssyncset.done $0x0  }
0x2c: {  	s29 =	sadd.s32 $0xFFFFF800, s13;
	[sflag:s24] =	ssyncadd.s32 $0xFFFFC000  }
0x2d: {  	[tilespmem:s3], [sflag:$0x1] =	stream.linear.gather [hbm4b:s29+s3], $0x4000, $0x38;
	[tilespmem:$0x1BD00] =	vst v63  }
0x2e: {  	s29 =	sadd.s32 $0x0, s15  }
0x2f: {  	[tilespmem:s18], [sflag:$0x3] =	stream.linear.gather [hbm4b:s29+s3], $0x80, $0x38;
	[tilespmem:$0x1BD00] =	vst v63  }
0x30: {  	_ =	swait.ge [sflag:s25], $0x4000  }
0x31: {  	[sflag:s25] =	ssyncset.done $0x0  }
0x32: {  	[sflag:s25] =	ssyncadd.s32 $0xFFFFC000  }
0x33: {  	_ =	swait.ge [sflag:s26], $0x80  }
0x34: {  	[sflag:s26] =	ssyncset.done $0x0  }
0x35: {  	[sflag:s26] =	ssyncadd.s32 $0xFFFFFF80  }
0x36: {  	[spmem:s2] =	stream.indirect.scatter.add.f32 [tilespmem:s19], [sflag:$0x6], $0x80, s20, s23, $0xb8;
	[tilespmem:$0x1BD00] =	vst v63  }
0x37: {  	_ =	swait.ge [sflag:s24], $0x4000  }
0x38: {  	s31 =	sadd.s32 $0x0, s14;
	[sflag:s24] =	ssyncset.done $0x0  }
0x39: {  	s30 =	sadd.s32 $0x1000, s13;
	s29 =	simm.s32 $0x20;
	[sflag:s24] =	ssyncadd.s32 $0xFFFFC000  }
0x3a: {  	[tilespmem:s19], [sflag:$0x2] =	stream.linear.gather [hbm4b:s13+s3], $0x4000, $0x38;
	[tilespmem:$0x1BD00] =	vst v63  }
.LBB2_2:
0x3b: {  	[tilespmem:s20], [sflag:$0x4] =	stream.linear.gather [hbm4b:s31+s3], $0x80, $0x38;
	[tilespmem:$0x1BD00] =	vst v63  }
0x3c: {  	s31 =	smov.u32 s29  }
0x3d: {  	p0 =	sne.s32 s29, $0x4C0;
	s29 =	sadd.s32 $0x20, s29;
	_ =	swait.ge [sflag:s21], $0x4000  }
0x3e: {  	[sflag:s21] =	ssyncset.done $0x0  }
0x3f: {  	[sflag:s21] =	ssyncadd.s32 $0xFFFFC000  }
0x40: {  	_ =	swait.ge [sflag:s22], $0x80  }
0x41: {  	[sflag:s22] =	ssyncset.done $0x0  }
0x42: {  	[sflag:s22] =	ssyncadd.s32 $0xFFFFFF80  }
0x43: {  	[spmem:s2] =	stream.indirect.scatter.add.f32 [tilespmem:s3], [sflag:$0x6], $0x80, s18, s23, $0xb8;
	[tilespmem:$0x1BD00] =	vst v63  }
0x44: {  	_ =	swait.ge [sflag:s24], $0x4000  }
0x45: {  	[sflag:s24] =	ssyncset.done $0x0  }
0x46: {  	s0 =	sadd.s32 $0xFFFFF800, s30;
	[sflag:s24] =	ssyncadd.s32 $0xFFFFC000  }
0x47: {  	[tilespmem:s3], [sflag:$0x1] =	stream.linear.gather [hbm4b:s0+s3], $0x4000, $0x38;
	[tilespmem:$0x1BD00] =	vst v63  }
0x48: {  	s0 =	sadd.s32 s31, s15  }
0x49: {  	[tilespmem:s18], [sflag:$0x3] =	stream.linear.gather [hbm4b:s0+s3], $0x80, $0x38;
	[tilespmem:$0x1BD00] =	vst v63  }
0x4a: {  	_ =	swait.ge [sflag:s25], $0x4000  }
0x4b: {  	[sflag:s25] =	ssyncset.done $0x0  }
0x4c: {  	[sflag:s25] =	ssyncadd.s32 $0xFFFFC000  }
0x4d: {  	_ =	swait.ge [sflag:s26], $0x80  }
0x4e: {  	[sflag:s26] =	ssyncset.done $0x0  }
0x4f: {  	[sflag:s26] =	ssyncadd.s32 $0xFFFFFF80  }
0x50: {  	[spmem:s2] =	stream.indirect.scatter.add.f32 [tilespmem:s19], [sflag:$0x6], $0x80, s20, s23, $0xb8;
	[tilespmem:$0x1BD00] =	vst v63  }
.Ltmp0:
0x51: {  	_ =	swait.ge [sflag:s24], $0x4000;
	(pc) =	sbr.rel @p0 .LBB2_2-.Ltmp0, $4  }
0x52: {  	[sflag:s24] =	ssyncset.done $0x0  }
0x53: {  	[sflag:s24] =	ssyncadd.s32 $0xFFFFC000  }
0x54: {  	[tilespmem:s19], [sflag:$0x2] =	stream.linear.gather [hbm4b:s30+s3], $0x4000, $0x38;
	[tilespmem:$0x1BD00] =	vst v63  }
0x55: {  	s31 =	sadd.s32 s31, s14;
	s30 =	sadd.s32 $0x1000, s30  }
0x56: {  	[tilespmem:s20], [sflag:$0x4] =	stream.linear.gather [hbm4b:s31+s3], $0x80, $0x38;
	[tilespmem:$0x1BD00] =	vst v63  }
0x57: {  	_ =	swait.ge [sflag:s21], $0x4000  }
0x58: {  	[sflag:s21] =	ssyncset.done $0x0  }
0x59: {  	[sflag:s21] =	ssyncadd.s32 $0xFFFFC000  }
0x5a: {  	_ =	swait.ge [sflag:s22], $0x80  }
0x5b: {  	[sflag:s22] =	ssyncset.done $0x0  }
0x5c: {  	[sflag:s22] =	ssyncadd.s32 $0xFFFFFF80  }
0x5d: {  	[spmem:s2] =	stream.indirect.scatter.add.f32 [tilespmem:s3], [sflag:$0x6], $0x80, s18, s23, $0xb8;
	[tilespmem:$0x1BD00] =	vst v63  }
0x5e: {  	_ =	swait.ge [sflag:s24], $0x4000  }
0x5f: {  	[sflag:s24] =	ssyncset.done $0x0  }
0x60: {  	[sflag:s24] =	ssyncadd.s32 $0xFFFFC000  }
0x61: {  	_ =	swait.ge [sflag:s25], $0x4000  }
0x62: {  	[sflag:s25] =	ssyncset.done $0x0  }
0x63: {  	[sflag:s25] =	ssyncadd.s32 $0xFFFFC000  }
0x64: {  	_ =	swait.ge [sflag:s26], $0x80  }
0x65: {  	[sflag:s26] =	ssyncset.done $0x0  }
0x66: {  	[sflag:s26] =	ssyncadd.s32 $0xFFFFFF80  }
0x67: {  	[spmem:s2] =	stream.indirect.scatter.add.f32 [tilespmem:s19], [sflag:$0x6], $0x80, s20, s23, $0xb8;
	[tilespmem:$0x1BD00] =	vst v63  }
0x68: {  	_ =	swait.ge [sflag:s24], $0x4000  }
0x69: {  	s28 =	sadd.s32 $0x1, s28;
	[sflag:s24] =	ssyncset.done $0x0  }
0x6a: {  	p0 =	sne.s32 s28, s12;
	[sflag:s24] =	ssyncadd.s32 $0xFFFFC000  }
.Ltmp1:
0x6b: {  	s0 =	sor.u32 $0x1C06, s5;
	[bflag:$0x0] =	sbarrier.arrive $0xFFFF;
	(pc) =	sbr.rel @p0 .LBB2_1-.Ltmp1, $4  }
0x6c: {  	[hbm:s11], [sflag:s0] =	dma.local [spmem:s16], $0x2780  }
0x6d: {  	_ =	swait.ge [sflag:s24], $0x2780  }
0x6e: {  	[sflag:s24] =	ssyncset.done $0x0  }
0x6f: {  	[sflag:s24] =	ssyncadd.s32 $0xFFFFD880  }
0x70: {  	_ =	sfence.sel $0x180000  }
0x71: {  	[bflag:$0x0] =	sbarrier.arrive $0xFFFF  }
0x72: {  	_ =	strace $0x90000050  }
0x73: {  	[bflag:$0x2] =	sbarrier.arrive $0xFFFF  }
0x74: {  	p0 =	sne.s32 s1, $0x0;
	s0 =	rddreg [dreg:$0x2]  }
0x75: {  	s0 =	sadd.s32 @!p0 $0x100000, s0  }
0x76: {  	[sflag:s0] =	ssyncadd.tile.s32 @!p0 $0x1;
	_ =	shalt  }
.Lfunc_end2:
_tile_overlayer_lowered:
.L_overlay_start_2:
0x77: {  	(tag) =	ssettag $0x2  }
0x78: {  	s0 =	rddreg [dreg:$0x0];
	s2 =	stileid.u32  }
0x79: {  	s1 =	rddreg [dreg:$0x1];
	p0 =	sne.s32 s2, $0x0  }
0x7a: {  	s3 =	rddreg [dreg:$0x2];
	[bflag:$0x3] =	sbarrier.arrive $0xFFFF;
	s2 =	simm.s32 @!p0 $0x1C06  }
0x7b: {  	[timem:s3], [sflag:s2] =	dma.local @!p0 [hbm:s0], s1  }
0x7c: {  	s0 =	simm.s32 @!p0 $0x6  }
0x7d: {  	_ =	swait.ge @!p0 [sflag:s0], s1  }
0x7e: {  	s1 =	ssub.s32 @!p0 $0x0, s1;
	[sflag:s0] =	ssyncset.done @!p0 $0x0  }
0x7f: {  	[sflag:s0] =	ssyncadd.s32 @!p0 s1  }
0x80: {  	[bflag:$0x3] =	sbarrier.arrive $0xFFFF  }
0x81: {  	_ =	shalt  }

// kernel: kernel.27.cloned.1.call-start
scs
__scs_entry_jumppad:
0x0: {  	(pc) =	sbr.rel $0x88, $3  }
0x1: {  	(tag) =	ssettag $0x0;
	lr =	simm.s32 $0x1  }
0x2: {  	[smem:$0x3F4D] =	sst lr;
	_ =	strace $0xD0000000  }
0x3: {  	_ = 	snop  }
0x4: {  	_ = 	snop  }
0x5: {  	_ = 	snop  }
0x6: {  	_ = 	snop  }
0x7: {  	_ = 	snop  }
__scs_overlays_trampoline_lowered:
0x8: {  	[smem:$0x3F5C] =	sst s0  }
0x9: {  	[smem:$0x3F5D] =	sst s1  }
0xa: {  	[smem:$0x3F5E] =	sst s2  }
0xb: {  	[smem:$0x3F5F] =	sst s3  }
0xc: {  	[smem:$0x3F60] =	sst s4  }
0xd: {  	[smem:$0x3F61] =	sst s5  }
0xe: {  	[smem:$0x3F62] =	sst s6  }
0xf: {  	[smem:$0x3F63] =	sst s7  }
0x10: {  	[smem:$0x3F64] =	sst s8  }
0x11: {  	[smem:$0x3F65] =	sst s9;
	s0 =	simm.s32 @!p0 $0x0  }
0x12: {  	s1 =	sld [smem:$0x3F4B];
	s0 =	simm.s32 @p0 $0x1  }
0x13: {  	[smem:$0x3F66] =	sst s0;
	s0 =	simm.s32 @!p1 $0x0  }
0x14: {  	s2 =	sld [smem:$0x3F4A];
	s0 =	simm.s32 @p1 $0x1  }
0x15: {  	[smem:$0x3F67] =	sst s0;
	s0 =	simm.s32 @!p2 $0x0  }
0x16: {  	s3 =	sld [smem:$0x3FDB];
	s0 =	simm.s32 @p2 $0x1  }
0x17: {  	s4 =	simm.s32 $0x1BF5;
	[smem:$0x3F69] =	sst s0  }
0x18: {  	s0 =	sld [smem:$0x3F4C];
	_ =	swait.ge [sflag:s4], $0x0  }
0x19: {  	s7 =	sld [smem:$0x3F4D]  }
0x1a: {  	s8 =	sadd.s32 $0xFFFFE003, lr  }
0x1b: {  	s9 =	sadd.s32 $0xFFFFFEF7, lr;
	s5 =	simm.s32 $0xFFFFFFFF;
	p2 =	slt.u32 s8, $0xFFFFF086  }
0x1c: {  	p1 =	slt.u32 s9, $0xF7A;
	s5 =	simm.s32 @!p2 $0x0  }
0x1d: {  	s5 =	simm.s32 @p1 $0x1;
	p0 =	seq.s32 s7, s2  }
0x1e: {  	s7 =	smul.u32 @!p0 $0xF7A, s2;
	p2 =	seq.s32 @!p0 s5, $0x0  }
0x1f: {  	s9 =	smul.u32 $0xF7A, s1;
	s8 =	simm.s32 @!p0 $0x1BF5;
	p2 =	por !p2, p0  }
0x20: {  	[sflag:s8] =	ssyncset.s32 @!p0 $0xFFFFF086;
	s6 =	sadd.s32 @!p0 s3, s7;
	s7 =	simm.s32 @!p0 $0x108  }
0x21: {  	s3 =	sadd.s32 s3, s9;
	s6 =	sadd.s32 @!p0 $0x88, s6;
	s7 =	simm.s32 @p2 $0x1082  }
0x22: {  	[simem:s7], [sflag:s8] =	dma.local @!p0 [hbm:s6], $0xF7A  }
0x23: {  	s9 =	sor.u32 $0xD0000000, s2;
	s6 =	simm.s32 $0x108;
	_ =	swait.ge @!p0 [sflag:s8], $0x0  }
0x24: {  	s3 =	sadd.s32 $0x88, s3;
	s6 =	simm.s32 @!p1 $0x1082;
	[sflag:s4] =	ssyncset.s32 $0xFFFFF086  }
0x25: {  	[simem:s6], [sflag:s4] =	dma.local [hbm:s3], $0xF7A  }
0x26: {  	[smem:$0x3F4D] =	sst s1;
	(tag) =	ssettag s2;
	_ =	strace s9  }
0x27: {  	s1 =	sld [smem:$0x3F5D]  }
0x28: {  	s2 =	sld [smem:$0x3F5E]  }
0x29: {  	s4 =	sld [smem:$0x3F60]  }
0x2a: {  	p0 =	seq.s32 s5, $0x0;
	s5 =	sld [smem:$0x3F61]  }
0x2b: {  	s6 =	sld [smem:$0x3F62]  }
0x2c: {  	s7 =	sld [smem:$0x3F63]  }
0x2d: {  	s3 =	simm.s32 $0x108;
	s8 =	sld [smem:$0x3F64]  }
0x2e: {  	s3 =	simm.s32 @!p0 $0x1082;
	s9 =	sld [smem:$0x3F65]  }
0x2f: {  	lr =	sadd.s32 s0, s3;
	s0 =	sld [smem:$0x3F5C]  }
0x30: {  	s3 =	sld [smem:$0x3F5F]  }
0x31: {  	[smem:$0x3F68] =	sst s10  }
0x32: {  	s10 =	sld [smem:$0x3F66];
	_ =	sdelay $0x3  }
0x33: {  	p0 =	seq.s32 s10, $0x1;
	s10 =	sld [smem:$0x3F68];
	_ =	sdelay $0x3  }
0x34: {  	[smem:$0x3F68] =	sst s10  }
0x35: {  	s10 =	sld [smem:$0x3F67];
	_ =	sdelay $0x3  }
0x36: {  	p1 =	seq.s32 s10, $0x1;
	s10 =	sld [smem:$0x3F68];
	_ =	sdelay $0x3  }
0x37: {  	[smem:$0x3F68] =	sst s10  }
0x38: {  	s10 =	sld [smem:$0x3F69]  }
0x39: {  	_ = 	snop;
	(pc) =	sbr.ind lr, $3  }
0x3a: {  	_ = 	snop  }
0x3b: {  	_ = 	snop  }
0x3c: {  	p2 =	seq.s32 s10, $0x1;
	s10 =	sld [smem:$0x3F68]  }
0x3d: {  	_ =	shalt  }
0x3e: {  	_ =	shalt  }
0x3f: {  	_ =	shalt  }
0x40: {  	_ =	shalt  }
0x41: {  	_ =	shalt  }
0x42: {  	_ =	shalt  }
0x43: {  	_ =	shalt  }
0x44: {  	_ =	shalt  }
0x45: {  	_ =	shalt  }
0x46: {  	_ =	shalt  }
0x47: {  	_ =	shalt  }
0x48: {  	_ =	shalt  }
0x49: {  	_ =	shalt  }
0x4a: {  	_ =	shalt  }
0x4b: {  	_ =	shalt  }
0x4c: {  	_ =	shalt  }
0x4d: {  	_ =	shalt  }
0x4e: {  	_ =	shalt  }
0x4f: {  	_ =	shalt  }
0x50: {  	_ =	shalt  }
0x51: {  	_ =	shalt  }
0x52: {  	_ =	shalt  }
0x53: {  	_ =	shalt  }
0x54: {  	_ =	shalt  }
0x55: {  	_ =	shalt  }
0x56: {  	_ =	shalt  }
0x57: {  	_ =	shalt  }
0x58: {  	_ =	shalt  }
0x59: {  	_ =	shalt  }
0x5a: {  	_ =	shalt  }
0x5b: {  	_ =	shalt  }
0x5c: {  	_ =	shalt  }
0x5d: {  	_ =	shalt  }
0x5e: {  	_ =	shalt  }
0x5f: {  	_ =	shalt  }
0x60: {  	_ =	shalt  }
0x61: {  	_ =	shalt  }
0x62: {  	_ =	shalt  }
0x63: {  	_ =	shalt  }
0x64: {  	_ =	shalt  }
0x65: {  	_ =	shalt  }
0x66: {  	_ =	shalt  }
0x67: {  	_ =	shalt  }
0x68: {  	_ =	shalt  }
0x69: {  	_ =	shalt  }
0x6a: {  	_ =	shalt  }
0x6b: {  	_ =	shalt  }
0x6c: {  	_ =	shalt  }
0x6d: {  	_ =	shalt  }
0x6e: {  	_ =	shalt  }
0x6f: {  	_ =	shalt  }
0x70: {  	_ =	shalt  }
0x71: {  	_ =	shalt  }
0x72: {  	_ =	shalt  }
0x73: {  	_ =	shalt  }
0x74: {  	_ =	shalt  }
0x75: {  	_ =	shalt  }
0x76: {  	_ =	shalt  }
0x77: {  	_ =	shalt  }
0x78: {  	_ =	shalt  }
0x79: {  	_ =	shalt  }
0x7a: {  	_ =	shalt  }
0x7b: {  	_ =	shalt  }
0x7c: {  	_ =	shalt  }
0x7d: {  	_ =	shalt  }
0x7e: {  	_ =	shalt  }
0x7f: {  	_ =	shalt  }
0x80: {  	_ =	shalt  }
0x81: {  	_ =	shalt  }
0x82: {  	_ =	shalt  }
0x83: {  	_ =	shalt  }
0x84: {  	_ =	shalt  }
0x85: {  	_ =	shalt  }
0x86: {  	_ =	shalt  }
0x87: {  	_ =	shalt  }
.Lfunc_end0:
.L_simem_size_0:
called_computation.4_lowered:
.L_overlay_start_0:
0x88: {  	s2 =	sld [smem:$0x3FD9]  }
0x89: {  	s3 =	sld [smem:$0x3FFE];
	_ =	sdelay $0x1  }
0x8a: {  	s1 =	srdreg.scid  }
0x8b: {  	s0 =	sand.u32 $0x1, s1  }
0x8c: {  	s16 =	sshll.u32 s0, $0xA;
	s2 =	sadd.s32 s3, s2  }
0x8d: {  	s2 =	sadd.s32 s2, s16  }
0x8e: {  	[smem:$0x3F74] =	sst s2  }
0x8f: {  	_ = 	snop  }
0x90: {  	(tm) =	ssettm $0x1  }
0x91: {  	s17 =	sld [smem:$0x3FFB];
	_ =	sdelay $0x3  }
0x92: {  	_ =	strace s17  }
0x93: {  	s2 =	sld [smem:$0x3FFC];
	_ =	sdelay $0x3  }
0x94: {  	_ =	strace s2  }
0x95: {  	s2 =	sld [smem:$0x3FFD];
	_ =	sdelay $0x3  }
0x96: {  	_ =	strace s2  }
0x97: {  	_ =	strace $0x8FFFFFFF  }
0x98: {  	s18 =	sld [smem:$0x3FDB];
	_ =	sdelay $0x1  }
0x99: {  	s19 =	simm.s32 $_scs_section_size  }
0x9a: {  	s4 =	simm.s32 $_size__tile_overlayer_lowered;
	s5 =	simm.s32 $_tile_overlayer_lowered  }
0x9b: {  	s22 =	simm.s32 $0x1BFF;
	s21 =	sshll.u32 s5, $0x1;
	s2 =	sadd.s32 s19, s18  }
0x9c: {  	s6 =	simm.s32 $0x0;
	s20 =	sshll.u32 s4, $0x1;
	s4 =	sadd.s32 s21, s2  }
0x9d: {  	[timem:s6], [sflag:s22] =	dma.local [hbm:s4], s20  }
0x9e: {  	_ =	swait.ge [sflag:s22], s20  }
0x9f: {  	s3 =	ssub.s32 $0x0, s20;
	[sflag:s22] =	ssyncset.done $0x0  }
0xa0: {  	[sflag:s22] =	ssyncadd.s32 s3;
	_ =	sdelay $0x1  }
0xa1: {  	s23 =	simm.s32 $0x1B8B  }
0xa2: {  	_ =	swait.ge [sflag:s23], $0x1  }
0xa3: {  	[sflag:s23] =	ssyncset.done $0x0  }
0xa4: {  	s25 =	simm.s32 $0x1B8E;
	s24 =	sld [smem:$0x3FFE];
	[sflag:s23] =	ssyncadd.s32 $0xFFFFFFFF  }
0xa5: {  	s26 =	simm.s32 $execute0_lowered;
	[smem:$0x3FD2] =	sst s25  }
0xa6: {  	s4 =	sshll.u32 s26, $0x1;
	_ =	strace $0x80000052;
	[dreg:$0x1] =	wrdreg $0xFFFFFFFF  }
0xa7: {  	s28 =	simm.s32 $_size_execute0_lowered;
	s2 =	sadd.s32 s2, s4;
	[dreg:$0x0] =	wrdreg $0x0  }
0xa8: {  	s4 =	sshll.u32 s28, $0x1;
	[dreg:$0x2] =	wrdreg s2  }
0xa9: {  	[dreg:$0x3] =	wrdreg s4  }
0xaa: {  	[dreg:$0x4] =	wrdreg $0xC0  }
0xab: {  	_ =	task [dreg:s6], $0x5FFFF  }
0xac: {  	[dreg:$0x1] =	wrdreg $0xFFFFFFFF  }
0xad: {  	[dreg:$0x0] =	wrdreg $0x60  }
0xae: {  	[dreg:$0x2] =	wrdreg s24  }
0xaf: {  	[dreg:$0x3] =	wrdreg $0x9  }
0xb0: {  	_ =	task.clear_ibuf [dreg:s6], $0x4FFFF;
	_ =	strace $0x90000052  }
0xb1: {  	s29 =	simm.s32 $0x9;
	_ =	strace $0x80000054  }
0xb2: {  	_ =	swait.ge [sflag:s29], $0x1  }
0xb3: {  	[sflag:s29] =	ssyncadd.s32 $0xFFFFFFFF  }
0xb4: {  	_ =	strace $0x90000054  }
0xb5: {  	_ =	sfence  }
0xb6: {  	s30 =	sld [smem:$0x0];
	_ =	sdelay $0x2  }
0xb7: {  	s31 =	sshll.u32 s1, $0xD;
	s1 =	sshrl.u32 s1, $0x2  }
0xb8: {  	s3 =	sand.u32 $0x4000, s31;
	s1 =	sadd.s32 s1, s30  }
0xb9: {  	s0 =	sor.u32 s3, s0;
	s1 =	sshll.u32 s1, $0x11  }
0xba: {  	s0 =	sor.u32 s1, s0  }
0xbb: {  	s0 =	sadd.s32 $0x8F2B, s0  }
0xbc: {  	[sflag:s0] =	ssyncadd.remote.s32 $0x1  }
0xbd: {  	_ =	sfence.sel $0xFFFF  }
0xbe: {  	[dreg:$0x0] =	wrdreg $0xFFFFFFFF;
	(pc) =	sbr.abs _section_cstart, $3  }
0xbf: {  	[dreg:$0x1] =	wrdreg $0xFFFFFFFF  }
0xc0: {  	_ =	task.clear_ibuf [dreg:s6], $0x2FFFF;
	_ =	strace $0x9FFFFFFF  }
0xc1: {  	(tm) =	ssettm $0x7FFFFFFF  }
tec
execute0_lowered:
.L_overlay_start_1:
0x0: {  	(tag) =	ssettag $0x1  }
0x1: {  	s1 =	srdreg.scid;
	s0 =	stileid.u32  }
0x2: {  	s4 =	rddreg [dreg:$0x0];
	s22 =	smul.u32 $0x280000, s0  }
0x3: {  	s2 =	simm.s32 $0x0;
	s12 =	sand.u32 $0x1, s1;
	s16 =	smul.u32 $0x5000, s0  }
0x4: {  	s3 =	sshll.u32 s0, $0x1;
	s1 =	rddreg [dreg:$0x1];
	s28 =	smul.u32 $0x50000, s0  }
0x5: {  	[smem:$0x7FF] =	sst s2;
	s14 =	sadd.s32 $0x16C00, s4;
	s24 =	smul.u32 $0x140000, s12  }
0x6: {  	s13 =	sadd.s32 $0x52AC00, s4;
	s6 =	sor.u32 s12, s3;
	s18 =	smul.u32 $0x2800, s12  }
0x7: {  	_ =	strace $0x80000053;
	s5 =	ssub.s32 $0x2, s12;
	s30 =	smul.u32 $0x28000, s12  }
0x8: {  	s3 =	sadd.s32 $0x47E00, s4;
	s7 =	smul.u32 $0x2800, s6;
	s9 =	sshrl.u32 s5, $0x1  }
0x9: {  	s20 =	smul.u32 $0x140000, s6;
	s19 =	ssub.s32 s5, s9;
	s17 =	sadd.s32 s24, s22  }
0xa: {  	s26 =	sadd.s32 s18, s16;
	s16 =	simm.s32 $0x8080;
	s18 =	simm.s32 $0x80  }
0xb: {  	s22 =	simm.s32 $0x4;
	s24 =	simm.s32 $0x0;
	s8 =	sshrl.u32 s7, $0x3  }
0xc: {  	s10 =	sor.u32 $0x100, s7;
	s11 =	sshll.u32 s7, $0x4;
	s15 =	sor.u32 $0x180, s7  }
0xd: {  	s6 =	smax.u32 s19, $0x1;
	s21 =	sshrl.u32 s20, $0x3;
	s25 =	sor.u32 $0x8000, s17  }
0xe: {  	s29 =	sor.u32 $0x280, s26;
	s17 =	simm.s32 $0x1;
	s19 =	simm.s32 $0x3  }
0xf: {  	s20 =	simm.s32 $0x2;
	s4 =	sadd.s32 s14, s8;
	s7 =	sadd.s32 s13, s21  }
0x10: {  	s23 =	sshrl.u32 s10, $0x3;
	s11 =	sadd.s32 s11, s13;
	s15 =	sshrl.u32 s15, $0x3  }
0x11: {  	s31 =	sshrl.u32 s29, $0x3;
	s21 =	simm.s32 $0x4000;
	s5 =	sadd.s32 $0x10, s4  }
.Ltmp0:
0x12: {  	s8 =	sadd.s32 s14, s23;
	s9 =	sadd.s32 $0x800, s11;
	(pc) =	sbr.rel .LBB2_1-.Ltmp0, $4  }
0x13: {  	s10 =	sadd.s32 s14, s15;
	s11 =	sshrl.u32 s25, $0x3;
	s15 =	sor.u32 $0x200, s26  }
0x14: {  	s12 =	sadd.s32 s31, s14;
	s11 =	sadd.s32 s11, s13;
	s13 =	sadd.s32 s28, s13  }
0x15: {  	s23 =	simm.s32 $0x5;
	s15 =	sshrl.u32 s15, $0x3;
	s13 =	sadd.s32 s30, s13  }
0x16: {  	s14 =	sadd.s32 s15, s14;
	s15 =	simm.s32 $0x8000;
	s13 =	sadd.s32 $0x1800, s13  }
.LBB2_4:
0x17: {  	s24 =	sadd.s32 $0x1, s24  }
0x18: {  	_ =	swait.ge [sflag:s22], $0x4000;
	p0 =	sne.s32 s24, s6  }
.Ltmp1:
0x19: {  	[sflag:s22] =	ssyncset.done $0x0;
	(pc) =	sbr.rel @!p0 .LBB2_5-.Ltmp1, $4  }
0x1a: {  	[sflag:s22] =	ssyncadd.s32 $0xFFFFC000  }
0x1b: {  	_ =	swait.ge [sflag:s23], $0x4000  }
0x1c: {  	[sflag:s23] =	ssyncset.done $0x0  }
0x1d: {  	[sflag:s23] =	ssyncadd.s32 $0xFFFFC000  }
.LBB2_1:
0x1e: {  	[tilespmem:s15], [sflag:$0x1] =	stream.linear.gather [hbm4b:s4+s2], $0x80, $0x38;
	[tilespmem:$0x8100] =	vst v63  }
0x1f: {  	_ = 	snop  }
0x20: {  	[tilespmem:s16], [sflag:$0x2] =	stream.linear.gather [hbm4b:s5+s2], $0x80, $0x38;
	[tilespmem:$0x8100] =	vst v63  }
0x21: {  	_ =	swait.ge [sflag:s17], $0x80  }
0x22: {  	[sflag:s17] =	ssyncset.done $0x0  }
0x23: {  	[sflag:s17] =	ssyncadd.s32 $0xFFFFFF80  }
0x24: {  	[tilespmem:s2], [sflag:$0x3] =	stream.indirect.gather [hbm4b:s3+s18], $0x80, s15, s18, $0xb8;
	[tilespmem:$0x8100] =	vst v63  }
0x25: {  	_ =	swait.ge [sflag:s19], $0x4000  }
0x26: {  	[sflag:s19] =	ssyncset.done $0x0  }
0x27: {  	[sflag:s19] =	ssyncadd.s32 $0xFFFFC000  }
0x28: {  	[hbm4b:s7+s2] =	stream.linear.scatter [tilespmem:s2], [sflag:$0x4], $0x4000, $0x38;
	[tilespmem:$0x8100] =	vst v63  }
0x29: {  	_ = 	snop  }
0x2a: {  	[tilespmem:s15], [sflag:$0x1] =	stream.linear.gather [hbm4b:s8+s2], $0x80, $0x38;
	[tilespmem:$0x8100] =	vst v63  }
0x2b: {  	_ =	swait.ge [sflag:s20], $0x80  }
0x2c: {  	[sflag:s20] =	ssyncset.done $0x0  }
0x2d: {  	[sflag:s20] =	ssyncadd.s32 $0xFFFFFF80  }
0x2e: {  	[tilespmem:s21], [sflag:$0x3] =	stream.indirect.gather [hbm4b:s3+s18], $0x80, s16, s18, $0xb8;
	[tilespmem:$0x8100] =	vst v63  }
0x2f: {  	_ =	swait.ge [sflag:s19], $0x4000  }
0x30: {  	[sflag:s19] =	ssyncset.done $0x0  }
0x31: {  	[sflag:s19] =	ssyncadd.s32 $0xFFFFC000  }
0x32: {  	[hbm4b:s9+s2] =	stream.linear.scatter [tilespmem:s21], [sflag:$0x5], $0x4000, $0x38;
	[tilespmem:$0x8100] =	vst v63  }
0x33: {  	s25 =	smov.u32 s13;
	s26 =	simm.s32 $0x0;
	s28 =	smov.u32 s11  }
0x34: {  	[tilespmem:s16], [sflag:$0x2] =	stream.linear.gather [hbm4b:s10+s2], $0x80, $0x38;
	[tilespmem:$0x8100] =	vst v63  }
.LBB2_2:
0x35: {  	_ =	swait.ge [sflag:s17], $0x80  }
0x36: {  	[sflag:s17] =	ssyncset.done $0x0  }
0x37: {  	[sflag:s17] =	ssyncadd.s32 $0xFFFFFF80  }
0x38: {  	_ =	swait.ge [sflag:s22], $0x4000  }
0x39: {  	[sflag:s22] =	ssyncset.done $0x0  }
0x3a: {  	[sflag:s22] =	ssyncadd.s32 $0xFFFFC000  }
0x3b: {  	[tilespmem:s2], [sflag:$0x3] =	stream.indirect.gather [hbm4b:s3+s18], $0x80, s15, s18, $0xb8;
	[tilespmem:$0x8100] =	vst v63  }
0x3c: {  	_ =	swait.ge [sflag:s19], $0x4000  }
0x3d: {  	[sflag:s19] =	ssyncset.done $0x0  }
0x3e: {  	p0 =	seq.s32 s26, $0x4C0;
	[sflag:s19] =	ssyncadd.s32 $0xFFFFC000  }
0x3f: {  	[hbm4b:s28+s2] =	stream.linear.scatter [tilespmem:s2], [sflag:$0x4], $0x4000, $0x38;
	[tilespmem:$0x8100] =	vst v63  }
0x40: {  	s29 =	sadd.s32 @!p0 s26, s14;
	s30 =	simm.s32 @!p0 $0x0;
	s31 =	simm.s32 @!p0 $0x8000  }
0x41: {  	[tilespmem:s31], [sflag:$0x1] =	stream.linear.gather @!p0 [hbm4b:s29+s30], $0x80, $0x38;
	[tilespmem:$0x8100] =	vst v63  }
0x42: {  	_ =	swait.ge [sflag:s20], $0x80  }
0x43: {  	[sflag:s20] =	ssyncset.done $0x0  }
0x44: {  	[sflag:s20] =	ssyncadd.s32 $0xFFFFFF80  }
0x45: {  	_ =	swait.ge [sflag:s23], $0x4000  }
0x46: {  	[sflag:s23] =	ssyncset.done $0x0  }
0x47: {  	[sflag:s23] =	ssyncadd.s32 $0xFFFFC000  }
0x48: {  	[tilespmem:s21], [sflag:$0x3] =	stream.indirect.gather [hbm4b:s3+s18], $0x80, s16, s18, $0xb8;
	[tilespmem:$0x8100] =	vst v63  }
.Ltmp2:
0x49: {  	_ = 	snop;
	(pc) =	sbr.rel @p0 .LBB2_4-.Ltmp2, $4  }
0x4a: {  	_ =	swait.ge [sflag:s19], $0x4000  }
0x4b: {  	[sflag:s19] =	ssyncset.done $0x0  }
0x4c: {  	[sflag:s19] =	ssyncadd.s32 $0xFFFFC000  }
0x4d: {  	[hbm4b:s25+s2] =	stream.linear.scatter [tilespmem:s21], [sflag:$0x5], $0x4000, $0x38;
	[tilespmem:$0x8100] =	vst v63  }
.Ltmp3:
0x4e: {  	(pc) =	sbr.rel .LBB2_2-.Ltmp3, $4  }
0x4f: {  	_ = 	snop  }
0x50: {  	s29 =	sadd.s32 s26, s12  }
0x51: {  	s28 =	sadd.s32 $0x1000, s28;
	s26 =	sadd.s32 $0x20, s26;
	s25 =	sadd.s32 $0x1000, s25  }
0x52: {  	[tilespmem:s16], [sflag:$0x2] =	stream.linear.gather [hbm4b:s29+s2], $0x80, $0x38;
	[tilespmem:$0x8100] =	vst v63  }
.LBB2_5:
0x53: {  	_ =	sfence.sel $0x180000  }
0x54: {  	[bflag:$0x0] =	sbarrier.arrive $0xFFFF  }
0x55: {  	p0 =	sne.s32 s0, $0x0;
	_ =	strace $0x90000053  }
0x56: {  	s0 =	sadd.s32 @!p0 $0x100000, s1;
	[bflag:$0x2] =	sbarrier.arrive $0xFFFF  }
0x57: {  	[sflag:s0] =	ssyncadd.tile.s32 @!p0 $0x1;
	_ =	shalt  }
.Lfunc_end2:
_tile_overlayer_lowered:
.L_overlay_start_2:
0x58: {  	(tag) =	ssettag $0x2  }
0x59: {  	s0 =	rddreg [dreg:$0x0];
	s2 =	stileid.u32  }
0x5a: {  	s1 =	rddreg [dreg:$0x1];
	p0 =	sne.s32 s2, $0x0  }
0x5b: {  	s3 =	rddreg [dreg:$0x2];
	[bflag:$0x3] =	sbarrier.arrive $0xFFFF;
	s2 =	simm.s32 @!p0 $0x1C06  }
0x5c: {  	[timem:s3], [sflag:s2] =	dma.local @!p0 [hbm:s0], s1  }
0x5d: {  	s0 =	simm.s32 @!p0 $0x6  }
0x5e: {  	_ =	swait.ge @!p0 [sflag:s0], s1  }
0x5f: {  	s1 =	ssub.s32 @!p0 $0x0, s1;
	[sflag:s0] =	ssyncset.done @!p0 $0x0  }
0x60: {  	[sflag:s0] =	ssyncadd.s32 @!p0 s1  }
0x61: {  	[bflag:$0x3] =	sbarrier.arrive $0xFFFF  }
0x62: {  	_ =	shalt  }

// kernel: kernel.30.cloned.1.call-start
scs
__scs_entry_jumppad:
0x0: {  	(pc) =	sbr.rel $0x88, $3  }
0x1: {  	(tag) =	ssettag $0x0;
	lr =	simm.s32 $0x1  }
0x2: {  	[smem:$0x3F4D] =	sst lr;
	_ =	strace $0xD0000000  }
0x3: {  	_ = 	snop  }
0x4: {  	_ = 	snop  }
0x5: {  	_ = 	snop  }
0x6: {  	_ = 	snop  }
0x7: {  	_ = 	snop  }
__scs_overlays_trampoline_lowered:
0x8: {  	[smem:$0x3F5C] =	sst s0  }
0x9: {  	[smem:$0x3F5D] =	sst s1  }
0xa: {  	[smem:$0x3F5E] =	sst s2  }
0xb: {  	[smem:$0x3F5F] =	sst s3  }
0xc: {  	[smem:$0x3F60] =	sst s4  }
0xd: {  	[smem:$0x3F61] =	sst s5  }
0xe: {  	[smem:$0x3F62] =	sst s6  }
0xf: {  	[smem:$0x3F63] =	sst s7  }
0x10: {  	[smem:$0x3F64] =	sst s8  }
0x11: {  	[smem:$0x3F65] =	sst s9;
	s0 =	simm.s32 @!p0 $0x0  }
0x12: {  	s1 =	sld [smem:$0x3F4B];
	s0 =	simm.s32 @p0 $0x1  }
0x13: {  	[smem:$0x3F66] =	sst s0;
	s0 =	simm.s32 @!p1 $0x0  }
0x14: {  	s2 =	sld [smem:$0x3F4A];
	s0 =	simm.s32 @p1 $0x1  }
0x15: {  	[smem:$0x3F67] =	sst s0;
	s0 =	simm.s32 @!p2 $0x0  }
0x16: {  	s3 =	sld [smem:$0x3FDB];
	s0 =	simm.s32 @p2 $0x1  }
0x17: {  	s4 =	simm.s32 $0x1BF5;
	[smem:$0x3F69] =	sst s0  }
0x18: {  	s0 =	sld [smem:$0x3F4C];
	_ =	swait.ge [sflag:s4], $0x0  }
0x19: {  	s7 =	sld [smem:$0x3F4D]  }
0x1a: {  	s8 =	sadd.s32 $0xFFFFE003, lr  }
0x1b: {  	s9 =	sadd.s32 $0xFFFFFEF7, lr;
	s5 =	simm.s32 $0xFFFFFFFF;
	p2 =	slt.u32 s8, $0xFFFFF086  }
0x1c: {  	p1 =	slt.u32 s9, $0xF7A;
	s5 =	simm.s32 @!p2 $0x0  }
0x1d: {  	s5 =	simm.s32 @p1 $0x1;
	p0 =	seq.s32 s7, s2  }
0x1e: {  	s7 =	smul.u32 @!p0 $0xF7A, s2;
	p2 =	seq.s32 @!p0 s5, $0x0  }
0x1f: {  	s9 =	smul.u32 $0xF7A, s1;
	s8 =	simm.s32 @!p0 $0x1BF5;
	p2 =	por !p2, p0  }
0x20: {  	[sflag:s8] =	ssyncset.s32 @!p0 $0xFFFFF086;
	s6 =	sadd.s32 @!p0 s3, s7;
	s7 =	simm.s32 @!p0 $0x108  }
0x21: {  	s3 =	sadd.s32 s3, s9;
	s6 =	sadd.s32 @!p0 $0x88, s6;
	s7 =	simm.s32 @p2 $0x1082  }
0x22: {  	[simem:s7], [sflag:s8] =	dma.local @!p0 [hbm:s6], $0xF7A  }
0x23: {  	s9 =	sor.u32 $0xD0000000, s2;
	s6 =	simm.s32 $0x108;
	_ =	swait.ge @!p0 [sflag:s8], $0x0  }
0x24: {  	s3 =	sadd.s32 $0x88, s3;
	s6 =	simm.s32 @!p1 $0x1082;
	[sflag:s4] =	ssyncset.s32 $0xFFFFF086  }
0x25: {  	[simem:s6], [sflag:s4] =	dma.local [hbm:s3], $0xF7A  }
0x26: {  	[smem:$0x3F4D] =	sst s1;
	(tag) =	ssettag s2;
	_ =	strace s9  }
0x27: {  	s1 =	sld [smem:$0x3F5D]  }
0x28: {  	s2 =	sld [smem:$0x3F5E]  }
0x29: {  	s4 =	sld [smem:$0x3F60]  }
0x2a: {  	p0 =	seq.s32 s5, $0x0;
	s5 =	sld [smem:$0x3F61]  }
0x2b: {  	s6 =	sld [smem:$0x3F62]  }
0x2c: {  	s7 =	sld [smem:$0x3F63]  }
0x2d: {  	s3 =	simm.s32 $0x108;
	s8 =	sld [smem:$0x3F64]  }
0x2e: {  	s3 =	simm.s32 @!p0 $0x1082;
	s9 =	sld [smem:$0x3F65]  }
0x2f: {  	lr =	sadd.s32 s0, s3;
	s0 =	sld [smem:$0x3F5C]  }
0x30: {  	s3 =	sld [smem:$0x3F5F]  }
0x31: {  	[smem:$0x3F68] =	sst s10  }
0x32: {  	s10 =	sld [smem:$0x3F66];
	_ =	sdelay $0x3  }
0x33: {  	p0 =	seq.s32 s10, $0x1;
	s10 =	sld [smem:$0x3F68];
	_ =	sdelay $0x3  }
0x34: {  	[smem:$0x3F68] =	sst s10  }
0x35: {  	s10 =	sld [smem:$0x3F67];
	_ =	sdelay $0x3  }
0x36: {  	p1 =	seq.s32 s10, $0x1;
	s10 =	sld [smem:$0x3F68];
	_ =	sdelay $0x3  }
0x37: {  	[smem:$0x3F68] =	sst s10  }
0x38: {  	s10 =	sld [smem:$0x3F69]  }
0x39: {  	_ = 	snop;
	(pc) =	sbr.ind lr, $3  }
0x3a: {  	_ = 	snop  }
0x3b: {  	_ = 	snop  }
0x3c: {  	p2 =	seq.s32 s10, $0x1;
	s10 =	sld [smem:$0x3F68]  }
0x3d: {  	_ =	shalt  }
0x3e: {  	_ =	shalt  }
0x3f: {  	_ =	shalt  }
0x40: {  	_ =	shalt  }
0x41: {  	_ =	shalt  }
0x42: {  	_ =	shalt  }
0x43: {  	_ =	shalt  }
0x44: {  	_ =	shalt  }
0x45: {  	_ =	shalt  }
0x46: {  	_ =	shalt  }
0x47: {  	_ =	shalt  }
0x48: {  	_ =	shalt  }
0x49: {  	_ =	shalt  }
0x4a: {  	_ =	shalt  }
0x4b: {  	_ =	shalt  }
0x4c: {  	_ =	shalt  }
0x4d: {  	_ =	shalt  }
0x4e: {  	_ =	shalt  }
0x4f: {  	_ =	shalt  }
0x50: {  	_ =	shalt  }
0x51: {  	_ =	shalt  }
0x52: {  	_ =	shalt  }
0x53: {  	_ =	shalt  }
0x54: {  	_ =	shalt  }
0x55: {  	_ =	shalt  }
0x56: {  	_ =	shalt  }
0x57: {  	_ =	shalt  }
0x58: {  	_ =	shalt  }
0x59: {  	_ =	shalt  }
0x5a: {  	_ =	shalt  }
0x5b: {  	_ =	shalt  }
0x5c: {  	_ =	shalt  }
0x5d: {  	_ =	shalt  }
0x5e: {  	_ =	shalt  }
0x5f: {  	_ =	shalt  }
0x60: {  	_ =	shalt  }
0x61: {  	_ =	shalt  }
0x62: {  	_ =	shalt  }
0x63: {  	_ =	shalt  }
0x64: {  	_ =	shalt  }
0x65: {  	_ =	shalt  }
0x66: {  	_ =	shalt  }
0x67: {  	_ =	shalt  }
0x68: {  	_ =	shalt  }
0x69: {  	_ =	shalt  }
0x6a: {  	_ =	shalt  }
0x6b: {  	_ =	shalt  }
0x6c: {  	_ =	shalt  }
0x6d: {  	_ =	shalt  }
0x6e: {  	_ =	shalt  }
0x6f: {  	_ =	shalt  }
0x70: {  	_ =	shalt  }
0x71: {  	_ =	shalt  }
0x72: {  	_ =	shalt  }
0x73: {  	_ =	shalt  }
0x74: {  	_ =	shalt  }
0x75: {  	_ =	shalt  }
0x76: {  	_ =	shalt  }
0x77: {  	_ =	shalt  }
0x78: {  	_ =	shalt  }
0x79: {  	_ =	shalt  }
0x7a: {  	_ =	shalt  }
0x7b: {  	_ =	shalt  }
0x7c: {  	_ =	shalt  }
0x7d: {  	_ =	shalt  }
0x7e: {  	_ =	shalt  }
0x7f: {  	_ =	shalt  }
0x80: {  	_ =	shalt  }
0x81: {  	_ =	shalt  }
0x82: {  	_ =	shalt  }
0x83: {  	_ =	shalt  }
0x84: {  	_ =	shalt  }
0x85: {  	_ =	shalt  }
0x86: {  	_ =	shalt  }
0x87: {  	_ =	shalt  }
.Lfunc_end0:
.L_simem_size_0:
called_computation.5_lowered:
.L_overlay_start_0:
0x88: {  	s2 =	sld [smem:$0x3FD9]  }
0x89: {  	s3 =	sld [smem:$0x3FFE];
	_ =	sdelay $0x1  }
0x8a: {  	s1 =	srdreg.scid  }
0x8b: {  	s0 =	sand.u32 $0x1, s1  }
0x8c: {  	s16 =	sshll.u32 s0, $0xA;
	s2 =	sadd.s32 s3, s2  }
0x8d: {  	s2 =	sadd.s32 s2, s16  }
0x8e: {  	[smem:$0x3F74] =	sst s2  }
0x8f: {  	_ = 	snop  }
0x90: {  	(tm) =	ssettm $0x1  }
0x91: {  	s17 =	sld [smem:$0x3FFB];
	_ =	sdelay $0x3  }
0x92: {  	_ =	strace s17  }
0x93: {  	s2 =	sld [smem:$0x3FFC];
	_ =	sdelay $0x3  }
0x94: {  	_ =	strace s2  }
0x95: {  	s2 =	sld [smem:$0x3FFD];
	_ =	sdelay $0x3  }
0x96: {  	_ =	strace s2  }
0x97: {  	_ =	strace $0x8FFFFFFF  }
0x98: {  	s18 =	sld [smem:$0x3FDB];
	_ =	sdelay $0x1  }
0x99: {  	s19 =	simm.s32 $_scs_section_size  }
0x9a: {  	s4 =	simm.s32 $_size__tile_overlayer_lowered;
	s5 =	simm.s32 $_tile_overlayer_lowered  }
0x9b: {  	s22 =	simm.s32 $0x1BFF;
	s21 =	sshll.u32 s5, $0x1;
	s2 =	sadd.s32 s19, s18  }
0x9c: {  	s6 =	simm.s32 $0x0;
	s20 =	sshll.u32 s4, $0x1;
	s4 =	sadd.s32 s21, s2  }
0x9d: {  	[timem:s6], [sflag:s22] =	dma.local [hbm:s4], s20  }
0x9e: {  	_ =	swait.ge [sflag:s22], s20  }
0x9f: {  	s3 =	ssub.s32 $0x0, s20;
	[sflag:s22] =	ssyncset.done $0x0  }
0xa0: {  	[sflag:s22] =	ssyncadd.s32 s3;
	_ =	sdelay $0x1  }
0xa1: {  	s23 =	simm.s32 $0x1B8B  }
0xa2: {  	_ =	swait.ge [sflag:s23], $0x1  }
0xa3: {  	[sflag:s23] =	ssyncset.done $0x0  }
0xa4: {  	s25 =	simm.s32 $0x1B8E;
	s24 =	sld [smem:$0x3FFE];
	[sflag:s23] =	ssyncadd.s32 $0xFFFFFFFF  }
0xa5: {  	s26 =	simm.s32 $execute0_lowered;
	[smem:$0x3FD2] =	sst s25  }
0xa6: {  	s4 =	sshll.u32 s26, $0x1;
	_ =	strace $0x80000055;
	[dreg:$0x1] =	wrdreg $0xFFFFFFFF  }
0xa7: {  	s28 =	simm.s32 $_size_execute0_lowered;
	s2 =	sadd.s32 s2, s4;
	[dreg:$0x0] =	wrdreg $0x0  }
0xa8: {  	s4 =	sshll.u32 s28, $0x1;
	[dreg:$0x2] =	wrdreg s2  }
0xa9: {  	[dreg:$0x3] =	wrdreg s4  }
0xaa: {  	[dreg:$0x4] =	wrdreg $0xC0  }
0xab: {  	_ =	task [dreg:s6], $0x5FFFF  }
0xac: {  	[dreg:$0x1] =	wrdreg $0xFFFFFFFF  }
0xad: {  	[dreg:$0x0] =	wrdreg $0x60  }
0xae: {  	[dreg:$0x2] =	wrdreg s24  }
0xaf: {  	[dreg:$0x3] =	wrdreg $0x81000  }
0xb0: {  	[dreg:$0x4] =	wrdreg $0x9  }
0xb1: {  	_ =	task.clear_ibuf [dreg:s6], $0x5FFFF;
	_ =	strace $0x90000055  }
0xb2: {  	s29 =	simm.s32 $0x9;
	_ =	strace $0x80000057  }
0xb3: {  	_ =	swait.ge [sflag:s29], $0x1  }
0xb4: {  	[sflag:s29] =	ssyncadd.s32 $0xFFFFFFFF  }
0xb5: {  	_ =	strace $0x90000057  }
0xb6: {  	_ =	sfence  }
0xb7: {  	s30 =	sld [smem:$0x0];
	_ =	sdelay $0x2  }
0xb8: {  	s31 =	sshll.u32 s1, $0xD;
	s1 =	sshrl.u32 s1, $0x2  }
0xb9: {  	s3 =	sand.u32 $0x4000, s31;
	s1 =	sadd.s32 s1, s30  }
0xba: {  	s0 =	sor.u32 s3, s0;
	s1 =	sshll.u32 s1, $0x11  }
0xbb: {  	s0 =	sor.u32 s1, s0  }
0xbc: {  	s0 =	sadd.s32 $0x8F2B, s0  }
0xbd: {  	[sflag:s0] =	ssyncadd.remote.s32 $0x1  }
0xbe: {  	_ =	sfence.sel $0xFFFF  }
0xbf: {  	[dreg:$0x0] =	wrdreg $0xFFFFFFFF;
	(pc) =	sbr.abs _section_cstart, $3  }
0xc0: {  	[dreg:$0x1] =	wrdreg $0xFFFFFFFF  }
0xc1: {  	_ =	task.clear_ibuf [dreg:s6], $0x2FFFF;
	_ =	strace $0x9FFFFFFF  }
0xc2: {  	(tm) =	ssettm $0x7FFFFFFF  }
0xc3: {  	_ =	shalt  }
tec
execute0_lowered:
.L_overlay_start_1:
0x0: {  	(tag) =	ssettag $0x1  }
0x1: {  	s5 =	rddreg [dreg:$0x0]  }
0x2: {  	s2 =	rddreg [dreg:$0x1];
	s3 =	simm.s32 $0x0  }
0x3: {  	s4 =	srdreg.scid;
	s1 =	stileid.u32;
	s20 =	simm.s32 $0x8080  }
0x4: {  	s21 =	simm.s32 $0x1;
	s22 =	simm.s32 $0x3;
	s23 =	simm.s32 $0x80  }
0x5: {  	s24 =	simm.s32 $0x6;
	s28 =	simm.s32 $0x0;
	s6 =	smul.u32 $0x2780, s1  }
0x6: {  	[smem:$0x7FF] =	sst s3;
	s14 =	sadd.s32 $0x18E4C00, s5;
	s9 =	smul.u32 $0x4F000, s1  }
0x7: {  	s13 =	sand.u32 $0x1, s4;
	s15 =	sadd.s32 $0x520C00, s5;
	s17 =	smul.u32 $0x5000, s1  }
0x8: {  	s4 =	sadd.s32 $0xCE00, s5;
	s25 =	sshll.u32 s1, $0x1;
	s19 =	smul.u32 $0x50000, s1  }
0x9: {  	_ =	strace $0x80000056;
	s7 =	smul.u32 $0x27800, s13;
	s8 =	ssub.s32 $0x2, s13  }
0xa: {  	s18 =	smul.u32 $0x2800, s13;
	s26 =	sshrl.u32 s8, $0x1;
	s9 =	sshrl.u32 s9, $0x2  }
0xb: {  	s6 =	sadd.s32 s6, s7;
	s7 =	sor.u32 s13, s25;
	s12 =	ssub.s32 s8, s26  }
0xc: {  	s16 =	sadd.s32 s9, s2;
	s13 =	smul.u32 $0x28000, s13;
	s17 =	sadd.s32 s18, s17  }
0xd: {  	s25 =	simm.s32 $0x2;
	s26 =	simm.s32 $0x4;
	s10 =	smul.u32 $0x2800, s7  }
0xe: {  	s11 =	sadd.s32 s6, s5;
	s5 =	sshll.u32 s1, $0x6;
	s7 =	smul.u32 $0x28000, s7  }
0xf: {  	s12 =	smax.u32 s12, $0x1;
	s18 =	sor.u32 $0x180, s17;
	s17 =	sor.u32 $0x100, s17  }
0x10: {  	s16 =	sshrl.u32 s16, $0x3;
	s6 =	sor.u32 $0x1C05, s5;
	s11 =	sadd.s32 $0x6F000, s11  }
0x11: {  	s31 =	sshrl.u32 s18, $0x3;
	s17 =	sshrl.u32 s17, $0x3;
	s18 =	simm.s32 $0x8000  }
0x12: {  	s7 =	sadd.s32 s14, s7;
	s29 =	sshrl.u32 s10, $0x3;
	s10 =	sor.u32 $0x80, s10  }
0x13: {  	s8 =	sadd.s32 s15, s29;
	s30 =	sshll.u32 s10, $0x4;
	s10 =	sshrl.u32 s10, $0x3  }
0x14: {  	s9 =	sadd.s32 s14, s30;
	s10 =	sadd.s32 s15, s10;
	s14 =	sadd.s32 s19, s14  }
0x15: {  	s19 =	simm.s32 $0x4000;
	s13 =	sadd.s32 s13, s14;
	s14 =	sadd.s32 s31, s15  }
0x16: {  	s15 =	sadd.s32 s17, s15;
	s17 =	simm.s32 $0x5;
	s13 =	sadd.s32 $0x1800, s13  }
.LBB2_1:
0x17: {  	[spmem:s16], [sflag:s6] =	dma.local [hbm:s4], $0x2780  }
0x18: {  	_ =	swait.ge [sflag:s17], $0x2780  }
0x19: {  	[sflag:s17] =	ssyncset.done $0x0  }
0x1a: {  	[sflag:s17] =	ssyncadd.s32 $0xFFFFD880  }
0x1b: {  	[bflag:$0x0] =	sbarrier.arrive $0xFFFF  }
0x1c: {  	[tilespmem:s3], [sflag:$0x1] =	stream.linear.gather [hbm4b:s7+s3], $0x4000, $0x38;
	[tilespmem:$0x1BD00] =	vst v63  }
0x1d: {  	_ = 	snop  }
0x1e: {  	[tilespmem:s18], [sflag:$0x3] =	stream.linear.gather [hbm4b:s8+s3], $0x80, $0x38;
	[tilespmem:$0x1BD00] =	vst v63  }
0x1f: {  	_ = 	snop  }
0x20: {  	[tilespmem:s19], [sflag:$0x2] =	stream.linear.gather [hbm4b:s9+s3], $0x4000, $0x38;
	[tilespmem:$0x1BD00] =	vst v63  }
0x21: {  	_ = 	snop  }
0x22: {  	[tilespmem:s20], [sflag:$0x4] =	stream.linear.gather [hbm4b:s10+s3], $0x80, $0x38;
	[tilespmem:$0x1BD00] =	vst v63  }
0x23: {  	_ =	swait.ge [sflag:s21], $0x4000  }
0x24: {  	[sflag:s21] =	ssyncset.done $0x0  }
0x25: {  	[sflag:s21] =	ssyncadd.s32 $0xFFFFC000  }
0x26: {  	_ =	swait.ge [sflag:s22], $0x80  }
0x27: {  	[sflag:s22] =	ssyncset.done $0x0  }
0x28: {  	[sflag:s22] =	ssyncadd.s32 $0xFFFFFF80  }
0x29: {  	[spmem:s2] =	stream.indirect.scatter.add.f32 [tilespmem:s3], [sflag:$0x6], $0x80, s18, s23, $0xb8;
	[tilespmem:$0x1BD00] =	vst v63  }
0x2a: {  	_ =	swait.ge [sflag:s24], $0x4000  }
0x2b: {  	[sflag:s24] =	ssyncset.done $0x0  }
0x2c: {  	s29 =	sadd.s32 $0xFFFFF800, s13;
	[sflag:s24] =	ssyncadd.s32 $0xFFFFC000  }
0x2d: {  	[tilespmem:s3], [sflag:$0x1] =	stream.linear.gather [hbm4b:s29+s3], $0x4000, $0x38;
	[tilespmem:$0x1BD00] =	vst v63  }
0x2e: {  	s29 =	sadd.s32 $0x0, s15  }
0x2f: {  	[tilespmem:s18], [sflag:$0x3] =	stream.linear.gather [hbm4b:s29+s3], $0x80, $0x38;
	[tilespmem:$0x1BD00] =	vst v63  }
0x30: {  	_ =	swait.ge [sflag:s25], $0x4000  }
0x31: {  	[sflag:s25] =	ssyncset.done $0x0  }
0x32: {  	[sflag:s25] =	ssyncadd.s32 $0xFFFFC000  }
0x33: {  	_ =	swait.ge [sflag:s26], $0x80  }
0x34: {  	[sflag:s26] =	ssyncset.done $0x0  }
0x35: {  	[sflag:s26] =	ssyncadd.s32 $0xFFFFFF80  }
0x36: {  	[spmem:s2] =	stream.indirect.scatter.add.f32 [tilespmem:s19], [sflag:$0x6], $0x80, s20, s23, $0xb8;
	[tilespmem:$0x1BD00] =	vst v63  }
0x37: {  	_ =	swait.ge [sflag:s24], $0x4000  }
0x38: {  	s31 =	sadd.s32 $0x0, s14;
	[sflag:s24] =	ssyncset.done $0x0  }
0x39: {  	s30 =	sadd.s32 $0x1000, s13;
	s29 =	simm.s32 $0x20;
	[sflag:s24] =	ssyncadd.s32 $0xFFFFC000  }
0x3a: {  	[tilespmem:s19], [sflag:$0x2] =	stream.linear.gather [hbm4b:s13+s3], $0x4000, $0x38;
	[tilespmem:$0x1BD00] =	vst v63  }
.LBB2_2:
0x3b: {  	[tilespmem:s20], [sflag:$0x4] =	stream.linear.gather [hbm4b:s31+s3], $0x80, $0x38;
	[tilespmem:$0x1BD00] =	vst v63  }
0x3c: {  	s31 =	smov.u32 s29  }
0x3d: {  	p0 =	sne.s32 s29, $0x4C0;
	s29 =	sadd.s32 $0x20, s29;
	_ =	swait.ge [sflag:s21], $0x4000  }
0x3e: {  	[sflag:s21] =	ssyncset.done $0x0  }
0x3f: {  	[sflag:s21] =	ssyncadd.s32 $0xFFFFC000  }
0x40: {  	_ =	swait.ge [sflag:s22], $0x80  }
0x41: {  	[sflag:s22] =	ssyncset.done $0x0  }
0x42: {  	[sflag:s22] =	ssyncadd.s32 $0xFFFFFF80  }
0x43: {  	[spmem:s2] =	stream.indirect.scatter.add.f32 [tilespmem:s3], [sflag:$0x6], $0x80, s18, s23, $0xb8;
	[tilespmem:$0x1BD00] =	vst v63  }
0x44: {  	_ =	swait.ge [sflag:s24], $0x4000  }
0x45: {  	[sflag:s24] =	ssyncset.done $0x0  }
0x46: {  	s0 =	sadd.s32 $0xFFFFF800, s30;
	[sflag:s24] =	ssyncadd.s32 $0xFFFFC000  }
0x47: {  	[tilespmem:s3], [sflag:$0x1] =	stream.linear.gather [hbm4b:s0+s3], $0x4000, $0x38;
	[tilespmem:$0x1BD00] =	vst v63  }
0x48: {  	s0 =	sadd.s32 s31, s15  }
0x49: {  	[tilespmem:s18], [sflag:$0x3] =	stream.linear.gather [hbm4b:s0+s3], $0x80, $0x38;
	[tilespmem:$0x1BD00] =	vst v63  }
0x4a: {  	_ =	swait.ge [sflag:s25], $0x4000  }
0x4b: {  	[sflag:s25] =	ssyncset.done $0x0  }
0x4c: {  	[sflag:s25] =	ssyncadd.s32 $0xFFFFC000  }
0x4d: {  	_ =	swait.ge [sflag:s26], $0x80  }
0x4e: {  	[sflag:s26] =	ssyncset.done $0x0  }
0x4f: {  	[sflag:s26] =	ssyncadd.s32 $0xFFFFFF80  }
0x50: {  	[spmem:s2] =	stream.indirect.scatter.add.f32 [tilespmem:s19], [sflag:$0x6], $0x80, s20, s23, $0xb8;
	[tilespmem:$0x1BD00] =	vst v63  }
.Ltmp0:
0x51: {  	_ =	swait.ge [sflag:s24], $0x4000;
	(pc) =	sbr.rel @p0 .LBB2_2-.Ltmp0, $4  }
0x52: {  	[sflag:s24] =	ssyncset.done $0x0  }
0x53: {  	[sflag:s24] =	ssyncadd.s32 $0xFFFFC000  }
0x54: {  	[tilespmem:s19], [sflag:$0x2] =	stream.linear.gather [hbm4b:s30+s3], $0x4000, $0x38;
	[tilespmem:$0x1BD00] =	vst v63  }
0x55: {  	s31 =	sadd.s32 s31, s14;
	s30 =	sadd.s32 $0x1000, s30  }
0x56: {  	[tilespmem:s20], [sflag:$0x4] =	stream.linear.gather [hbm4b:s31+s3], $0x80, $0x38;
	[tilespmem:$0x1BD00] =	vst v63  }
0x57: {  	_ =	swait.ge [sflag:s21], $0x4000  }
0x58: {  	[sflag:s21] =	ssyncset.done $0x0  }
0x59: {  	[sflag:s21] =	ssyncadd.s32 $0xFFFFC000  }
0x5a: {  	_ =	swait.ge [sflag:s22], $0x80  }
0x5b: {  	[sflag:s22] =	ssyncset.done $0x0  }
0x5c: {  	[sflag:s22] =	ssyncadd.s32 $0xFFFFFF80  }
0x5d: {  	[spmem:s2] =	stream.indirect.scatter.add.f32 [tilespmem:s3], [sflag:$0x6], $0x80, s18, s23, $0xb8;
	[tilespmem:$0x1BD00] =	vst v63  }
0x5e: {  	_ =	swait.ge [sflag:s24], $0x4000  }
0x5f: {  	[sflag:s24] =	ssyncset.done $0x0  }
0x60: {  	[sflag:s24] =	ssyncadd.s32 $0xFFFFC000  }
0x61: {  	_ =	swait.ge [sflag:s25], $0x4000  }
0x62: {  	[sflag:s25] =	ssyncset.done $0x0  }
0x63: {  	[sflag:s25] =	ssyncadd.s32 $0xFFFFC000  }
0x64: {  	_ =	swait.ge [sflag:s26], $0x80  }
0x65: {  	[sflag:s26] =	ssyncset.done $0x0  }
0x66: {  	[sflag:s26] =	ssyncadd.s32 $0xFFFFFF80  }
0x67: {  	[spmem:s2] =	stream.indirect.scatter.add.f32 [tilespmem:s19], [sflag:$0x6], $0x80, s20, s23, $0xb8;
	[tilespmem:$0x1BD00] =	vst v63  }
0x68: {  	_ =	swait.ge [sflag:s24], $0x4000  }
0x69: {  	s28 =	sadd.s32 $0x1, s28;
	[sflag:s24] =	ssyncset.done $0x0  }
0x6a: {  	p0 =	sne.s32 s28, s12;
	[sflag:s24] =	ssyncadd.s32 $0xFFFFC000  }
.Ltmp1:
0x6b: {  	s0 =	sor.u32 $0x1C06, s5;
	[bflag:$0x0] =	sbarrier.arrive $0xFFFF;
	(pc) =	sbr.rel @p0 .LBB2_1-.Ltmp1, $4  }
0x6c: {  	[hbm:s11], [sflag:s0] =	dma.local [spmem:s16], $0x2780  }
0x6d: {  	_ =	swait.ge [sflag:s24], $0x2780  }
0x6e: {  	[sflag:s24] =	ssyncset.done $0x0  }
0x6f: {  	[sflag:s24] =	ssyncadd.s32 $0xFFFFD880  }
0x70: {  	_ =	sfence.sel $0x180000  }
0x71: {  	[bflag:$0x0] =	sbarrier.arrive $0xFFFF  }
0x72: {  	_ =	strace $0x90000056  }
0x73: {  	[bflag:$0x2] =	sbarrier.arrive $0xFFFF  }
0x74: {  	p0 =	sne.s32 s1, $0x0;
	s0 =	rddreg [dreg:$0x2]  }
0x75: {  	s0 =	sadd.s32 @!p0 $0x100000, s0  }
0x76: {  	[sflag:s0] =	ssyncadd.tile.s32 @!p0 $0x1;
	_ =	shalt  }
.Lfunc_end2:
_tile_overlayer_lowered:
.L_overlay_start_2:
0x77: {  	(tag) =	ssettag $0x2  }
0x78: {  	s0 =	rddreg [dreg:$0x0];
	s2 =	stileid.u32  }
0x79: {  	s1 =	rddreg [dreg:$0x1];
	p0 =	sne.s32 s2, $0x0  }
0x7a: {  	s3 =	rddreg [dreg:$0x2];
	[bflag:$0x3] =	sbarrier.arrive $0xFFFF;
	s2 =	simm.s32 @!p0 $0x1C06  }
0x7b: {  	[timem:s3], [sflag:s2] =	dma.local @!p0 [hbm:s0], s1  }
0x7c: {  	s0 =	simm.s32 @!p0 $0x6  }
0x7d: {  	_ =	swait.ge @!p0 [sflag:s0], s1  }
0x7e: {  	s1 =	ssub.s32 @!p0 $0x0, s1;
	[sflag:s0] =	ssyncset.done @!p0 $0x0  }
0x7f: {  	[sflag:s0] =	ssyncadd.s32 @!p0 s1  }
0x80: {  	[bflag:$0x3] =	sbarrier.arrive $0xFFFF  }
0x81: {  	_ =	shalt  }

</sc_bundles>
